<compile_context>
chip_gen: v7x
topology: tpu7x:2x2x1
jax: 0.10.2.dev20260603
libtpu: 0.0.44.dev20260713+nightly
codegen_flags: <defaults>
</compile_context>

<pallas_src>
import functools

import jax
import jax.numpy as jnp
from jax import lax
from jax.experimental import pallas as pl
from jax.experimental.pallas import tpu as pltpu
from jax.experimental.pallas import tpu_sc as plsc

_LANES = 16
_CHUNK = 128


def _sqrt_newton(x):
    i = lax.bitcast_convert_type(x, jnp.int32)
    i = jnp.int32(0x5F3759DF) - lax.shift_right_logical(i, 1)
    y = lax.bitcast_convert_type(i, jnp.float32)
    for _ in range(3):
        y = y * (jnp.float32(1.5) - jnp.float32(0.5) * x * y * y)
    return x * y


def _build_sc_kernel(N, L, D1, MAXPOS, rows_per_w, nc):
    mesh = plsc.VectorSubcoreMesh(core_axis_name="c", subcore_axis_name="s")
    n_chunks = rows_per_w // _CHUNK
    n_pairs = n_chunks // 2
    D = D1 - 1

    @functools.partial(
        pl.kernel,
        mesh=mesh,
        compiler_params=pltpu.CompilerParams(
            needs_layout_passes=False, use_tc_tiling_on_sc=False
        ),
        out_type=jax.ShapeDtypeStruct((N, D1), jnp.float32),
        scratch_types=[
            pltpu.VMEM((rows_per_w,), jnp.int32),
            pltpu.VMEM((_CHUNK, D), jnp.float32),
            pltpu.VMEM((_CHUNK, D), jnp.float32),
            pltpu.VMEM((_CHUNK, D1), jnp.float32),
            pltpu.VMEM((_CHUNK, D1), jnp.float32),
            pltpu.VMEM((MAXPOS, D), jnp.float32),
            pltpu.SemaphoreType.DMA,
            pltpu.SemaphoreType.DMA,
            pltpu.SemaphoreType.DMA,
            pltpu.SemaphoreType.DMA,
        ],
    )
    def sc_embed(ids_hbm, tok_hbm, pos_hbm, out_hbm,
                 idx_all, row0_v, row1_v, out0_v, out1_v, pos_v,
                 gsem0, gsem1, osem0, osem1):
        wid = lax.axis_index("s") * nc + lax.axis_index("c")
        base = wid * rows_per_w
        pltpu.sync_copy(pos_hbm, pos_v)
        pltpu.sync_copy(ids_hbm.at[pl.ds(base, rows_per_w)], idx_all)
        lanes = lax.iota(jnp.int32, _LANES)
        zeros_i = jnp.zeros((_LANES,), jnp.int32)
        rows = (row0_v, row1_v)
        outs = (out0_v, out1_v)
        gsems = (gsem0, gsem1)
        osems = (osem0, osem1)

        def gather_start(b, g):
            pltpu.make_async_copy(
                tok_hbm.at[idx_all.at[pl.ds(g * _CHUNK, _CHUNK)]],
                rows[b], gsems[b]).start()

        def gather_wait(b):
            pltpu.make_async_copy(
                tok_hbm.at[idx_all.at[pl.ds(0, _CHUNK)]],
                rows[b], gsems[b]).wait()

        def out_start(b, g):
            pltpu.make_async_copy(
                outs[b], out_hbm.at[pl.ds(base + g * _CHUNK, _CHUNK)],
                osems[b]).start()

        def out_wait(b):
            pltpu.make_async_copy(
                outs[b], out_hbm.at[pl.ds(base, _CHUNK)], osems[b]).wait()

        def compute(b, g):
            row0 = base + g * _CHUNK

            def grp_body(q, c2):
                rvec = q * _LANES + lanes
                pvec = lax.rem(row0 + rvec, L)
                accs = [None, None, None, None]
                for j in range(D):
                    colv = (lanes + j) & (D - 1)
                    cp1 = colv + 1
                    tv = plsc.load_gather(rows[b], [rvec, colv])
                    pv = plsc.load_gather(pos_v, [pvec, colv])
                    sp = tv + pv
                    plsc.store_scatter(outs[b], [rvec, cp1], sp)
                    sq = sp * sp
                    k = j % 4
                    accs[k] = sq if accs[k] is None else accs[k] + sq
                acc = (accs[0] + accs[1]) + (accs[2] + accs[3])
                t = _sqrt_newton(acc + jnp.float32(1.0))
                plsc.store_scatter(outs[b], [rvec, zeros_i], t)
                return c2

            lax.fori_loop(0, _CHUNK // _LANES, grp_body, 0)

        gather_start(0, 0)

        def pair_body(h, carry):
            for b in (0, 1):
                g = 2 * h + b

                @pl.when(g + 1 < n_chunks)
                def _():
                    gather_start(1 - b, g + 1)

                gather_wait(b)

                @pl.when(g >= 2)
                def _():
                    out_wait(b)

                compute(b, g)
                out_start(b, g)
            return carry

        lax.fori_loop(0, n_pairs, pair_body, 0)
        out_wait(0)
        out_wait(1)

    return sc_embed


def kernel(input_ids, token_table, position_table):
    B, L = input_ids.shape
    D1 = token_table.shape[-1]
    N = B * L
    info = plsc.get_sparse_core_info()
    nw = info.num_cores * info.num_subcores
    rows_per_w = N // nw
    ids = input_ids.reshape(N).astype(jnp.int32)
    tok_sp = token_table[:, 1:]
    pos_sp = position_table[:, 1:]
    sc_embed = _build_sc_kernel(
        N, L, D1, position_table.shape[0], rows_per_w, info.num_cores
    )
    out = sc_embed(ids, tok_sp, pos_sp)
    return out.reshape(B, L, D1)

# --- scband reference (transcript-rebuilt; emitter-appended) ---
"""Pipeline reference for scband-hyp-cliptext-embeddings-35278861369449 (READ-ONLY COPY).

The authoritative reference and input builder live on the scoring server;
editing this copy changes nothing except your own understanding.
"""

import jax, jax.numpy as jnp
import numpy as np

VOCAB = 100000
EMBED = 64  # hidden_size; Lorentz tables have EMBED+1 dims
MAXPOS = 256
B = 4096
L = 200
CURV = 1.0


def _add_time(space, k=CURV):
    # CustomLorentz.add_time: time component t = sqrt(1/k + ||x_space||^2)
    time = jnp.sqrt(1.0 / k + jnp.sum(space * space, axis=-1, keepdims=True))
    return jnp.concatenate([time, space], axis=-1)


def setup_inputs(seed: int = 0) -> dict:
    key = jax.random.key(seed)
    k1, k2, k3 = jax.random.split(key, 3)
    input_ids = jax.random.randint(k1, (B, L), 0, VOCAB, dtype=jnp.int64 if jax.config.jax_enable_x64 else jnp.int32)
    token_table = jax.random.normal(k2, (VOCAB, EMBED + 1), dtype=jnp.float32) * 0.02
    position_table = jax.random.normal(k3, (MAXPOS, EMBED + 1), dtype=jnp.float32) * 0.02
    return {"input_ids": input_ids, "token_table": token_table, "position_table": position_table}


def reference(input_ids, token_table, position_table):
    seq_length = input_ids.shape[-1]
    # position_ids buffer: arange(max_position_embeddings)[None, :seq_length]
    position_ids = jnp.arange(seq_length)[None, :]
    # LorentzEmbedding lookup = plain gather from the table of manifold points
    inputs_embeds = jnp.take(token_table, input_ids, axis=0)          # [B, L, D+1]
    position_embeddings = jnp.take(position_table, position_ids, axis=0)  # [1, L, D+1]
    d = position_embeddings.shape[-1] - 1
    # narrow(-1, 1, D): take spatial components and add in tangent-like fashion
    space = inputs_embeds[..., 1:1 + d] + position_embeddings[..., 1:1 + d]
    # re-project onto the hyperboloid by recomputing the time component
    out = _add_time(space)
    return out

if __name__ == "__main__":
    import jax
    _d = setup_inputs()
    print(jax.jit(kernel)(*tuple(_d.values())))

</pallas_src>

<mosaic_0001>
#map = affine_map<(d0, d1) -> (0)>
#map1 = affine_map<(d0, d1) -> (0, 0)>
module attributes {stable_mosaic.version = 14 : i64} {
  func.func @sc_embed(%arg0: i32, %arg1: i32, %arg2: memref<819200xi32, #tpu.memory_space<hbm>>, %arg3: memref<100000x64xf32, #tpu.memory_space<hbm>>, %arg4: memref<256x64xf32, #tpu.memory_space<hbm>>, %arg5: memref<819200x65xf32, #tpu.memory_space<hbm>>, %arg6: memref<25600xi32, #tpu.memory_space<vmem>>, %arg7: memref<128x64xf32, #tpu.memory_space<vmem>>, %arg8: memref<128x64xf32, #tpu.memory_space<vmem>>, %arg9: memref<128x65xf32, #tpu.memory_space<vmem>>, %arg10: memref<128x65xf32, #tpu.memory_space<vmem>>, %arg11: memref<256x64xf32, #tpu.memory_space<vmem>>, %arg12: memref<!tpu.dma_semaphore, #tpu.memory_space<semaphore_mem>>, %arg13: memref<!tpu.dma_semaphore, #tpu.memory_space<semaphore_mem>>, %arg14: memref<!tpu.dma_semaphore, #tpu.memory_space<semaphore_mem>>, %arg15: memref<!tpu.dma_semaphore, #tpu.memory_space<semaphore_mem>>) attributes {dimension_semantics = [#tpu.dimension_semantics<core_parallel>, #tpu.dimension_semantics<subcore_parallel>], iteration_bounds = array<i64: 2, 16>, scalar_prefetch = 0 : i64, scratch_operands = 10 : i64, tpu.core_type = #tpu.core_type<sc_vector_subcore>, window_params = [{transform_indices = #map}, {transform_indices = #map1}, {transform_indices = #map1}, {transform_indices = #map1}]} {
    %mul3A = arith.constant 2 : i32
    %mul3A_0 = arith.muli %arg1, %mul3A : i32
    %add3A = arith.addi %mul3A_0, %arg0 : i32
    %mul3A_1 = arith.constant 25600 : i32
    %mul3A_2 = arith.muli %add3A, %mul3A_1 : i32
    "tpu.region"() ({
      %run_scoped3A = tpu.sem_alloc : memref<!tpu.dma_semaphore, #tpu.memory_space<semaphore_mem>>
      tpu.enqueue_dma source(%arg4 : memref<256x64xf32, #tpu.memory_space<hbm>>) target(%arg11 : memref<256x64xf32, #tpu.memory_space<vmem>>) target_semaphore(%run_scoped3A : memref<!tpu.dma_semaphore, #tpu.memory_space<semaphore_mem>>)
      tpu.wait_dma2 semaphore(%run_scoped3A : memref<!tpu.dma_semaphore, #tpu.memory_space<semaphore_mem>>) src(%arg4 : memref<256x64xf32, #tpu.memory_space<hbm>>) dst(%arg11 : memref<256x64xf32, #tpu.memory_space<vmem>>)
      tpu.yield
    }) : () -> ()
    "tpu.region"() ({
      %run_scoped3A = tpu.sem_alloc : memref<!tpu.dma_semaphore, #tpu.memory_space<semaphore_mem>>
      %dma_start3A_20 = tpu.memref_slice %arg2[%mul3A_2] : memref<819200xi32, #tpu.memory_space<hbm>> -> memref<25600xi32, #tpu.memory_space<hbm>>
      %dma_start3A_21 = tpu.memref_slice %arg2[%mul3A_2] : memref<819200xi32, #tpu.memory_space<hbm>> -> memref<25600xi32, #tpu.memory_space<hbm>>
      tpu.enqueue_dma source(%dma_start3A_21 : memref<25600xi32, #tpu.memory_space<hbm>>) target(%arg6 : memref<25600xi32, #tpu.memory_space<vmem>>) target_semaphore(%run_scoped3A : memref<!tpu.dma_semaphore, #tpu.memory_space<semaphore_mem>>)
      %dma_wait3A_22 = tpu.memref_slice %arg2[%mul3A_2] : memref<819200xi32, #tpu.memory_space<hbm>> -> memref<25600xi32, #tpu.memory_space<hbm>>
      %dma_wait3A_23 = tpu.memref_slice %arg2[%mul3A_2] : memref<819200xi32, #tpu.memory_space<hbm>> -> memref<25600xi32, #tpu.memory_space<hbm>>
      tpu.wait_dma2 semaphore(%run_scoped3A : memref<!tpu.dma_semaphore, #tpu.memory_space<semaphore_mem>>) src(%dma_wait3A_23 : memref<25600xi32, #tpu.memory_space<hbm>>) dst(%arg6 : memref<25600xi32, #tpu.memory_space<vmem>>)
      tpu.yield
    }) : () -> ()
    %iota3A = tpu.iota {dimensions = array<i32: 0>} : vector<16xi32>
    %broadcast_in_dim3A = arith.constant 0 : i32
    %broadcast_in_dim3A_3 = vector.broadcast %broadcast_in_dim3A : i32 to vector<16xi32>
    %dma_start3A = arith.constant 0 : i32
    %dma_start3A_4 = tpu.memref_slice %arg6[%dma_start3A] : memref<25600xi32, #tpu.memory_space<vmem>> -> memref<128xi32, #tpu.memory_space<vmem>>
    %dma_start3A_5 = arith.constant 0 : i32
    %dma_start3A_6 = arith.constant 0 : i32
    %dma_start3A_7 = tpu.memref_slice %arg3[%dma_start3A_5, %dma_start3A_6] : memref<100000x64xf32, #tpu.memory_space<hbm>> -> memref<100000x64xf32, #tpu.memory_space<hbm>>
    tpu.enqueue_indirect_dma source(%dma_start3A_7 : memref<100000x64xf32, #tpu.memory_space<hbm>>) target(%arg7 : memref<128x64xf32, #tpu.memory_space<vmem>>) offsets(%dma_start3A_4 : memref<128xi32, #tpu.memory_space<vmem>>) semaphore(%arg12 : memref<!tpu.dma_semaphore, #tpu.memory_space<semaphore_mem>>)
    %scan3A = arith.constant 0 : i32
    %scan3A_8 = arith.constant 0 : i32
    %scan3A_9 = arith.constant 100 : i32
    %scan3A_10 = arith.addi %scan3A_8, %scan3A_9 : i32
    %scan3A_11 = arith.constant 1 : i32
    scf.for %scan3A_20 = %scan3A_8 to %scan3A_10 step %scan3A_11  : i32 {
      %mul3A_21 = arith.constant 2 : i32
      %mul3A_22 = arith.muli %mul3A_21, %scan3A_20 : i32
      %add3A_23 = arith.constant 0 : i32
      %add3A_24 = arith.addi %mul3A_22, %add3A_23 : i32
      %add3A_25 = arith.constant 1 : i32
      %add3A_26 = arith.addi %add3A_24, %add3A_25 : i32
      %lt3A = arith.constant 200 : i32
      %lt3A_27 = arith.cmpi slt, %add3A_26, %lt3A : i32
      %convert_element_type3A = arith.extui %lt3A_27 : i1 to i32
      %cond3A = arith.constant 0 : i32
      %cond3A_28 = arith.cmpi ne, %convert_element_type3A, %cond3A : i32
      scf.if %cond3A_28 {
        %add3A_91 = arith.constant 1 : i32
        %add3A_92 = arith.addi %add3A_24, %add3A_91 : i32
        %mul3A_93 = arith.constant 128 : i32
        %mul3A_94 = arith.muli %add3A_92, %mul3A_93 : i32
        %dma_start3A_95 = tpu.memref_slice %arg6[%mul3A_94] : memref<25600xi32, #tpu.memory_space<vmem>> -> memref<128xi32, #tpu.memory_space<vmem>>
        %dma_start3A_96 = arith.constant 0 : i32
        %dma_start3A_97 = arith.constant 0 : i32
        %dma_start3A_98 = tpu.memref_slice %arg3[%dma_start3A_96, %dma_start3A_97] : memref<100000x64xf32, #tpu.memory_space<hbm>> -> memref<100000x64xf32, #tpu.memory_space<hbm>>
        tpu.enqueue_indirect_dma source(%dma_start3A_98 : memref<100000x64xf32, #tpu.memory_space<hbm>>) target(%arg8 : memref<128x64xf32, #tpu.memory_space<vmem>>) offsets(%dma_start3A_95 : memref<128xi32, #tpu.memory_space<vmem>>) semaphore(%arg13 : memref<!tpu.dma_semaphore, #tpu.memory_space<semaphore_mem>>)
      } else {
      }
      %dma_wait3A_29 = arith.constant 0 : i32
      %dma_wait3A_30 = tpu.memref_slice %arg6[%dma_wait3A_29] : memref<25600xi32, #tpu.memory_space<vmem>> -> memref<128xi32, #tpu.memory_space<vmem>>
      %dma_wait3A_31 = arith.constant 0 : i32
      %dma_wait3A_32 = arith.constant 0 : i32
      %dma_wait3A_33 = tpu.memref_slice %arg3[%dma_wait3A_31, %dma_wait3A_32] : memref<100000x64xf32, #tpu.memory_space<hbm>> -> memref<100000x64xf32, #tpu.memory_space<hbm>>
      tpu.wait_indirect_dma semaphore(%arg12 : memref<!tpu.dma_semaphore, #tpu.memory_space<semaphore_mem>>) src(%dma_wait3A_33 : memref<100000x64xf32, #tpu.memory_space<hbm>>) dst(%arg7 : memref<128x64xf32, #tpu.memory_space<vmem>>)
      %ge3A = arith.constant 2 : i32
      %ge3A_34 = arith.cmpi sge, %add3A_24, %ge3A : i32
      %convert_element_type3A_35 = arith.extui %ge3A_34 : i1 to i32
      %cond3A_36 = arith.constant 0 : i32
      %cond3A_37 = arith.cmpi ne, %convert_element_type3A_35, %cond3A_36 : i32
      scf.if %cond3A_37 {
        %dma_wait3A_91 = arith.constant 0 : i32
        %dma_wait3A_92 = tpu.memref_slice %arg5[%mul3A_2, %dma_wait3A_91] : memref<819200x65xf32, #tpu.memory_space<hbm>> -> memref<128x65xf32, #tpu.memory_space<hbm>>
        %dma_wait3A_93 = arith.constant 0 : i32
        %dma_wait3A_94 = tpu.memref_slice %arg5[%mul3A_2, %dma_wait3A_93] : memref<819200x65xf32, #tpu.memory_space<hbm>> -> memref<128x65xf32, #tpu.memory_space<hbm>>
        tpu.wait_dma2 semaphore(%arg14 : memref<!tpu.dma_semaphore, #tpu.memory_space<semaphore_mem>>) src(%arg9 : memref<128x65xf32, #tpu.memory_space<vmem>>) dst(%dma_wait3A_94 : memref<128x65xf32, #tpu.memory_space<hbm>>)
      } else {
      }
      %mul3A_38 = arith.constant 128 : i32
      %mul3A_39 = arith.muli %add3A_24, %mul3A_38 : i32
      %add3A_40 = arith.addi %mul3A_2, %mul3A_39 : i32
      %scan3A_41 = arith.constant 0 : i32
      %scan3A_42 = arith.constant 0 : i32
      %scan3A_43 = arith.constant 8 : i32
      %scan3A_44 = arith.addi %scan3A_42, %scan3A_43 : i32
      %scan3A_45 = arith.constant 1 : i32
      scf.for %scan3A_91 = %scan3A_42 to %scan3A_44 step %scan3A_45  : i32 {
        %mul3A_92 = arith.constant 16 : i32
        %mul3A_93 = arith.muli %scan3A_91, %mul3A_92 : i32
        %add3A_94 = vector.broadcast %mul3A_93 : i32 to vector<16xi32>
        %add3A_95 = arith.addi %add3A_94, %iota3A : vector<16xi32>
        %add3A_96 = vector.broadcast %add3A_40 : i32 to vector<16xi32>
        %add3A_97 = arith.addi %add3A_96, %add3A_95 : vector<16xi32>
        %rem3A = arith.constant 200 : i32
        %rem3A_98 = vector.broadcast %rem3A : i32 to vector<16xi32>
        %rem3A_99 = arith.remsi %add3A_97, %rem3A_98 : vector<16xi32>
        %add3A_100 = arith.constant 0 : i32
        %add3A_101 = vector.broadcast %add3A_100 : i32 to vector<16xi32>
        %add3A_102 = arith.addi %iota3A, %add3A_101 : vector<16xi32>
        %and3A = arith.constant 63 : i32
        %and3A_103 = vector.broadcast %and3A : i32 to vector<16xi32>
        %and3A_104 = arith.andi %add3A_102, %and3A_103 : vector<16xi32>
        %add3A_105 = arith.constant 1 : i32
        %add3A_106 = vector.broadcast %add3A_105 : i32 to vector<16xi32>
        %add3A_107 = arith.addi %and3A_104, %add3A_106 : vector<16xi32>
        %gather3A = tpu.vector_load_idx %arg7[%add3A_95, %and3A_104] : memref<128x64xf32, #tpu.memory_space<vmem>>[vector<16xi32>, vector<16xi32>], vector<16xf32>,
        %gather3A_108 = tpu.vector_load_idx %arg11[%rem3A_99, %and3A_104] : memref<256x64xf32, #tpu.memory_space<vmem>>[vector<16xi32>, vector<16xi32>], vector<16xf32>,
        %add3A_109 = arith.addf %gather3A, %gather3A_108 : vector<16xf32>
        tpu.vector_store_idx %arg9[%add3A_95, %add3A_107], %add3A_109 : memref<128x65xf32, #tpu.memory_space<vmem>>[vector<16xi32>, vector<16xi32>], vector<16xf32>,
        %mul3A_110 = arith.mulf %add3A_109, %add3A_109 : vector<16xf32>
        %add3A_111 = arith.constant 1 : i32
        %add3A_112 = vector.broadcast %add3A_111 : i32 to vector<16xi32>
        %add3A_113 = arith.addi %iota3A, %add3A_112 : vector<16xi32>
        %and3A_114 = arith.constant 63 : i32
        %and3A_115 = vector.broadcast %and3A_114 : i32 to vector<16xi32>
        %and3A_116 = arith.andi %add3A_113, %and3A_115 : vector<16xi32>
        %add3A_117 = arith.constant 1 : i32
        %add3A_118 = vector.broadcast %add3A_117 : i32 to vector<16xi32>
        %add3A_119 = arith.addi %and3A_116, %add3A_118 : vector<16xi32>
        %gather3A_120 = tpu.vector_load_idx %arg7[%add3A_95, %and3A_116] : memref<128x64xf32, #tpu.memory_space<vmem>>[vector<16xi32>, vector<16xi32>], vector<16xf32>,
        %gather3A_121 = tpu.vector_load_idx %arg11[%rem3A_99, %and3A_116] : memref<256x64xf32, #tpu.memory_space<vmem>>[vector<16xi32>, vector<16xi32>], vector<16xf32>,
        %add3A_122 = arith.addf %gather3A_120, %gather3A_121 : vector<16xf32>
        tpu.vector_store_idx %arg9[%add3A_95, %add3A_119], %add3A_122 : memref<128x65xf32, #tpu.memory_space<vmem>>[vector<16xi32>, vector<16xi32>], vector<16xf32>,
        %mul3A_123 = arith.mulf %add3A_122, %add3A_122 : vector<16xf32>
        %add3A_124 = arith.constant 2 : i32
        %add3A_125 = vector.broadcast %add3A_124 : i32 to vector<16xi32>
        %add3A_126 = arith.addi %iota3A, %add3A_125 : vector<16xi32>
        %and3A_127 = arith.constant 63 : i32
        %and3A_128 = vector.broadcast %and3A_127 : i32 to vector<16xi32>
        %and3A_129 = arith.andi %add3A_126, %and3A_128 : vector<16xi32>
        %add3A_130 = arith.constant 1 : i32
        %add3A_131 = vector.broadcast %add3A_130 : i32 to vector<16xi32>
        %add3A_132 = arith.addi %and3A_129, %add3A_131 : vector<16xi32>
        %gather3A_133 = tpu.vector_load_idx %arg7[%add3A_95, %and3A_129] : memref<128x64xf32, #tpu.memory_space<vmem>>[vector<16xi32>, vector<16xi32>], vector<16xf32>,
        %gather3A_134 = tpu.vector_load_idx %arg11[%rem3A_99, %and3A_129] : memref<256x64xf32, #tpu.memory_space<vmem>>[vector<16xi32>, vector<16xi32>], vector<16xf32>,
        %add3A_135 = arith.addf %gather3A_133, %gather3A_134 : vector<16xf32>
        tpu.vector_store_idx %arg9[%add3A_95, %add3A_132], %add3A_135 : memref<128x65xf32, #tpu.memory_space<vmem>>[vector<16xi32>, vector<16xi32>], vector<16xf32>,
        %mul3A_136 = arith.mulf %add3A_135, %add3A_135 : vector<16xf32>
        %add3A_137 = arith.constant 3 : i32
        %add3A_138 = vector.broadcast %add3A_137 : i32 to vector<16xi32>
        %add3A_139 = arith.addi %iota3A, %add3A_138 : vector<16xi32>
        %and3A_140 = arith.constant 63 : i32
        %and3A_141 = vector.broadcast %and3A_140 : i32 to vector<16xi32>
        %and3A_142 = arith.andi %add3A_139, %and3A_141 : vector<16xi32>
        %add3A_143 = arith.constant 1 : i32
        %add3A_144 = vector.broadcast %add3A_143 : i32 to vector<16xi32>
        %add3A_145 = arith.addi %and3A_142, %add3A_144 : vector<16xi32>
        %gather3A_146 = tpu.vector_load_idx %arg7[%add3A_95, %and3A_142] : memref<128x64xf32, #tpu.memory_space<vmem>>[vector<16xi32>, vector<16xi32>], vector<16xf32>,
        %gather3A_147 = tpu.vector_load_idx %arg11[%rem3A_99, %and3A_142] : memref<256x64xf32, #tpu.memory_space<vmem>>[vector<16xi32>, vector<16xi32>], vector<16xf32>,
        %add3A_148 = arith.addf %gather3A_146, %gather3A_147 : vector<16xf32>
        tpu.vector_store_idx %arg9[%add3A_95, %add3A_145], %add3A_148 : memref<128x65xf32, #tpu.memory_space<vmem>>[vector<16xi32>, vector<16xi32>], vector<16xf32>,
        %mul3A_149 = arith.mulf %add3A_148, %add3A_148 : vector<16xf32>
        %add3A_150 = arith.constant 4 : i32
        %add3A_151 = vector.broadcast %add3A_150 : i32 to vector<16xi32>
        %add3A_152 = arith.addi %iota3A, %add3A_151 : vector<16xi32>
        %and3A_153 = arith.constant 63 : i32
        %and3A_154 = vector.broadcast %and3A_153 : i32 to vector<16xi32>
        %and3A_155 = arith.andi %add3A_152, %and3A_154 : vector<16xi32>
        %add3A_156 = arith.constant 1 : i32
        %add3A_157 = vector.broadcast %add3A_156 : i32 to vector<16xi32>
        %add3A_158 = arith.addi %and3A_155, %add3A_157 : vector<16xi32>
        %gather3A_159 = tpu.vector_load_idx %arg7[%add3A_95, %and3A_155] : memref<128x64xf32, #tpu.memory_space<vmem>>[vector<16xi32>, vector<16xi32>], vector<16xf32>,
        %gather3A_160 = tpu.vector_load_idx %arg11[%rem3A_99, %and3A_155] : memref<256x64xf32, #tpu.memory_space<vmem>>[vector<16xi32>, vector<16xi32>], vector<16xf32>,
        %add3A_161 = arith.addf %gather3A_159, %gather3A_160 : vector<16xf32>
        tpu.vector_store_idx %arg9[%add3A_95, %add3A_158], %add3A_161 : memref<128x65xf32, #tpu.memory_space<vmem>>[vector<16xi32>, vector<16xi32>], vector<16xf32>,
        %mul3A_162 = arith.mulf %add3A_161, %add3A_161 : vector<16xf32>
        %add3A_163 = arith.addf %mul3A_110, %mul3A_162 : vector<16xf32>
        %add3A_164 = arith.constant 5 : i32
        %add3A_165 = vector.broadcast %add3A_164 : i32 to vector<16xi32>
        %add3A_166 = arith.addi %iota3A, %add3A_165 : vector<16xi32>
        %and3A_167 = arith.constant 63 : i32
        %and3A_168 = vector.broadcast %and3A_167 : i32 to vector<16xi32>
        %and3A_169 = arith.andi %add3A_166, %and3A_168 : vector<16xi32>
        %add3A_170 = arith.constant 1 : i32
        %add3A_171 = vector.broadcast %add3A_170 : i32 to vector<16xi32>
        %add3A_172 = arith.addi %and3A_169, %add3A_171 : vector<16xi32>
        %gather3A_173 = tpu.vector_load_idx %arg7[%add3A_95, %and3A_169] : memref<128x64xf32, #tpu.memory_space<vmem>>[vector<16xi32>, vector<16xi32>], vector<16xf32>,
        %gather3A_174 = tpu.vector_load_idx %arg11[%rem3A_99, %and3A_169] : memref<256x64xf32, #tpu.memory_space<vmem>>[vector<16xi32>, vector<16xi32>], vector<16xf32>,
        %add3A_175 = arith.addf %gather3A_173, %gather3A_174 : vector<16xf32>
        tpu.vector_store_idx %arg9[%add3A_95, %add3A_172], %add3A_175 : memref<128x65xf32, #tpu.memory_space<vmem>>[vector<16xi32>, vector<16xi32>], vector<16xf32>,
        %mul3A_176 = arith.mulf %add3A_175, %add3A_175 : vector<16xf32>
        %add3A_177 = arith.addf %mul3A_123, %mul3A_176 : vector<16xf32>
        %add3A_178 = arith.constant 6 : i32
        %add3A_179 = vector.broadcast %add3A_178 : i32 to vector<16xi32>
        %add3A_180 = arith.addi %iota3A, %add3A_179 : vector<16xi32>
        %and3A_181 = arith.constant 63 : i32
        %and3A_182 = vector.broadcast %and3A_181 : i32 to vector<16xi32>
        %and3A_183 = arith.andi %add3A_180, %and3A_182 : vector<16xi32>
        %add3A_184 = arith.constant 1 : i32
        %add3A_185 = vector.broadcast %add3A_184 : i32 to vector<16xi32>
        %add3A_186 = arith.addi %and3A_183, %add3A_185 : vector<16xi32>
        %gather3A_187 = tpu.vector_load_idx %arg7[%add3A_95, %and3A_183] : memref<128x64xf32, #tpu.memory_space<vmem>>[vector<16xi32>, vector<16xi32>], vector<16xf32>,
        %gather3A_188 = tpu.vector_load_idx %arg11[%rem3A_99, %and3A_183] : memref<256x64xf32, #tpu.memory_space<vmem>>[vector<16xi32>, vector<16xi32>], vector<16xf32>,
        %add3A_189 = arith.addf %gather3A_187, %gather3A_188 : vector<16xf32>
        tpu.vector_store_idx %arg9[%add3A_95, %add3A_186], %add3A_189 : memref<128x65xf32, #tpu.memory_space<vmem>>[vector<16xi32>, vector<16xi32>], vector<16xf32>,
        %mul3A_190 = arith.mulf %add3A_189, %add3A_189 : vector<16xf32>
        %add3A_191 = arith.addf %mul3A_136, %mul3A_190 : vector<16xf32>
        %add3A_192 = arith.constant 7 : i32
        %add3A_193 = vector.broadcast %add3A_192 : i32 to vector<16xi32>
        %add3A_194 = arith.addi %iota3A, %add3A_193 : vector<16xi32>
        %and3A_195 = arith.constant 63 : i32
        %and3A_196 = vector.broadcast %and3A_195 : i32 to vector<16xi32>
        %and3A_197 = arith.andi %add3A_194, %and3A_196 : vector<16xi32>
        %add3A_198 = arith.constant 1 : i32
        %add3A_199 = vector.broadcast %add3A_198 : i32 to vector<16xi32>
        %add3A_200 = arith.addi %and3A_197, %add3A_199 : vector<16xi32>
        %gather3A_201 = tpu.vector_load_idx %arg7[%add3A_95, %and3A_197] : memref<128x64xf32, #tpu.memory_space<vmem>>[vector<16xi32>, vector<16xi32>], vector<16xf32>,
        %gather3A_202 = tpu.vector_load_idx %arg11[%rem3A_99, %and3A_197] : memref<256x64xf32, #tpu.memory_space<vmem>>[vector<16xi32>, vector<16xi32>], vector<16xf32>,
        %add3A_203 = arith.addf %gather3A_201, %gather3A_202 : vector<16xf32>
        tpu.vector_store_idx %arg9[%add3A_95, %add3A_200], %add3A_203 : memref<128x65xf32, #tpu.memory_space<vmem>>[vector<16xi32>, vector<16xi32>], vector<16xf32>,
        %mul3A_204 = arith.mulf %add3A_203, %add3A_203 : vector<16xf32>
        %add3A_205 = arith.addf %mul3A_149, %mul3A_204 : vector<16xf32>
        %add3A_206 = arith.constant 8 : i32
        %add3A_207 = vector.broadcast %add3A_206 : i32 to vector<16xi32>
        %add3A_208 = arith.addi %iota3A, %add3A_207 : vector<16xi32>
        %and3A_209 = arith.constant 63 : i32
        %and3A_210 = vector.broadcast %and3A_209 : i32 to vector<16xi32>
        %and3A_211 = arith.andi %add3A_208, %and3A_210 : vector<16xi32>
        %add3A_212 = arith.constant 1 : i32
        %add3A_213 = vector.broadcast %add3A_212 : i32 to vector<16xi32>
        %add3A_214 = arith.addi %and3A_211, %add3A_213 : vector<16xi32>
        %gather3A_215 = tpu.vector_load_idx %arg7[%add3A_95, %and3A_211] : memref<128x64xf32, #tpu.memory_space<vmem>>[vector<16xi32>, vector<16xi32>], vector<16xf32>,
        %gather3A_216 = tpu.vector_load_idx %arg11[%rem3A_99, %and3A_211] : memref<256x64xf32, #tpu.memory_space<vmem>>[vector<16xi32>, vector<16xi32>], vector<16xf32>,
        %add3A_217 = arith.addf %gather3A_215, %gather3A_216 : vector<16xf32>
        tpu.vector_store_idx %arg9[%add3A_95, %add3A_214], %add3A_217 : memref<128x65xf32, #tpu.memory_space<vmem>>[vector<16xi32>, vector<16xi32>], vector<16xf32>,
        %mul3A_218 = arith.mulf %add3A_217, %add3A_217 : vector<16xf32>
        %add3A_219 = arith.addf %add3A_163, %mul3A_218 : vector<16xf32>
        %add3A_220 = arith.constant 9 : i32
        %add3A_221 = vector.broadcast %add3A_220 : i32 to vector<16xi32>
        %add3A_222 = arith.addi %iota3A, %add3A_221 : vector<16xi32>
        %and3A_223 = arith.constant 63 : i32
        %and3A_224 = vector.broadcast %and3A_223 : i32 to vector<16xi32>
        %and3A_225 = arith.andi %add3A_222, %and3A_224 : vector<16xi32>
        %add3A_226 = arith.constant 1 : i32
        %add3A_227 = vector.broadcast %add3A_226 : i32 to vector<16xi32>
        %add3A_228 = arith.addi %and3A_225, %add3A_227 : vector<16xi32>
        %gather3A_229 = tpu.vector_load_idx %arg7[%add3A_95, %and3A_225] : memref<128x64xf32, #tpu.memory_space<vmem>>[vector<16xi32>, vector<16xi32>], vector<16xf32>,
        %gather3A_230 = tpu.vector_load_idx %arg11[%rem3A_99, %and3A_225] : memref<256x64xf32, #tpu.memory_space<vmem>>[vector<16xi32>, vector<16xi32>], vector<16xf32>,
        %add3A_231 = arith.addf %gather3A_229, %gather3A_230 : vector<16xf32>
        tpu.vector_store_idx %arg9[%add3A_95, %add3A_228], %add3A_231 : memref<128x65xf32, #tpu.memory_space<vmem>>[vector<16xi32>, vector<16xi32>], vector<16xf32>,
        %mul3A_232 = arith.mulf %add3A_231, %add3A_231 : vector<16xf32>
        %add3A_233 = arith.addf %add3A_177, %mul3A_232 : vector<16xf32>
        %add3A_234 = arith.constant 10 : i32
        %add3A_235 = vector.broadcast %add3A_234 : i32 to vector<16xi32>
        %add3A_236 = arith.addi %iota3A, %add3A_235 : vector<16xi32>
        %and3A_237 = arith.constant 63 : i32
        %and3A_238 = vector.broadcast %and3A_237 : i32 to vector<16xi32>
        %and3A_239 = arith.andi %add3A_236, %and3A_238 : vector<16xi32>
        %add3A_240 = arith.constant 1 : i32
        %add3A_241 = vector.broadcast %add3A_240 : i32 to vector<16xi32>
        %add3A_242 = arith.addi %and3A_239, %add3A_241 : vector<16xi32>
        %gather3A_243 = tpu.vector_load_idx %arg7[%add3A_95, %and3A_239] : memref<128x64xf32, #tpu.memory_space<vmem>>[vector<16xi32>, vector<16xi32>], vector<16xf32>,
        %gather3A_244 = tpu.vector_load_idx %arg11[%rem3A_99, %and3A_239] : memref<256x64xf32, #tpu.memory_space<vmem>>[vector<16xi32>, vector<16xi32>], vector<16xf32>,
        %add3A_245 = arith.addf %gather3A_243, %gather3A_244 : vector<16xf32>
        tpu.vector_store_idx %arg9[%add3A_95, %add3A_242], %add3A_245 : memref<128x65xf32, #tpu.memory_space<vmem>>[vector<16xi32>, vector<16xi32>], vector<16xf32>,
        %mul3A_246 = arith.mulf %add3A_245, %add3A_245 : vector<16xf32>
        %add3A_247 = arith.addf %add3A_191, %mul3A_246 : vector<16xf32>
        %add3A_248 = arith.constant 11 : i32
        %add3A_249 = vector.broadcast %add3A_248 : i32 to vector<16xi32>
        %add3A_250 = arith.addi %iota3A, %add3A_249 : vector<16xi32>
        %and3A_251 = arith.constant 63 : i32
        %and3A_252 = vector.broadcast %and3A_251 : i32 to vector<16xi32>
        %and3A_253 = arith.andi %add3A_250, %and3A_252 : vector<16xi32>
        %add3A_254 = arith.constant 1 : i32
        %add3A_255 = vector.broadcast %add3A_254 : i32 to vector<16xi32>
        %add3A_256 = arith.addi %and3A_253, %add3A_255 : vector<16xi32>
        %gather3A_257 = tpu.vector_load_idx %arg7[%add3A_95, %and3A_253] : memref<128x64xf32, #tpu.memory_space<vmem>>[vector<16xi32>, vector<16xi32>], vector<16xf32>,
        %gather3A_258 = tpu.vector_load_idx %arg11[%rem3A_99, %and3A_253] : memref<256x64xf32, #tpu.memory_space<vmem>>[vector<16xi32>, vector<16xi32>], vector<16xf32>,
        %add3A_259 = arith.addf %gather3A_257, %gather3A_258 : vector<16xf32>
        tpu.vector_store_idx %arg9[%add3A_95, %add3A_256], %add3A_259 : memref<128x65xf32, #tpu.memory_space<vmem>>[vector<16xi32>, vector<16xi32>], vector<16xf32>,
        %mul3A_260 = arith.mulf %add3A_259, %add3A_259 : vector<16xf32>
        %add3A_261 = arith.addf %add3A_205, %mul3A_260 : vector<16xf32>
        %add3A_262 = arith.constant 12 : i32
        %add3A_263 = vector.broadcast %add3A_262 : i32 to vector<16xi32>
        %add3A_264 = arith.addi %iota3A, %add3A_263 : vector<16xi32>
        %and3A_265 = arith.constant 63 : i32
        %and3A_266 = vector.broadcast %and3A_265 : i32 to vector<16xi32>
        %and3A_267 = arith.andi %add3A_264, %and3A_266 : vector<16xi32>
        %add3A_268 = arith.constant 1 : i32
        %add3A_269 = vector.broadcast %add3A_268 : i32 to vector<16xi32>
        %add3A_270 = arith.addi %and3A_267, %add3A_269 : vector<16xi32>
        %gather3A_271 = tpu.vector_load_idx %arg7[%add3A_95, %and3A_267] : memref<128x64xf32, #tpu.memory_space<vmem>>[vector<16xi32>, vector<16xi32>], vector<16xf32>,
        %gather3A_272 = tpu.vector_load_idx %arg11[%rem3A_99, %and3A_267] : memref<256x64xf32, #tpu.memory_space<vmem>>[vector<16xi32>, vector<16xi32>], vector<16xf32>,
        %add3A_273 = arith.addf %gather3A_271, %gather3A_272 : vector<16xf32>
        tpu.vector_store_idx %arg9[%add3A_95, %add3A_270], %add3A_273 : memref<128x65xf32, #tpu.memory_space<vmem>>[vector<16xi32>, vector<16xi32>], vector<16xf32>,
        %mul3A_274 = arith.mulf %add3A_273, %add3A_273 : vector<16xf32>
        %add3A_275 = arith.addf %add3A_219, %mul3A_274 : vector<16xf32>
        %add3A_276 = arith.constant 13 : i32
        %add3A_277 = vector.broadcast %add3A_276 : i32 to vector<16xi32>
        %add3A_278 = arith.addi %iota3A, %add3A_277 : vector<16xi32>
        %and3A_279 = arith.constant 63 : i32
        %and3A_280 = vector.broadcast %and3A_279 : i32 to vector<16xi32>
        %and3A_281 = arith.andi %add3A_278, %and3A_280 : vector<16xi32>
        %add3A_282 = arith.constant 1 : i32
        %add3A_283 = vector.broadcast %add3A_282 : i32 to vector<16xi32>
        %add3A_284 = arith.addi %and3A_281, %add3A_283 : vector<16xi32>
        %gather3A_285 = tpu.vector_load_idx %arg7[%add3A_95, %and3A_281] : memref<128x64xf32, #tpu.memory_space<vmem>>[vector<16xi32>, vector<16xi32>], vector<16xf32>,
        %gather3A_286 = tpu.vector_load_idx %arg11[%rem3A_99, %and3A_281] : memref<256x64xf32, #tpu.memory_space<vmem>>[vector<16xi32>, vector<16xi32>], vector<16xf32>,
        %add3A_287 = arith.addf %gather3A_285, %gather3A_286 : vector<16xf32>
        tpu.vector_store_idx %arg9[%add3A_95, %add3A_284], %add3A_287 : memref<128x65xf32, #tpu.memory_space<vmem>>[vector<16xi32>, vector<16xi32>], vector<16xf32>,
        %mul3A_288 = arith.mulf %add3A_287, %add3A_287 : vector<16xf32>
        %add3A_289 = arith.addf %add3A_233, %mul3A_288 : vector<16xf32>
        %add3A_290 = arith.constant 14 : i32
        %add3A_291 = vector.broadcast %add3A_290 : i32 to vector<16xi32>
        %add3A_292 = arith.addi %iota3A, %add3A_291 : vector<16xi32>
        %and3A_293 = arith.constant 63 : i32
        %and3A_294 = vector.broadcast %and3A_293 : i32 to vector<16xi32>
        %and3A_295 = arith.andi %add3A_292, %and3A_294 : vector<16xi32>
        %add3A_296 = arith.constant 1 : i32
        %add3A_297 = vector.broadcast %add3A_296 : i32 to vector<16xi32>
        %add3A_298 = arith.addi %and3A_295, %add3A_297 : vector<16xi32>
        %gather3A_299 = tpu.vector_load_idx %arg7[%add3A_95, %and3A_295] : memref<128x64xf32, #tpu.memory_space<vmem>>[vector<16xi32>, vector<16xi32>], vector<16xf32>,
        %gather3A_300 = tpu.vector_load_idx %arg11[%rem3A_99, %and3A_295] : memref<256x64xf32, #tpu.memory_space<vmem>>[vector<16xi32>, vector<16xi32>], vector<16xf32>,
        %add3A_301 = arith.addf %gather3A_299, %gather3A_300 : vector<16xf32>
        tpu.vector_store_idx %arg9[%add3A_95, %add3A_298], %add3A_301 : memref<128x65xf32, #tpu.memory_space<vmem>>[vector<16xi32>, vector<16xi32>], vector<16xf32>,
        %mul3A_302 = arith.mulf %add3A_301, %add3A_301 : vector<16xf32>
        %add3A_303 = arith.addf %add3A_247, %mul3A_302 : vector<16xf32>
        %add3A_304 = arith.constant 15 : i32
        %add3A_305 = vector.broadcast %add3A_304 : i32 to vector<16xi32>
        %add3A_306 = arith.addi %iota3A, %add3A_305 : vector<16xi32>
        %and3A_307 = arith.constant 63 : i32
        %and3A_308 = vector.broadcast %and3A_307 : i32 to vector<16xi32>
        %and3A_309 = arith.andi %add3A_306, %and3A_308 : vector<16xi32>
        %add3A_310 = arith.constant 1 : i32
        %add3A_311 = vector.broadcast %add3A_310 : i32 to vector<16xi32>
        %add3A_312 = arith.addi %and3A_309, %add3A_311 : vector<16xi32>
        %gather3A_313 = tpu.vector_load_idx %arg7[%add3A_95, %and3A_309] : memref<128x64xf32, #tpu.memory_space<vmem>>[vector<16xi32>, vector<16xi32>], vector<16xf32>,
        %gather3A_314 = tpu.vector_load_idx %arg11[%rem3A_99, %and3A_309] : memref<256x64xf32, #tpu.memory_space<vmem>>[vector<16xi32>, vector<16xi32>], vector<16xf32>,
        %add3A_315 = arith.addf %gather3A_313, %gather3A_314 : vector<16xf32>
        tpu.vector_store_idx %arg9[%add3A_95, %add3A_312], %add3A_315 : memref<128x65xf32, #tpu.memory_space<vmem>>[vector<16xi32>, vector<16xi32>], vector<16xf32>,
        %mul3A_316 = arith.mulf %add3A_315, %add3A_315 : vector<16xf32>
        %add3A_317 = arith.addf %add3A_261, %mul3A_316 : vector<16xf32>
        %add3A_318 = arith.constant 16 : i32
        %add3A_319 = vector.broadcast %add3A_318 : i32 to vector<16xi32>
        %add3A_320 = arith.addi %iota3A, %add3A_319 : vector<16xi32>
        %and3A_321 = arith.constant 63 : i32
        %and3A_322 = vector.broadcast %and3A_321 : i32 to vector<16xi32>
        %and3A_323 = arith.andi %add3A_320, %and3A_322 : vector<16xi32>
        %add3A_324 = arith.constant 1 : i32
        %add3A_325 = vector.broadcast %add3A_324 : i32 to vector<16xi32>
        %add3A_326 = arith.addi %and3A_323, %add3A_325 : vector<16xi32>
        %gather3A_327 = tpu.vector_load_idx %arg7[%add3A_95, %and3A_323] : memref<128x64xf32, #tpu.memory_space<vmem>>[vector<16xi32>, vector<16xi32>], vector<16xf32>,
        %gather3A_328 = tpu.vector_load_idx %arg11[%rem3A_99, %and3A_323] : memref<256x64xf32, #tpu.memory_space<vmem>>[vector<16xi32>, vector<16xi32>], vector<16xf32>,
        %add3A_329 = arith.addf %gather3A_327, %gather3A_328 : vector<16xf32>
        tpu.vector_store_idx %arg9[%add3A_95, %add3A_326], %add3A_329 : memref<128x65xf32, #tpu.memory_space<vmem>>[vector<16xi32>, vector<16xi32>], vector<16xf32>,
        %mul3A_330 = arith.mulf %add3A_329, %add3A_329 : vector<16xf32>
        %add3A_331 = arith.addf %add3A_275, %mul3A_330 : vector<16xf32>
        %add3A_332 = arith.constant 17 : i32
        %add3A_333 = vector.broadcast %add3A_332 : i32 to vector<16xi32>
        %add3A_334 = arith.addi %iota3A, %add3A_333 : vector<16xi32>
        %and3A_335 = arith.constant 63 : i32
        %and3A_336 = vector.broadcast %and3A_335 : i32 to vector<16xi32>
        %and3A_337 = arith.andi %add3A_334, %and3A_336 : vector<16xi32>
        %add3A_338 = arith.constant 1 : i32
        %add3A_339 = vector.broadcast %add3A_338 : i32 to vector<16xi32>
        %add3A_340 = arith.addi %and3A_337, %add3A_339 : vector<16xi32>
        %gather3A_341 = tpu.vector_load_idx %arg7[%add3A_95, %and3A_337] : memref<128x64xf32, #tpu.memory_space<vmem>>[vector<16xi32>, vector<16xi32>], vector<16xf32>,
        %gather3A_342 = tpu.vector_load_idx %arg11[%rem3A_99, %and3A_337] : memref<256x64xf32, #tpu.memory_space<vmem>>[vector<16xi32>, vector<16xi32>], vector<16xf32>,
        %add3A_343 = arith.addf %gather3A_341, %gather3A_342 : vector<16xf32>
        tpu.vector_store_idx %arg9[%add3A_95, %add3A_340], %add3A_343 : memref<128x65xf32, #tpu.memory_space<vmem>>[vector<16xi32>, vector<16xi32>], vector<16xf32>,
        %mul3A_344 = arith.mulf %add3A_343, %add3A_343 : vector<16xf32>
        %add3A_345 = arith.addf %add3A_289, %mul3A_344 : vector<16xf32>
        %add3A_346 = arith.constant 18 : i32
        %add3A_347 = vector.broadcast %add3A_346 : i32 to vector<16xi32>
        %add3A_348 = arith.addi %iota3A, %add3A_347 : vector<16xi32>
        %and3A_349 = arith.constant 63 : i32
        %and3A_350 = vector.broadcast %and3A_349 : i32 to vector<16xi32>
        %and3A_351 = arith.andi %add3A_348, %and3A_350 : vector<16xi32>
        %add3A_352 = arith.constant 1 : i32
        %add3A_353 = vector.broadcast %add3A_352 : i32 to vector<16xi32>
        %add3A_354 = arith.addi %and3A_351, %add3A_353 : vector<16xi32>
        %gather3A_355 = tpu.vector_load_idx %arg7[%add3A_95, %and3A_351] : memref<128x64xf32, #tpu.memory_space<vmem>>[vector<16xi32>, vector<16xi32>], vector<16xf32>,
        %gather3A_356 = tpu.vector_load_idx %arg11[%rem3A_99, %and3A_351] : memref<256x64xf32, #tpu.memory_space<vmem>>[vector<16xi32>, vector<16xi32>], vector<16xf32>,
        %add3A_357 = arith.addf %gather3A_355, %gather3A_356 : vector<16xf32>
        tpu.vector_store_idx %arg9[%add3A_95, %add3A_354], %add3A_357 : memref<128x65xf32, #tpu.memory_space<vmem>>[vector<16xi32>, vector<16xi32>], vector<16xf32>,
        %mul3A_358 = arith.mulf %add3A_357, %add3A_357 : vector<16xf32>
        %add3A_359 = arith.addf %add3A_303, %mul3A_358 : vector<16xf32>
        %add3A_360 = arith.constant 19 : i32
        %add3A_361 = vector.broadcast %add3A_360 : i32 to vector<16xi32>
        %add3A_362 = arith.addi %iota3A, %add3A_361 : vector<16xi32>
        %and3A_363 = arith.constant 63 : i32
        %and3A_364 = vector.broadcast %and3A_363 : i32 to vector<16xi32>
        %and3A_365 = arith.andi %add3A_362, %and3A_364 : vector<16xi32>
        %add3A_366 = arith.constant 1 : i32
        %add3A_367 = vector.broadcast %add3A_366 : i32 to vector<16xi32>
        %add3A_368 = arith.addi %and3A_365, %add3A_367 : vector<16xi32>
        %gather3A_369 = tpu.vector_load_idx %arg7[%add3A_95, %and3A_365] : memref<128x64xf32, #tpu.memory_space<vmem>>[vector<16xi32>, vector<16xi32>], vector<16xf32>,
        %gather3A_370 = tpu.vector_load_idx %arg11[%rem3A_99, %and3A_365] : memref<256x64xf32, #tpu.memory_space<vmem>>[vector<16xi32>, vector<16xi32>], vector<16xf32>,
        %add3A_371 = arith.addf %gather3A_369, %gather3A_370 : vector<16xf32>
        tpu.vector_store_idx %arg9[%add3A_95, %add3A_368], %add3A_371 : memref<128x65xf32, #tpu.memory_space<vmem>>[vector<16xi32>, vector<16xi32>], vector<16xf32>,
        %mul3A_372 = arith.mulf %add3A_371, %add3A_371 : vector<16xf32>
        %add3A_373 = arith.addf %add3A_317, %mul3A_372 : vector<16xf32>
        %add3A_374 = arith.constant 20 : i32
        %add3A_375 = vector.broadcast %add3A_374 : i32 to vector<16xi32>
        %add3A_376 = arith.addi %iota3A, %add3A_375 : vector<16xi32>
        %and3A_377 = arith.constant 63 : i32
        %and3A_378 = vector.broadcast %and3A_377 : i32 to vector<16xi32>
        %and3A_379 = arith.andi %add3A_376, %and3A_378 : vector<16xi32>
        %add3A_380 = arith.constant 1 : i32
        %add3A_381 = vector.broadcast %add3A_380 : i32 to vector<16xi32>
        %add3A_382 = arith.addi %and3A_379, %add3A_381 : vector<16xi32>
        %gather3A_383 = tpu.vector_load_idx %arg7[%add3A_95, %and3A_379] : memref<128x64xf32, #tpu.memory_space<vmem>>[vector<16xi32>, vector<16xi32>], vector<16xf32>,
        %gather3A_384 = tpu.vector_load_idx %arg11[%rem3A_99, %and3A_379] : memref<256x64xf32, #tpu.memory_space<vmem>>[vector<16xi32>, vector<16xi32>], vector<16xf32>,
        %add3A_385 = arith.addf %gather3A_383, %gather3A_384 : vector<16xf32>
        tpu.vector_store_idx %arg9[%add3A_95, %add3A_382], %add3A_385 : memref<128x65xf32, #tpu.memory_space<vmem>>[vector<16xi32>, vector<16xi32>], vector<16xf32>,
        %mul3A_386 = arith.mulf %add3A_385, %add3A_385 : vector<16xf32>
        %add3A_387 = arith.addf %add3A_331, %mul3A_386 : vector<16xf32>
        %add3A_388 = arith.constant 21 : i32
        %add3A_389 = vector.broadcast %add3A_388 : i32 to vector<16xi32>
        %add3A_390 = arith.addi %iota3A, %add3A_389 : vector<16xi32>
        %and3A_391 = arith.constant 63 : i32
        %and3A_392 = vector.broadcast %and3A_391 : i32 to vector<16xi32>
        %and3A_393 = arith.andi %add3A_390, %and3A_392 : vector<16xi32>
        %add3A_394 = arith.constant 1 : i32
        %add3A_395 = vector.broadcast %add3A_394 : i32 to vector<16xi32>
        %add3A_396 = arith.addi %and3A_393, %add3A_395 : vector<16xi32>
        %gather3A_397 = tpu.vector_load_idx %arg7[%add3A_95, %and3A_393] : memref<128x64xf32, #tpu.memory_space<vmem>>[vector<16xi32>, vector<16xi32>], vector<16xf32>,
        %gather3A_398 = tpu.vector_load_idx %arg11[%rem3A_99, %and3A_393] : memref<256x64xf32, #tpu.memory_space<vmem>>[vector<16xi32>, vector<16xi32>], vector<16xf32>,
        %add3A_399 = arith.addf %gather3A_397, %gather3A_398 : vector<16xf32>
        tpu.vector_store_idx %arg9[%add3A_95, %add3A_396], %add3A_399 : memref<128x65xf32, #tpu.memory_space<vmem>>[vector<16xi32>, vector<16xi32>], vector<16xf32>,
        %mul3A_400 = arith.mulf %add3A_399, %add3A_399 : vector<16xf32>
        %add3A_401 = arith.addf %add3A_345, %mul3A_400 : vector<16xf32>
        %add3A_402 = arith.constant 22 : i32
        %add3A_403 = vector.broadcast %add3A_402 : i32 to vector<16xi32>
        %add3A_404 = arith.addi %iota3A, %add3A_403 : vector<16xi32>
        %and3A_405 = arith.constant 63 : i32
        %and3A_406 = vector.broadcast %and3A_405 : i32 to vector<16xi32>
        %and3A_407 = arith.andi %add3A_404, %and3A_406 : vector<16xi32>
        %add3A_408 = arith.constant 1 : i32
        %add3A_409 = vector.broadcast %add3A_408 : i32 to vector<16xi32>
        %add3A_410 = arith.addi %and3A_407, %add3A_409 : vector<16xi32>
        %gather3A_411 = tpu.vector_load_idx %arg7[%add3A_95, %and3A_407] : memref<128x64xf32, #tpu.memory_space<vmem>>[vector<16xi32>, vector<16xi32>], vector<16xf32>,
        %gather3A_412 = tpu.vector_load_idx %arg11[%rem3A_99, %and3A_407] : memref<256x64xf32, #tpu.memory_space<vmem>>[vector<16xi32>, vector<16xi32>], vector<16xf32>,
        %add3A_413 = arith.addf %gather3A_411, %gather3A_412 : vector<16xf32>
        tpu.vector_store_idx %arg9[%add3A_95, %add3A_410], %add3A_413 : memref<128x65xf32, #tpu.memory_space<vmem>>[vector<16xi32>, vector<16xi32>], vector<16xf32>,
        %mul3A_414 = arith.mulf %add3A_413, %add3A_413 : vector<16xf32>
        %add3A_415 = arith.addf %add3A_359, %mul3A_414 : vector<16xf32>
        %add3A_416 = arith.constant 23 : i32
        %add3A_417 = vector.broadcast %add3A_416 : i32 to vector<16xi32>
        %add3A_418 = arith.addi %iota3A, %add3A_417 : vector<16xi32>
        %and3A_419 = arith.constant 63 : i32
        %and3A_420 = vector.broadcast %and3A_419 : i32 to vector<16xi32>
        %and3A_421 = arith.andi %add3A_418, %and3A_420 : vector<16xi32>
        %add3A_422 = arith.constant 1 : i32
        %add3A_423 = vector.broadcast %add3A_422 : i32 to vector<16xi32>
        %add3A_424 = arith.addi %and3A_421, %add3A_423 : vector<16xi32>
        %gather3A_425 = tpu.vector_load_idx %arg7[%add3A_95, %and3A_421] : memref<128x64xf32, #tpu.memory_space<vmem>>[vector<16xi32>, vector<16xi32>], vector<16xf32>,
        %gather3A_426 = tpu.vector_load_idx %arg11[%rem3A_99, %and3A_421] : memref<256x64xf32, #tpu.memory_space<vmem>>[vector<16xi32>, vector<16xi32>], vector<16xf32>,
        %add3A_427 = arith.addf %gather3A_425, %gather3A_426 : vector<16xf32>
        tpu.vector_store_idx %arg9[%add3A_95, %add3A_424], %add3A_427 : memref<128x65xf32, #tpu.memory_space<vmem>>[vector<16xi32>, vector<16xi32>], vector<16xf32>,
        %mul3A_428 = arith.mulf %add3A_427, %add3A_427 : vector<16xf32>
        %add3A_429 = arith.addf %add3A_373, %mul3A_428 : vector<16xf32>
        %add3A_430 = arith.constant 24 : i32
        %add3A_431 = vector.broadcast %add3A_430 : i32 to vector<16xi32>
        %add3A_432 = arith.addi %iota3A, %add3A_431 : vector<16xi32>
        %and3A_433 = arith.constant 63 : i32
        %and3A_434 = vector.broadcast %and3A_433 : i32 to vector<16xi32>
        %and3A_435 = arith.andi %add3A_432, %and3A_434 : vector<16xi32>
        %add3A_436 = arith.constant 1 : i32
        %add3A_437 = vector.broadcast %add3A_436 : i32 to vector<16xi32>
        %add3A_438 = arith.addi %and3A_435, %add3A_437 : vector<16xi32>
        %gather3A_439 = tpu.vector_load_idx %arg7[%add3A_95, %and3A_435] : memref<128x64xf32, #tpu.memory_space<vmem>>[vector<16xi32>, vector<16xi32>], vector<16xf32>,
        %gather3A_440 = tpu.vector_load_idx %arg11[%rem3A_99, %and3A_435] : memref<256x64xf32, #tpu.memory_space<vmem>>[vector<16xi32>, vector<16xi32>], vector<16xf32>,
        %add3A_441 = arith.addf %gather3A_439, %gather3A_440 : vector<16xf32>
        tpu.vector_store_idx %arg9[%add3A_95, %add3A_438], %add3A_441 : memref<128x65xf32, #tpu.memory_space<vmem>>[vector<16xi32>, vector<16xi32>], vector<16xf32>,
        %mul3A_442 = arith.mulf %add3A_441, %add3A_441 : vector<16xf32>
        %add3A_443 = arith.addf %add3A_387, %mul3A_442 : vector<16xf32>
        %add3A_444 = arith.constant 25 : i32
        %add3A_445 = vector.broadcast %add3A_444 : i32 to vector<16xi32>
        %add3A_446 = arith.addi %iota3A, %add3A_445 : vector<16xi32>
        %and3A_447 = arith.constant 63 : i32
        %and3A_448 = vector.broadcast %and3A_447 : i32 to vector<16xi32>
        %and3A_449 = arith.andi %add3A_446, %and3A_448 : vector<16xi32>
        %add3A_450 = arith.constant 1 : i32
        %add3A_451 = vector.broadcast %add3A_450 : i32 to vector<16xi32>
        %add3A_452 = arith.addi %and3A_449, %add3A_451 : vector<16xi32>
        %gather3A_453 = tpu.vector_load_idx %arg7[%add3A_95, %and3A_449] : memref<128x64xf32, #tpu.memory_space<vmem>>[vector<16xi32>, vector<16xi32>], vector<16xf32>,
        %gather3A_454 = tpu.vector_load_idx %arg11[%rem3A_99, %and3A_449] : memref<256x64xf32, #tpu.memory_space<vmem>>[vector<16xi32>, vector<16xi32>], vector<16xf32>,
        %add3A_455 = arith.addf %gather3A_453, %gather3A_454 : vector<16xf32>
        tpu.vector_store_idx %arg9[%add3A_95, %add3A_452], %add3A_455 : memref<128x65xf32, #tpu.memory_space<vmem>>[vector<16xi32>, vector<16xi32>], vector<16xf32>,
        %mul3A_456 = arith.mulf %add3A_455, %add3A_455 : vector<16xf32>
        %add3A_457 = arith.addf %add3A_401, %mul3A_456 : vector<16xf32>
        %add3A_458 = arith.constant 26 : i32
        %add3A_459 = vector.broadcast %add3A_458 : i32 to vector<16xi32>
        %add3A_460 = arith.addi %iota3A, %add3A_459 : vector<16xi32>
        %and3A_461 = arith.constant 63 : i32
        %and3A_462 = vector.broadcast %and3A_461 : i32 to vector<16xi32>
        %and3A_463 = arith.andi %add3A_460, %and3A_462 : vector<16xi32>
        %add3A_464 = arith.constant 1 : i32
        %add3A_465 = vector.broadcast %add3A_464 : i32 to vector<16xi32>
        %add3A_466 = arith.addi %and3A_463, %add3A_465 : vector<16xi32>
        %gather3A_467 = tpu.vector_load_idx %arg7[%add3A_95, %and3A_463] : memref<128x64xf32, #tpu.memory_space<vmem>>[vector<16xi32>, vector<16xi32>], vector<16xf32>,
        %gather3A_468 = tpu.vector_load_idx %arg11[%rem3A_99, %and3A_463] : memref<256x64xf32, #tpu.memory_space<vmem>>[vector<16xi32>, vector<16xi32>], vector<16xf32>,
        %add3A_469 = arith.addf %gather3A_467, %gather3A_468 : vector<16xf32>
        tpu.vector_store_idx %arg9[%add3A_95, %add3A_466], %add3A_469 : memref<128x65xf32, #tpu.memory_space<vmem>>[vector<16xi32>, vector<16xi32>], vector<16xf32>,
        %mul3A_470 = arith.mulf %add3A_469, %add3A_469 : vector<16xf32>
        %add3A_471 = arith.addf %add3A_415, %mul3A_470 : vector<16xf32>
        %add3A_472 = arith.constant 27 : i32
        %add3A_473 = vector.broadcast %add3A_472 : i32 to vector<16xi32>
        %add3A_474 = arith.addi %iota3A, %add3A_473 : vector<16xi32>
        %and3A_475 = arith.constant 63 : i32
        %and3A_476 = vector.broadcast %and3A_475 : i32 to vector<16xi32>
        %and3A_477 = arith.andi %add3A_474, %and3A_476 : vector<16xi32>
        %add3A_478 = arith.constant 1 : i32
        %add3A_479 = vector.broadcast %add3A_478 : i32 to vector<16xi32>
        %add3A_480 = arith.addi %and3A_477, %add3A_479 : vector<16xi32>
        %gather3A_481 = tpu.vector_load_idx %arg7[%add3A_95, %and3A_477] : memref<128x64xf32, #tpu.memory_space<vmem>>[vector<16xi32>, vector<16xi32>], vector<16xf32>,
        %gather3A_482 = tpu.vector_load_idx %arg11[%rem3A_99, %and3A_477] : memref<256x64xf32, #tpu.memory_space<vmem>>[vector<16xi32>, vector<16xi32>], vector<16xf32>,
        %add3A_483 = arith.addf %gather3A_481, %gather3A_482 : vector<16xf32>
        tpu.vector_store_idx %arg9[%add3A_95, %add3A_480], %add3A_483 : memref<128x65xf32, #tpu.memory_space<vmem>>[vector<16xi32>, vector<16xi32>], vector<16xf32>,
        %mul3A_484 = arith.mulf %add3A_483, %add3A_483 : vector<16xf32>
        %add3A_485 = arith.addf %add3A_429, %mul3A_484 : vector<16xf32>
        %add3A_486 = arith.constant 28 : i32
        %add3A_487 = vector.broadcast %add3A_486 : i32 to vector<16xi32>
        %add3A_488 = arith.addi %iota3A, %add3A_487 : vector<16xi32>
        %and3A_489 = arith.constant 63 : i32
        %and3A_490 = vector.broadcast %and3A_489 : i32 to vector<16xi32>
        %and3A_491 = arith.andi %add3A_488, %and3A_490 : vector<16xi32>
        %add3A_492 = arith.constant 1 : i32
        %add3A_493 = vector.broadcast %add3A_492 : i32 to vector<16xi32>
        %add3A_494 = arith.addi %and3A_491, %add3A_493 : vector<16xi32>
        %gather3A_495 = tpu.vector_load_idx %arg7[%add3A_95, %and3A_491] : memref<128x64xf32, #tpu.memory_space<vmem>>[vector<16xi32>, vector<16xi32>], vector<16xf32>,
        %gather3A_496 = tpu.vector_load_idx %arg11[%rem3A_99, %and3A_491] : memref<256x64xf32, #tpu.memory_space<vmem>>[vector<16xi32>, vector<16xi32>], vector<16xf32>,
        %add3A_497 = arith.addf %gather3A_495, %gather3A_496 : vector<16xf32>
        tpu.vector_store_idx %arg9[%add3A_95, %add3A_494], %add3A_497 : memref<128x65xf32, #tpu.memory_space<vmem>>[vector<16xi32>, vector<16xi32>], vector<16xf32>,
        %mul3A_498 = arith.mulf %add3A_497, %add3A_497 : vector<16xf32>
        %add3A_499 = arith.addf %add3A_443, %mul3A_498 : vector<16xf32>
        %add3A_500 = arith.constant 29 : i32
        %add3A_501 = vector.broadcast %add3A_500 : i32 to vector<16xi32>
        %add3A_502 = arith.addi %iota3A, %add3A_501 : vector<16xi32>
        %and3A_503 = arith.constant 63 : i32
        %and3A_504 = vector.broadcast %and3A_503 : i32 to vector<16xi32>
        %and3A_505 = arith.andi %add3A_502, %and3A_504 : vector<16xi32>
        %add3A_506 = arith.constant 1 : i32
        %add3A_507 = vector.broadcast %add3A_506 : i32 to vector<16xi32>
        %add3A_508 = arith.addi %and3A_505, %add3A_507 : vector<16xi32>
        %gather3A_509 = tpu.vector_load_idx %arg7[%add3A_95, %and3A_505] : memref<128x64xf32, #tpu.memory_space<vmem>>[vector<16xi32>, vector<16xi32>], vector<16xf32>,
        %gather3A_510 = tpu.vector_load_idx %arg11[%rem3A_99, %and3A_505] : memref<256x64xf32, #tpu.memory_space<vmem>>[vector<16xi32>, vector<16xi32>], vector<16xf32>,
        %add3A_511 = arith.addf %gather3A_509, %gather3A_510 : vector<16xf32>
        tpu.vector_store_idx %arg9[%add3A_95, %add3A_508], %add3A_511 : memref<128x65xf32, #tpu.memory_space<vmem>>[vector<16xi32>, vector<16xi32>], vector<16xf32>,
        %mul3A_512 = arith.mulf %add3A_511, %add3A_511 : vector<16xf32>
        %add3A_513 = arith.addf %add3A_457, %mul3A_512 : vector<16xf32>
        %add3A_514 = arith.constant 30 : i32
        %add3A_515 = vector.broadcast %add3A_514 : i32 to vector<16xi32>
        %add3A_516 = arith.addi %iota3A, %add3A_515 : vector<16xi32>
        %and3A_517 = arith.constant 63 : i32
        %and3A_518 = vector.broadcast %and3A_517 : i32 to vector<16xi32>
        %and3A_519 = arith.andi %add3A_516, %and3A_518 : vector<16xi32>
        %add3A_520 = arith.constant 1 : i32
        %add3A_521 = vector.broadcast %add3A_520 : i32 to vector<16xi32>
        %add3A_522 = arith.addi %and3A_519, %add3A_521 : vector<16xi32>
        %gather3A_523 = tpu.vector_load_idx %arg7[%add3A_95, %and3A_519] : memref<128x64xf32, #tpu.memory_space<vmem>>[vector<16xi32>, vector<16xi32>], vector<16xf32>,
        %gather3A_524 = tpu.vector_load_idx %arg11[%rem3A_99, %and3A_519] : memref<256x64xf32, #tpu.memory_space<vmem>>[vector<16xi32>, vector<16xi32>], vector<16xf32>,
        %add3A_525 = arith.addf %gather3A_523, %gather3A_524 : vector<16xf32>
        tpu.vector_store_idx %arg9[%add3A_95, %add3A_522], %add3A_525 : memref<128x65xf32, #tpu.memory_space<vmem>>[vector<16xi32>, vector<16xi32>], vector<16xf32>,
        %mul3A_526 = arith.mulf %add3A_525, %add3A_525 : vector<16xf32>
        %add3A_527 = arith.addf %add3A_471, %mul3A_526 : vector<16xf32>
        %add3A_528 = arith.constant 31 : i32
        %add3A_529 = vector.broadcast %add3A_528 : i32 to vector<16xi32>
        %add3A_530 = arith.addi %iota3A, %add3A_529 : vector<16xi32>
        %and3A_531 = arith.constant 63 : i32
        %and3A_532 = vector.broadcast %and3A_531 : i32 to vector<16xi32>
        %and3A_533 = arith.andi %add3A_530, %and3A_532 : vector<16xi32>
        %add3A_534 = arith.constant 1 : i32
        %add3A_535 = vector.broadcast %add3A_534 : i32 to vector<16xi32>
        %add3A_536 = arith.addi %and3A_533, %add3A_535 : vector<16xi32>
        %gather3A_537 = tpu.vector_load_idx %arg7[%add3A_95, %and3A_533] : memref<128x64xf32, #tpu.memory_space<vmem>>[vector<16xi32>, vector<16xi32>], vector<16xf32>,
        %gather3A_538 = tpu.vector_load_idx %arg11[%rem3A_99, %and3A_533] : memref<256x64xf32, #tpu.memory_space<vmem>>[vector<16xi32>, vector<16xi32>], vector<16xf32>,
        %add3A_539 = arith.addf %gather3A_537, %gather3A_538 : vector<16xf32>
        tpu.vector_store_idx %arg9[%add3A_95, %add3A_536], %add3A_539 : memref<128x65xf32, #tpu.memory_space<vmem>>[vector<16xi32>, vector<16xi32>], vector<16xf32>,
        %mul3A_540 = arith.mulf %add3A_539, %add3A_539 : vector<16xf32>
        %add3A_541 = arith.addf %add3A_485, %mul3A_540 : vector<16xf32>
        %add3A_542 = arith.constant 32 : i32
        %add3A_543 = vector.broadcast %add3A_542 : i32 to vector<16xi32>
        %add3A_544 = arith.addi %iota3A, %add3A_543 : vector<16xi32>
        %and3A_545 = arith.constant 63 : i32
        %and3A_546 = vector.broadcast %and3A_545 : i32 to vector<16xi32>
        %and3A_547 = arith.andi %add3A_544, %and3A_546 : vector<16xi32>
        %add3A_548 = arith.constant 1 : i32
        %add3A_549 = vector.broadcast %add3A_548 : i32 to vector<16xi32>
        %add3A_550 = arith.addi %and3A_547, %add3A_549 : vector<16xi32>
        %gather3A_551 = tpu.vector_load_idx %arg7[%add3A_95, %and3A_547] : memref<128x64xf32, #tpu.memory_space<vmem>>[vector<16xi32>, vector<16xi32>], vector<16xf32>,
        %gather3A_552 = tpu.vector_load_idx %arg11[%rem3A_99, %and3A_547] : memref<256x64xf32, #tpu.memory_space<vmem>>[vector<16xi32>, vector<16xi32>], vector<16xf32>,
        %add3A_553 = arith.addf %gather3A_551, %gather3A_552 : vector<16xf32>
        tpu.vector_store_idx %arg9[%add3A_95, %add3A_550], %add3A_553 : memref<128x65xf32, #tpu.memory_space<vmem>>[vector<16xi32>, vector<16xi32>], vector<16xf32>,
        %mul3A_554 = arith.mulf %add3A_553, %add3A_553 : vector<16xf32>
        %add3A_555 = arith.addf %add3A_499, %mul3A_554 : vector<16xf32>
        %add3A_556 = arith.constant 33 : i32
        %add3A_557 = vector.broadcast %add3A_556 : i32 to vector<16xi32>
        %add3A_558 = arith.addi %iota3A, %add3A_557 : vector<16xi32>
        %and3A_559 = arith.constant 63 : i32
        %and3A_560 = vector.broadcast %and3A_559 : i32 to vector<16xi32>
        %and3A_561 = arith.andi %add3A_558, %and3A_560 : vector<16xi32>
        %add3A_562 = arith.constant 1 : i32
        %add3A_563 = vector.broadcast %add3A_562 : i32 to vector<16xi32>
        %add3A_564 = arith.addi %and3A_561, %add3A_563 : vector<16xi32>
        %gather3A_565 = tpu.vector_load_idx %arg7[%add3A_95, %and3A_561] : memref<128x64xf32, #tpu.memory_space<vmem>>[vector<16xi32>, vector<16xi32>], vector<16xf32>,
        %gather3A_566 = tpu.vector_load_idx %arg11[%rem3A_99, %and3A_561] : memref<256x64xf32, #tpu.memory_space<vmem>>[vector<16xi32>, vector<16xi32>], vector<16xf32>,
        %add3A_567 = arith.addf %gather3A_565, %gather3A_566 : vector<16xf32>
        tpu.vector_store_idx %arg9[%add3A_95, %add3A_564], %add3A_567 : memref<128x65xf32, #tpu.memory_space<vmem>>[vector<16xi32>, vector<16xi32>], vector<16xf32>,
        %mul3A_568 = arith.mulf %add3A_567, %add3A_567 : vector<16xf32>
        %add3A_569 = arith.addf %add3A_513, %mul3A_568 : vector<16xf32>
        %add3A_570 = arith.constant 34 : i32
        %add3A_571 = vector.broadcast %add3A_570 : i32 to vector<16xi32>
        %add3A_572 = arith.addi %iota3A, %add3A_571 : vector<16xi32>
        %and3A_573 = arith.constant 63 : i32
        %and3A_574 = vector.broadcast %and3A_573 : i32 to vector<16xi32>
        %and3A_575 = arith.andi %add3A_572, %and3A_574 : vector<16xi32>
        %add3A_576 = arith.constant 1 : i32
        %add3A_577 = vector.broadcast %add3A_576 : i32 to vector<16xi32>
        %add3A_578 = arith.addi %and3A_575, %add3A_577 : vector<16xi32>
        %gather3A_579 = tpu.vector_load_idx %arg7[%add3A_95, %and3A_575] : memref<128x64xf32, #tpu.memory_space<vmem>>[vector<16xi32>, vector<16xi32>], vector<16xf32>,
        %gather3A_580 = tpu.vector_load_idx %arg11[%rem3A_99, %and3A_575] : memref<256x64xf32, #tpu.memory_space<vmem>>[vector<16xi32>, vector<16xi32>], vector<16xf32>,
        %add3A_581 = arith.addf %gather3A_579, %gather3A_580 : vector<16xf32>
        tpu.vector_store_idx %arg9[%add3A_95, %add3A_578], %add3A_581 : memref<128x65xf32, #tpu.memory_space<vmem>>[vector<16xi32>, vector<16xi32>], vector<16xf32>,
        %mul3A_582 = arith.mulf %add3A_581, %add3A_581 : vector<16xf32>
        %add3A_583 = arith.addf %add3A_527, %mul3A_582 : vector<16xf32>
        %add3A_584 = arith.constant 35 : i32
        %add3A_585 = vector.broadcast %add3A_584 : i32 to vector<16xi32>
        %add3A_586 = arith.addi %iota3A, %add3A_585 : vector<16xi32>
        %and3A_587 = arith.constant 63 : i32
        %and3A_588 = vector.broadcast %and3A_587 : i32 to vector<16xi32>
        %and3A_589 = arith.andi %add3A_586, %and3A_588 : vector<16xi32>
        %add3A_590 = arith.constant 1 : i32
        %add3A_591 = vector.broadcast %add3A_590 : i32 to vector<16xi32>
        %add3A_592 = arith.addi %and3A_589, %add3A_591 : vector<16xi32>
        %gather3A_593 = tpu.vector_load_idx %arg7[%add3A_95, %and3A_589] : memref<128x64xf32, #tpu.memory_space<vmem>>[vector<16xi32>, vector<16xi32>], vector<16xf32>,
        %gather3A_594 = tpu.vector_load_idx %arg11[%rem3A_99, %and3A_589] : memref<256x64xf32, #tpu.memory_space<vmem>>[vector<16xi32>, vector<16xi32>], vector<16xf32>,
        %add3A_595 = arith.addf %gather3A_593, %gather3A_594 : vector<16xf32>
        tpu.vector_store_idx %arg9[%add3A_95, %add3A_592], %add3A_595 : memref<128x65xf32, #tpu.memory_space<vmem>>[vector<16xi32>, vector<16xi32>], vector<16xf32>,
        %mul3A_596 = arith.mulf %add3A_595, %add3A_595 : vector<16xf32>
        %add3A_597 = arith.addf %add3A_541, %mul3A_596 : vector<16xf32>
        %add3A_598 = arith.constant 36 : i32
        %add3A_599 = vector.broadcast %add3A_598 : i32 to vector<16xi32>
        %add3A_600 = arith.addi %iota3A, %add3A_599 : vector<16xi32>
        %and3A_601 = arith.constant 63 : i32
        %and3A_602 = vector.broadcast %and3A_601 : i32 to vector<16xi32>
        %and3A_603 = arith.andi %add3A_600, %and3A_602 : vector<16xi32>
        %add3A_604 = arith.constant 1 : i32
        %add3A_605 = vector.broadcast %add3A_604 : i32 to vector<16xi32>
        %add3A_606 = arith.addi %and3A_603, %add3A_605 : vector<16xi32>
        %gather3A_607 = tpu.vector_load_idx %arg7[%add3A_95, %and3A_603] : memref<128x64xf32, #tpu.memory_space<vmem>>[vector<16xi32>, vector<16xi32>], vector<16xf32>,
        %gather3A_608 = tpu.vector_load_idx %arg11[%rem3A_99, %and3A_603] : memref<256x64xf32, #tpu.memory_space<vmem>>[vector<16xi32>, vector<16xi32>], vector<16xf32>,
        %add3A_609 = arith.addf %gather3A_607, %gather3A_608 : vector<16xf32>
        tpu.vector_store_idx %arg9[%add3A_95, %add3A_606], %add3A_609 : memref<128x65xf32, #tpu.memory_space<vmem>>[vector<16xi32>, vector<16xi32>], vector<16xf32>,
        %mul3A_610 = arith.mulf %add3A_609, %add3A_609 : vector<16xf32>
        %add3A_611 = arith.addf %add3A_555, %mul3A_610 : vector<16xf32>
        %add3A_612 = arith.constant 37 : i32
        %add3A_613 = vector.broadcast %add3A_612 : i32 to vector<16xi32>
        %add3A_614 = arith.addi %iota3A, %add3A_613 : vector<16xi32>
        %and3A_615 = arith.constant 63 : i32
        %and3A_616 = vector.broadcast %and3A_615 : i32 to vector<16xi32>
        %and3A_617 = arith.andi %add3A_614, %and3A_616 : vector<16xi32>
        %add3A_618 = arith.constant 1 : i32
        %add3A_619 = vector.broadcast %add3A_618 : i32 to vector<16xi32>
        %add3A_620 = arith.addi %and3A_617, %add3A_619 : vector<16xi32>
        %gather3A_621 = tpu.vector_load_idx %arg7[%add3A_95, %and3A_617] : memref<128x64xf32, #tpu.memory_space<vmem>>[vector<16xi32>, vector<16xi32>], vector<16xf32>,
        %gather3A_622 = tpu.vector_load_idx %arg11[%rem3A_99, %and3A_617] : memref<256x64xf32, #tpu.memory_space<vmem>>[vector<16xi32>, vector<16xi32>], vector<16xf32>,
        %add3A_623 = arith.addf %gather3A_621, %gather3A_622 : vector<16xf32>
        tpu.vector_store_idx %arg9[%add3A_95, %add3A_620], %add3A_623 : memref<128x65xf32, #tpu.memory_space<vmem>>[vector<16xi32>, vector<16xi32>], vector<16xf32>,
        %mul3A_624 = arith.mulf %add3A_623, %add3A_623 : vector<16xf32>
        %add3A_625 = arith.addf %add3A_569, %mul3A_624 : vector<16xf32>
        %add3A_626 = arith.constant 38 : i32
        %add3A_627 = vector.broadcast %add3A_626 : i32 to vector<16xi32>
        %add3A_628 = arith.addi %iota3A, %add3A_627 : vector<16xi32>
        %and3A_629 = arith.constant 63 : i32
        %and3A_630 = vector.broadcast %and3A_629 : i32 to vector<16xi32>
        %and3A_631 = arith.andi %add3A_628, %and3A_630 : vector<16xi32>
        %add3A_632 = arith.constant 1 : i32
        %add3A_633 = vector.broadcast %add3A_632 : i32 to vector<16xi32>
        %add3A_634 = arith.addi %and3A_631, %add3A_633 : vector<16xi32>
        %gather3A_635 = tpu.vector_load_idx %arg7[%add3A_95, %and3A_631] : memref<128x64xf32, #tpu.memory_space<vmem>>[vector<16xi32>, vector<16xi32>], vector<16xf32>,
        %gather3A_636 = tpu.vector_load_idx %arg11[%rem3A_99, %and3A_631] : memref<256x64xf32, #tpu.memory_space<vmem>>[vector<16xi32>, vector<16xi32>], vector<16xf32>,
        %add3A_637 = arith.addf %gather3A_635, %gather3A_636 : vector<16xf32>
        tpu.vector_store_idx %arg9[%add3A_95, %add3A_634], %add3A_637 : memref<128x65xf32, #tpu.memory_space<vmem>>[vector<16xi32>, vector<16xi32>], vector<16xf32>,
        %mul3A_638 = arith.mulf %add3A_637, %add3A_637 : vector<16xf32>
        %add3A_639 = arith.addf %add3A_583, %mul3A_638 : vector<16xf32>
        %add3A_640 = arith.constant 39 : i32
        %add3A_641 = vector.broadcast %add3A_640 : i32 to vector<16xi32>
        %add3A_642 = arith.addi %iota3A, %add3A_641 : vector<16xi32>
        %and3A_643 = arith.constant 63 : i32
        %and3A_644 = vector.broadcast %and3A_643 : i32 to vector<16xi32>
        %and3A_645 = arith.andi %add3A_642, %and3A_644 : vector<16xi32>
        %add3A_646 = arith.constant 1 : i32
        %add3A_647 = vector.broadcast %add3A_646 : i32 to vector<16xi32>
        %add3A_648 = arith.addi %and3A_645, %add3A_647 : vector<16xi32>
        %gather3A_649 = tpu.vector_load_idx %arg7[%add3A_95, %and3A_645] : memref<128x64xf32, #tpu.memory_space<vmem>>[vector<16xi32>, vector<16xi32>], vector<16xf32>,
        %gather3A_650 = tpu.vector_load_idx %arg11[%rem3A_99, %and3A_645] : memref<256x64xf32, #tpu.memory_space<vmem>>[vector<16xi32>, vector<16xi32>], vector<16xf32>,
        %add3A_651 = arith.addf %gather3A_649, %gather3A_650 : vector<16xf32>
        tpu.vector_store_idx %arg9[%add3A_95, %add3A_648], %add3A_651 : memref<128x65xf32, #tpu.memory_space<vmem>>[vector<16xi32>, vector<16xi32>], vector<16xf32>,
        %mul3A_652 = arith.mulf %add3A_651, %add3A_651 : vector<16xf32>
        %add3A_653 = arith.addf %add3A_597, %mul3A_652 : vector<16xf32>
        %add3A_654 = arith.constant 40 : i32
        %add3A_655 = vector.broadcast %add3A_654 : i32 to vector<16xi32>
        %add3A_656 = arith.addi %iota3A, %add3A_655 : vector<16xi32>
        %and3A_657 = arith.constant 63 : i32
        %and3A_658 = vector.broadcast %and3A_657 : i32 to vector<16xi32>
        %and3A_659 = arith.andi %add3A_656, %and3A_658 : vector<16xi32>
        %add3A_660 = arith.constant 1 : i32
        %add3A_661 = vector.broadcast %add3A_660 : i32 to vector<16xi32>
        %add3A_662 = arith.addi %and3A_659, %add3A_661 : vector<16xi32>
        %gather3A_663 = tpu.vector_load_idx %arg7[%add3A_95, %and3A_659] : memref<128x64xf32, #tpu.memory_space<vmem>>[vector<16xi32>, vector<16xi32>], vector<16xf32>,
        %gather3A_664 = tpu.vector_load_idx %arg11[%rem3A_99, %and3A_659] : memref<256x64xf32, #tpu.memory_space<vmem>>[vector<16xi32>, vector<16xi32>], vector<16xf32>,
        %add3A_665 = arith.addf %gather3A_663, %gather3A_664 : vector<16xf32>
        tpu.vector_store_idx %arg9[%add3A_95, %add3A_662], %add3A_665 : memref<128x65xf32, #tpu.memory_space<vmem>>[vector<16xi32>, vector<16xi32>], vector<16xf32>,
        %mul3A_666 = arith.mulf %add3A_665, %add3A_665 : vector<16xf32>
        %add3A_667 = arith.addf %add3A_611, %mul3A_666 : vector<16xf32>
        %add3A_668 = arith.constant 41 : i32
        %add3A_669 = vector.broadcast %add3A_668 : i32 to vector<16xi32>
        %add3A_670 = arith.addi %iota3A, %add3A_669 : vector<16xi32>
        %and3A_671 = arith.constant 63 : i32
        %and3A_672 = vector.broadcast %and3A_671 : i32 to vector<16xi32>
        %and3A_673 = arith.andi %add3A_670, %and3A_672 : vector<16xi32>
        %add3A_674 = arith.constant 1 : i32
        %add3A_675 = vector.broadcast %add3A_674 : i32 to vector<16xi32>
        %add3A_676 = arith.addi %and3A_673, %add3A_675 : vector<16xi32>
        %gather3A_677 = tpu.vector_load_idx %arg7[%add3A_95, %and3A_673] : memref<128x64xf32, #tpu.memory_space<vmem>>[vector<16xi32>, vector<16xi32>], vector<16xf32>,
        %gather3A_678 = tpu.vector_load_idx %arg11[%rem3A_99, %and3A_673] : memref<256x64xf32, #tpu.memory_space<vmem>>[vector<16xi32>, vector<16xi32>], vector<16xf32>,
        %add3A_679 = arith.addf %gather3A_677, %gather3A_678 : vector<16xf32>
        tpu.vector_store_idx %arg9[%add3A_95, %add3A_676], %add3A_679 : memref<128x65xf32, #tpu.memory_space<vmem>>[vector<16xi32>, vector<16xi32>], vector<16xf32>,
        %mul3A_680 = arith.mulf %add3A_679, %add3A_679 : vector<16xf32>
        %add3A_681 = arith.addf %add3A_625, %mul3A_680 : vector<16xf32>
        %add3A_682 = arith.constant 42 : i32
        %add3A_683 = vector.broadcast %add3A_682 : i32 to vector<16xi32>
        %add3A_684 = arith.addi %iota3A, %add3A_683 : vector<16xi32>
        %and3A_685 = arith.constant 63 : i32
        %and3A_686 = vector.broadcast %and3A_685 : i32 to vector<16xi32>
        %and3A_687 = arith.andi %add3A_684, %and3A_686 : vector<16xi32>
        %add3A_688 = arith.constant 1 : i32
        %add3A_689 = vector.broadcast %add3A_688 : i32 to vector<16xi32>
        %add3A_690 = arith.addi %and3A_687, %add3A_689 : vector<16xi32>
        %gather3A_691 = tpu.vector_load_idx %arg7[%add3A_95, %and3A_687] : memref<128x64xf32, #tpu.memory_space<vmem>>[vector<16xi32>, vector<16xi32>], vector<16xf32>,
        %gather3A_692 = tpu.vector_load_idx %arg11[%rem3A_99, %and3A_687] : memref<256x64xf32, #tpu.memory_space<vmem>>[vector<16xi32>, vector<16xi32>], vector<16xf32>,
        %add3A_693 = arith.addf %gather3A_691, %gather3A_692 : vector<16xf32>
        tpu.vector_store_idx %arg9[%add3A_95, %add3A_690], %add3A_693 : memref<128x65xf32, #tpu.memory_space<vmem>>[vector<16xi32>, vector<16xi32>], vector<16xf32>,
        %mul3A_694 = arith.mulf %add3A_693, %add3A_693 : vector<16xf32>
        %add3A_695 = arith.addf %add3A_639, %mul3A_694 : vector<16xf32>
        %add3A_696 = arith.constant 43 : i32
        %add3A_697 = vector.broadcast %add3A_696 : i32 to vector<16xi32>
        %add3A_698 = arith.addi %iota3A, %add3A_697 : vector<16xi32>
        %and3A_699 = arith.constant 63 : i32
        %and3A_700 = vector.broadcast %and3A_699 : i32 to vector<16xi32>
        %and3A_701 = arith.andi %add3A_698, %and3A_700 : vector<16xi32>
        %add3A_702 = arith.constant 1 : i32
        %add3A_703 = vector.broadcast %add3A_702 : i32 to vector<16xi32>
        %add3A_704 = arith.addi %and3A_701, %add3A_703 : vector<16xi32>
        %gather3A_705 = tpu.vector_load_idx %arg7[%add3A_95, %and3A_701] : memref<128x64xf32, #tpu.memory_space<vmem>>[vector<16xi32>, vector<16xi32>], vector<16xf32>,
        %gather3A_706 = tpu.vector_load_idx %arg11[%rem3A_99, %and3A_701] : memref<256x64xf32, #tpu.memory_space<vmem>>[vector<16xi32>, vector<16xi32>], vector<16xf32>,
        %add3A_707 = arith.addf %gather3A_705, %gather3A_706 : vector<16xf32>
        tpu.vector_store_idx %arg9[%add3A_95, %add3A_704], %add3A_707 : memref<128x65xf32, #tpu.memory_space<vmem>>[vector<16xi32>, vector<16xi32>], vector<16xf32>,
        %mul3A_708 = arith.mulf %add3A_707, %add3A_707 : vector<16xf32>
        %add3A_709 = arith.addf %add3A_653, %mul3A_708 : vector<16xf32>
        %add3A_710 = arith.constant 44 : i32
        %add3A_711 = vector.broadcast %add3A_710 : i32 to vector<16xi32>
        %add3A_712 = arith.addi %iota3A, %add3A_711 : vector<16xi32>
        %and3A_713 = arith.constant 63 : i32
        %and3A_714 = vector.broadcast %and3A_713 : i32 to vector<16xi32>
        %and3A_715 = arith.andi %add3A_712, %and3A_714 : vector<16xi32>
        %add3A_716 = arith.constant 1 : i32
        %add3A_717 = vector.broadcast %add3A_716 : i32 to vector<16xi32>
        %add3A_718 = arith.addi %and3A_715, %add3A_717 : vector<16xi32>
        %gather3A_719 = tpu.vector_load_idx %arg7[%add3A_95, %and3A_715] : memref<128x64xf32, #tpu.memory_space<vmem>>[vector<16xi32>, vector<16xi32>], vector<16xf32>,
        %gather3A_720 = tpu.vector_load_idx %arg11[%rem3A_99, %and3A_715] : memref<256x64xf32, #tpu.memory_space<vmem>>[vector<16xi32>, vector<16xi32>], vector<16xf32>,
        %add3A_721 = arith.addf %gather3A_719, %gather3A_720 : vector<16xf32>
        tpu.vector_store_idx %arg9[%add3A_95, %add3A_718], %add3A_721 : memref<128x65xf32, #tpu.memory_space<vmem>>[vector<16xi32>, vector<16xi32>], vector<16xf32>,
        %mul3A_722 = arith.mulf %add3A_721, %add3A_721 : vector<16xf32>
        %add3A_723 = arith.addf %add3A_667, %mul3A_722 : vector<16xf32>
        %add3A_724 = arith.constant 45 : i32
        %add3A_725 = vector.broadcast %add3A_724 : i32 to vector<16xi32>
        %add3A_726 = arith.addi %iota3A, %add3A_725 : vector<16xi32>
        %and3A_727 = arith.constant 63 : i32
        %and3A_728 = vector.broadcast %and3A_727 : i32 to vector<16xi32>
        %and3A_729 = arith.andi %add3A_726, %and3A_728 : vector<16xi32>
        %add3A_730 = arith.constant 1 : i32
        %add3A_731 = vector.broadcast %add3A_730 : i32 to vector<16xi32>
        %add3A_732 = arith.addi %and3A_729, %add3A_731 : vector<16xi32>
        %gather3A_733 = tpu.vector_load_idx %arg7[%add3A_95, %and3A_729] : memref<128x64xf32, #tpu.memory_space<vmem>>[vector<16xi32>, vector<16xi32>], vector<16xf32>,
        %gather3A_734 = tpu.vector_load_idx %arg11[%rem3A_99, %and3A_729] : memref<256x64xf32, #tpu.memory_space<vmem>>[vector<16xi32>, vector<16xi32>], vector<16xf32>,
        %add3A_735 = arith.addf %gather3A_733, %gather3A_734 : vector<16xf32>
        tpu.vector_store_idx %arg9[%add3A_95, %add3A_732], %add3A_735 : memref<128x65xf32, #tpu.memory_space<vmem>>[vector<16xi32>, vector<16xi32>], vector<16xf32>,
        %mul3A_736 = arith.mulf %add3A_735, %add3A_735 : vector<16xf32>
        %add3A_737 = arith.addf %add3A_681, %mul3A_736 : vector<16xf32>
        %add3A_738 = arith.constant 46 : i32
        %add3A_739 = vector.broadcast %add3A_738 : i32 to vector<16xi32>
        %add3A_740 = arith.addi %iota3A, %add3A_739 : vector<16xi32>
        %and3A_741 = arith.constant 63 : i32
        %and3A_742 = vector.broadcast %and3A_741 : i32 to vector<16xi32>
        %and3A_743 = arith.andi %add3A_740, %and3A_742 : vector<16xi32>
        %add3A_744 = arith.constant 1 : i32
        %add3A_745 = vector.broadcast %add3A_744 : i32 to vector<16xi32>
        %add3A_746 = arith.addi %and3A_743, %add3A_745 : vector<16xi32>
        %gather3A_747 = tpu.vector_load_idx %arg7[%add3A_95, %and3A_743] : memref<128x64xf32, #tpu.memory_space<vmem>>[vector<16xi32>, vector<16xi32>], vector<16xf32>,
        %gather3A_748 = tpu.vector_load_idx %arg11[%rem3A_99, %and3A_743] : memref<256x64xf32, #tpu.memory_space<vmem>>[vector<16xi32>, vector<16xi32>], vector<16xf32>,
        %add3A_749 = arith.addf %gather3A_747, %gather3A_748 : vector<16xf32>
        tpu.vector_store_idx %arg9[%add3A_95, %add3A_746], %add3A_749 : memref<128x65xf32, #tpu.memory_space<vmem>>[vector<16xi32>, vector<16xi32>], vector<16xf32>,
        %mul3A_750 = arith.mulf %add3A_749, %add3A_749 : vector<16xf32>
        %add3A_751 = arith.addf %add3A_695, %mul3A_750 : vector<16xf32>
        %add3A_752 = arith.constant 47 : i32
        %add3A_753 = vector.broadcast %add3A_752 : i32 to vector<16xi32>
        %add3A_754 = arith.addi %iota3A, %add3A_753 : vector<16xi32>
        %and3A_755 = arith.constant 63 : i32
        %and3A_756 = vector.broadcast %and3A_755 : i32 to vector<16xi32>
        %and3A_757 = arith.andi %add3A_754, %and3A_756 : vector<16xi32>
        %add3A_758 = arith.constant 1 : i32
        %add3A_759 = vector.broadcast %add3A_758 : i32 to vector<16xi32>
        %add3A_760 = arith.addi %and3A_757, %add3A_759 : vector<16xi32>
        %gather3A_761 = tpu.vector_load_idx %arg7[%add3A_95, %and3A_757] : memref<128x64xf32, #tpu.memory_space<vmem>>[vector<16xi32>, vector<16xi32>], vector<16xf32>,
        %gather3A_762 = tpu.vector_load_idx %arg11[%rem3A_99, %and3A_757] : memref<256x64xf32, #tpu.memory_space<vmem>>[vector<16xi32>, vector<16xi32>], vector<16xf32>,
        %add3A_763 = arith.addf %gather3A_761, %gather3A_762 : vector<16xf32>
        tpu.vector_store_idx %arg9[%add3A_95, %add3A_760], %add3A_763 : memref<128x65xf32, #tpu.memory_space<vmem>>[vector<16xi32>, vector<16xi32>], vector<16xf32>,
        %mul3A_764 = arith.mulf %add3A_763, %add3A_763 : vector<16xf32>
        %add3A_765 = arith.addf %add3A_709, %mul3A_764 : vector<16xf32>
        %add3A_766 = arith.constant 48 : i32
        %add3A_767 = vector.broadcast %add3A_766 : i32 to vector<16xi32>
        %add3A_768 = arith.addi %iota3A, %add3A_767 : vector<16xi32>
        %and3A_769 = arith.constant 63 : i32
        %and3A_770 = vector.broadcast %and3A_769 : i32 to vector<16xi32>
        %and3A_771 = arith.andi %add3A_768, %and3A_770 : vector<16xi32>
        %add3A_772 = arith.constant 1 : i32
        %add3A_773 = vector.broadcast %add3A_772 : i32 to vector<16xi32>
        %add3A_774 = arith.addi %and3A_771, %add3A_773 : vector<16xi32>
        %gather3A_775 = tpu.vector_load_idx %arg7[%add3A_95, %and3A_771] : memref<128x64xf32, #tpu.memory_space<vmem>>[vector<16xi32>, vector<16xi32>], vector<16xf32>,
        %gather3A_776 = tpu.vector_load_idx %arg11[%rem3A_99, %and3A_771] : memref<256x64xf32, #tpu.memory_space<vmem>>[vector<16xi32>, vector<16xi32>], vector<16xf32>,
        %add3A_777 = arith.addf %gather3A_775, %gather3A_776 : vector<16xf32>
        tpu.vector_store_idx %arg9[%add3A_95, %add3A_774], %add3A_777 : memref<128x65xf32, #tpu.memory_space<vmem>>[vector<16xi32>, vector<16xi32>], vector<16xf32>,
        %mul3A_778 = arith.mulf %add3A_777, %add3A_777 : vector<16xf32>
        %add3A_779 = arith.addf %add3A_723, %mul3A_778 : vector<16xf32>
        %add3A_780 = arith.constant 49 : i32
        %add3A_781 = vector.broadcast %add3A_780 : i32 to vector<16xi32>
        %add3A_782 = arith.addi %iota3A, %add3A_781 : vector<16xi32>
        %and3A_783 = arith.constant 63 : i32
        %and3A_784 = vector.broadcast %and3A_783 : i32 to vector<16xi32>
        %and3A_785 = arith.andi %add3A_782, %and3A_784 : vector<16xi32>
        %add3A_786 = arith.constant 1 : i32
        %add3A_787 = vector.broadcast %add3A_786 : i32 to vector<16xi32>
        %add3A_788 = arith.addi %and3A_785, %add3A_787 : vector<16xi32>
        %gather3A_789 = tpu.vector_load_idx %arg7[%add3A_95, %and3A_785] : memref<128x64xf32, #tpu.memory_space<vmem>>[vector<16xi32>, vector<16xi32>], vector<16xf32>,
        %gather3A_790 = tpu.vector_load_idx %arg11[%rem3A_99, %and3A_785] : memref<256x64xf32, #tpu.memory_space<vmem>>[vector<16xi32>, vector<16xi32>], vector<16xf32>,
        %add3A_791 = arith.addf %gather3A_789, %gather3A_790 : vector<16xf32>
        tpu.vector_store_idx %arg9[%add3A_95, %add3A_788], %add3A_791 : memref<128x65xf32, #tpu.memory_space<vmem>>[vector<16xi32>, vector<16xi32>], vector<16xf32>,
        %mul3A_792 = arith.mulf %add3A_791, %add3A_791 : vector<16xf32>
        %add3A_793 = arith.addf %add3A_737, %mul3A_792 : vector<16xf32>
        %add3A_794 = arith.constant 50 : i32
        %add3A_795 = vector.broadcast %add3A_794 : i32 to vector<16xi32>
        %add3A_796 = arith.addi %iota3A, %add3A_795 : vector<16xi32>
        %and3A_797 = arith.constant 63 : i32
        %and3A_798 = vector.broadcast %and3A_797 : i32 to vector<16xi32>
        %and3A_799 = arith.andi %add3A_796, %and3A_798 : vector<16xi32>
        %add3A_800 = arith.constant 1 : i32
        %add3A_801 = vector.broadcast %add3A_800 : i32 to vector<16xi32>
        %add3A_802 = arith.addi %and3A_799, %add3A_801 : vector<16xi32>
        %gather3A_803 = tpu.vector_load_idx %arg7[%add3A_95, %and3A_799] : memref<128x64xf32, #tpu.memory_space<vmem>>[vector<16xi32>, vector<16xi32>], vector<16xf32>,
        %gather3A_804 = tpu.vector_load_idx %arg11[%rem3A_99, %and3A_799] : memref<256x64xf32, #tpu.memory_space<vmem>>[vector<16xi32>, vector<16xi32>], vector<16xf32>,
        %add3A_805 = arith.addf %gather3A_803, %gather3A_804 : vector<16xf32>
        tpu.vector_store_idx %arg9[%add3A_95, %add3A_802], %add3A_805 : memref<128x65xf32, #tpu.memory_space<vmem>>[vector<16xi32>, vector<16xi32>], vector<16xf32>,
        %mul3A_806 = arith.mulf %add3A_805, %add3A_805 : vector<16xf32>
        %add3A_807 = arith.addf %add3A_751, %mul3A_806 : vector<16xf32>
        %add3A_808 = arith.constant 51 : i32
        %add3A_809 = vector.broadcast %add3A_808 : i32 to vector<16xi32>
        %add3A_810 = arith.addi %iota3A, %add3A_809 : vector<16xi32>
        %and3A_811 = arith.constant 63 : i32
        %and3A_812 = vector.broadcast %and3A_811 : i32 to vector<16xi32>
        %and3A_813 = arith.andi %add3A_810, %and3A_812 : vector<16xi32>
        %add3A_814 = arith.constant 1 : i32
        %add3A_815 = vector.broadcast %add3A_814 : i32 to vector<16xi32>
        %add3A_816 = arith.addi %and3A_813, %add3A_815 : vector<16xi32>
        %gather3A_817 = tpu.vector_load_idx %arg7[%add3A_95, %and3A_813] : memref<128x64xf32, #tpu.memory_space<vmem>>[vector<16xi32>, vector<16xi32>], vector<16xf32>,
        %gather3A_818 = tpu.vector_load_idx %arg11[%rem3A_99, %and3A_813] : memref<256x64xf32, #tpu.memory_space<vmem>>[vector<16xi32>, vector<16xi32>], vector<16xf32>,
        %add3A_819 = arith.addf %gather3A_817, %gather3A_818 : vector<16xf32>
        tpu.vector_store_idx %arg9[%add3A_95, %add3A_816], %add3A_819 : memref<128x65xf32, #tpu.memory_space<vmem>>[vector<16xi32>, vector<16xi32>], vector<16xf32>,
        %mul3A_820 = arith.mulf %add3A_819, %add3A_819 : vector<16xf32>
        %add3A_821 = arith.addf %add3A_765, %mul3A_820 : vector<16xf32>
        %add3A_822 = arith.constant 52 : i32
        %add3A_823 = vector.broadcast %add3A_822 : i32 to vector<16xi32>
        %add3A_824 = arith.addi %iota3A, %add3A_823 : vector<16xi32>
        %and3A_825 = arith.constant 63 : i32
        %and3A_826 = vector.broadcast %and3A_825 : i32 to vector<16xi32>
        %and3A_827 = arith.andi %add3A_824, %and3A_826 : vector<16xi32>
        %add3A_828 = arith.constant 1 : i32
        %add3A_829 = vector.broadcast %add3A_828 : i32 to vector<16xi32>
        %add3A_830 = arith.addi %and3A_827, %add3A_829 : vector<16xi32>
        %gather3A_831 = tpu.vector_load_idx %arg7[%add3A_95, %and3A_827] : memref<128x64xf32, #tpu.memory_space<vmem>>[vector<16xi32>, vector<16xi32>], vector<16xf32>,
        %gather3A_832 = tpu.vector_load_idx %arg11[%rem3A_99, %and3A_827] : memref<256x64xf32, #tpu.memory_space<vmem>>[vector<16xi32>, vector<16xi32>], vector<16xf32>,
        %add3A_833 = arith.addf %gather3A_831, %gather3A_832 : vector<16xf32>
        tpu.vector_store_idx %arg9[%add3A_95, %add3A_830], %add3A_833 : memref<128x65xf32, #tpu.memory_space<vmem>>[vector<16xi32>, vector<16xi32>], vector<16xf32>,
        %mul3A_834 = arith.mulf %add3A_833, %add3A_833 : vector<16xf32>
        %add3A_835 = arith.addf %add3A_779, %mul3A_834 : vector<16xf32>
        %add3A_836 = arith.constant 53 : i32
        %add3A_837 = vector.broadcast %add3A_836 : i32 to vector<16xi32>
        %add3A_838 = arith.addi %iota3A, %add3A_837 : vector<16xi32>
        %and3A_839 = arith.constant 63 : i32
        %and3A_840 = vector.broadcast %and3A_839 : i32 to vector<16xi32>
        %and3A_841 = arith.andi %add3A_838, %and3A_840 : vector<16xi32>
        %add3A_842 = arith.constant 1 : i32
        %add3A_843 = vector.broadcast %add3A_842 : i32 to vector<16xi32>
        %add3A_844 = arith.addi %and3A_841, %add3A_843 : vector<16xi32>
        %gather3A_845 = tpu.vector_load_idx %arg7[%add3A_95, %and3A_841] : memref<128x64xf32, #tpu.memory_space<vmem>>[vector<16xi32>, vector<16xi32>], vector<16xf32>,
        %gather3A_846 = tpu.vector_load_idx %arg11[%rem3A_99, %and3A_841] : memref<256x64xf32, #tpu.memory_space<vmem>>[vector<16xi32>, vector<16xi32>], vector<16xf32>,
        %add3A_847 = arith.addf %gather3A_845, %gather3A_846 : vector<16xf32>
        tpu.vector_store_idx %arg9[%add3A_95, %add3A_844], %add3A_847 : memref<128x65xf32, #tpu.memory_space<vmem>>[vector<16xi32>, vector<16xi32>], vector<16xf32>,
        %mul3A_848 = arith.mulf %add3A_847, %add3A_847 : vector<16xf32>
        %add3A_849 = arith.addf %add3A_793, %mul3A_848 : vector<16xf32>
        %add3A_850 = arith.constant 54 : i32
        %add3A_851 = vector.broadcast %add3A_850 : i32 to vector<16xi32>
        %add3A_852 = arith.addi %iota3A, %add3A_851 : vector<16xi32>
        %and3A_853 = arith.constant 63 : i32
        %and3A_854 = vector.broadcast %and3A_853 : i32 to vector<16xi32>
        %and3A_855 = arith.andi %add3A_852, %and3A_854 : vector<16xi32>
        %add3A_856 = arith.constant 1 : i32
        %add3A_857 = vector.broadcast %add3A_856 : i32 to vector<16xi32>
        %add3A_858 = arith.addi %and3A_855, %add3A_857 : vector<16xi32>
        %gather3A_859 = tpu.vector_load_idx %arg7[%add3A_95, %and3A_855] : memref<128x64xf32, #tpu.memory_space<vmem>>[vector<16xi32>, vector<16xi32>], vector<16xf32>,
        %gather3A_860 = tpu.vector_load_idx %arg11[%rem3A_99, %and3A_855] : memref<256x64xf32, #tpu.memory_space<vmem>>[vector<16xi32>, vector<16xi32>], vector<16xf32>,
        %add3A_861 = arith.addf %gather3A_859, %gather3A_860 : vector<16xf32>
        tpu.vector_store_idx %arg9[%add3A_95, %add3A_858], %add3A_861 : memref<128x65xf32, #tpu.memory_space<vmem>>[vector<16xi32>, vector<16xi32>], vector<16xf32>,
        %mul3A_862 = arith.mulf %add3A_861, %add3A_861 : vector<16xf32>
        %add3A_863 = arith.addf %add3A_807, %mul3A_862 : vector<16xf32>
        %add3A_864 = arith.constant 55 : i32
        %add3A_865 = vector.broadcast %add3A_864 : i32 to vector<16xi32>
        %add3A_866 = arith.addi %iota3A, %add3A_865 : vector<16xi32>
        %and3A_867 = arith.constant 63 : i32
        %and3A_868 = vector.broadcast %and3A_867 : i32 to vector<16xi32>
        %and3A_869 = arith.andi %add3A_866, %and3A_868 : vector<16xi32>
        %add3A_870 = arith.constant 1 : i32
        %add3A_871 = vector.broadcast %add3A_870 : i32 to vector<16xi32>
        %add3A_872 = arith.addi %and3A_869, %add3A_871 : vector<16xi32>
        %gather3A_873 = tpu.vector_load_idx %arg7[%add3A_95, %and3A_869] : memref<128x64xf32, #tpu.memory_space<vmem>>[vector<16xi32>, vector<16xi32>], vector<16xf32>,
        %gather3A_874 = tpu.vector_load_idx %arg11[%rem3A_99, %and3A_869] : memref<256x64xf32, #tpu.memory_space<vmem>>[vector<16xi32>, vector<16xi32>], vector<16xf32>,
        %add3A_875 = arith.addf %gather3A_873, %gather3A_874 : vector<16xf32>
        tpu.vector_store_idx %arg9[%add3A_95, %add3A_872], %add3A_875 : memref<128x65xf32, #tpu.memory_space<vmem>>[vector<16xi32>, vector<16xi32>], vector<16xf32>,
        %mul3A_876 = arith.mulf %add3A_875, %add3A_875 : vector<16xf32>
        %add3A_877 = arith.addf %add3A_821, %mul3A_876 : vector<16xf32>
        %add3A_878 = arith.constant 56 : i32
        %add3A_879 = vector.broadcast %add3A_878 : i32 to vector<16xi32>
        %add3A_880 = arith.addi %iota3A, %add3A_879 : vector<16xi32>
        %and3A_881 = arith.constant 63 : i32
        %and3A_882 = vector.broadcast %and3A_881 : i32 to vector<16xi32>
        %and3A_883 = arith.andi %add3A_880, %and3A_882 : vector<16xi32>
        %add3A_884 = arith.constant 1 : i32
        %add3A_885 = vector.broadcast %add3A_884 : i32 to vector<16xi32>
        %add3A_886 = arith.addi %and3A_883, %add3A_885 : vector<16xi32>
        %gather3A_887 = tpu.vector_load_idx %arg7[%add3A_95, %and3A_883] : memref<128x64xf32, #tpu.memory_space<vmem>>[vector<16xi32>, vector<16xi32>], vector<16xf32>,
        %gather3A_888 = tpu.vector_load_idx %arg11[%rem3A_99, %and3A_883] : memref<256x64xf32, #tpu.memory_space<vmem>>[vector<16xi32>, vector<16xi32>], vector<16xf32>,
        %add3A_889 = arith.addf %gather3A_887, %gather3A_888 : vector<16xf32>
        tpu.vector_store_idx %arg9[%add3A_95, %add3A_886], %add3A_889 : memref<128x65xf32, #tpu.memory_space<vmem>>[vector<16xi32>, vector<16xi32>], vector<16xf32>,
        %mul3A_890 = arith.mulf %add3A_889, %add3A_889 : vector<16xf32>
        %add3A_891 = arith.addf %add3A_835, %mul3A_890 : vector<16xf32>
        %add3A_892 = arith.constant 57 : i32
        %add3A_893 = vector.broadcast %add3A_892 : i32 to vector<16xi32>
        %add3A_894 = arith.addi %iota3A, %add3A_893 : vector<16xi32>
        %and3A_895 = arith.constant 63 : i32
        %and3A_896 = vector.broadcast %and3A_895 : i32 to vector<16xi32>
        %and3A_897 = arith.andi %add3A_894, %and3A_896 : vector<16xi32>
        %add3A_898 = arith.constant 1 : i32
        %add3A_899 = vector.broadcast %add3A_898 : i32 to vector<16xi32>
        %add3A_900 = arith.addi %and3A_897, %add3A_899 : vector<16xi32>
        %gather3A_901 = tpu.vector_load_idx %arg7[%add3A_95, %and3A_897] : memref<128x64xf32, #tpu.memory_space<vmem>>[vector<16xi32>, vector<16xi32>], vector<16xf32>,
        %gather3A_902 = tpu.vector_load_idx %arg11[%rem3A_99, %and3A_897] : memref<256x64xf32, #tpu.memory_space<vmem>>[vector<16xi32>, vector<16xi32>], vector<16xf32>,
        %add3A_903 = arith.addf %gather3A_901, %gather3A_902 : vector<16xf32>
        tpu.vector_store_idx %arg9[%add3A_95, %add3A_900], %add3A_903 : memref<128x65xf32, #tpu.memory_space<vmem>>[vector<16xi32>, vector<16xi32>], vector<16xf32>,
        %mul3A_904 = arith.mulf %add3A_903, %add3A_903 : vector<16xf32>
        %add3A_905 = arith.addf %add3A_849, %mul3A_904 : vector<16xf32>
        %add3A_906 = arith.constant 58 : i32
        %add3A_907 = vector.broadcast %add3A_906 : i32 to vector<16xi32>
        %add3A_908 = arith.addi %iota3A, %add3A_907 : vector<16xi32>
        %and3A_909 = arith.constant 63 : i32
        %and3A_910 = vector.broadcast %and3A_909 : i32 to vector<16xi32>
        %and3A_911 = arith.andi %add3A_908, %and3A_910 : vector<16xi32>
        %add3A_912 = arith.constant 1 : i32
        %add3A_913 = vector.broadcast %add3A_912 : i32 to vector<16xi32>
        %add3A_914 = arith.addi %and3A_911, %add3A_913 : vector<16xi32>
        %gather3A_915 = tpu.vector_load_idx %arg7[%add3A_95, %and3A_911] : memref<128x64xf32, #tpu.memory_space<vmem>>[vector<16xi32>, vector<16xi32>], vector<16xf32>,
        %gather3A_916 = tpu.vector_load_idx %arg11[%rem3A_99, %and3A_911] : memref<256x64xf32, #tpu.memory_space<vmem>>[vector<16xi32>, vector<16xi32>], vector<16xf32>,
        %add3A_917 = arith.addf %gather3A_915, %gather3A_916 : vector<16xf32>
        tpu.vector_store_idx %arg9[%add3A_95, %add3A_914], %add3A_917 : memref<128x65xf32, #tpu.memory_space<vmem>>[vector<16xi32>, vector<16xi32>], vector<16xf32>,
        %mul3A_918 = arith.mulf %add3A_917, %add3A_917 : vector<16xf32>
        %add3A_919 = arith.addf %add3A_863, %mul3A_918 : vector<16xf32>
        %add3A_920 = arith.constant 59 : i32
        %add3A_921 = vector.broadcast %add3A_920 : i32 to vector<16xi32>
        %add3A_922 = arith.addi %iota3A, %add3A_921 : vector<16xi32>
        %and3A_923 = arith.constant 63 : i32
        %and3A_924 = vector.broadcast %and3A_923 : i32 to vector<16xi32>
        %and3A_925 = arith.andi %add3A_922, %and3A_924 : vector<16xi32>
        %add3A_926 = arith.constant 1 : i32
        %add3A_927 = vector.broadcast %add3A_926 : i32 to vector<16xi32>
        %add3A_928 = arith.addi %and3A_925, %add3A_927 : vector<16xi32>
        %gather3A_929 = tpu.vector_load_idx %arg7[%add3A_95, %and3A_925] : memref<128x64xf32, #tpu.memory_space<vmem>>[vector<16xi32>, vector<16xi32>], vector<16xf32>,
        %gather3A_930 = tpu.vector_load_idx %arg11[%rem3A_99, %and3A_925] : memref<256x64xf32, #tpu.memory_space<vmem>>[vector<16xi32>, vector<16xi32>], vector<16xf32>,
        %add3A_931 = arith.addf %gather3A_929, %gather3A_930 : vector<16xf32>
        tpu.vector_store_idx %arg9[%add3A_95, %add3A_928], %add3A_931 : memref<128x65xf32, #tpu.memory_space<vmem>>[vector<16xi32>, vector<16xi32>], vector<16xf32>,
        %mul3A_932 = arith.mulf %add3A_931, %add3A_931 : vector<16xf32>
        %add3A_933 = arith.addf %add3A_877, %mul3A_932 : vector<16xf32>
        %add3A_934 = arith.constant 60 : i32
        %add3A_935 = vector.broadcast %add3A_934 : i32 to vector<16xi32>
        %add3A_936 = arith.addi %iota3A, %add3A_935 : vector<16xi32>
        %and3A_937 = arith.constant 63 : i32
        %and3A_938 = vector.broadcast %and3A_937 : i32 to vector<16xi32>
        %and3A_939 = arith.andi %add3A_936, %and3A_938 : vector<16xi32>
        %add3A_940 = arith.constant 1 : i32
        %add3A_941 = vector.broadcast %add3A_940 : i32 to vector<16xi32>
        %add3A_942 = arith.addi %and3A_939, %add3A_941 : vector<16xi32>
        %gather3A_943 = tpu.vector_load_idx %arg7[%add3A_95, %and3A_939] : memref<128x64xf32, #tpu.memory_space<vmem>>[vector<16xi32>, vector<16xi32>], vector<16xf32>,
        %gather3A_944 = tpu.vector_load_idx %arg11[%rem3A_99, %and3A_939] : memref<256x64xf32, #tpu.memory_space<vmem>>[vector<16xi32>, vector<16xi32>], vector<16xf32>,
        %add3A_945 = arith.addf %gather3A_943, %gather3A_944 : vector<16xf32>
        tpu.vector_store_idx %arg9[%add3A_95, %add3A_942], %add3A_945 : memref<128x65xf32, #tpu.memory_space<vmem>>[vector<16xi32>, vector<16xi32>], vector<16xf32>,
        %mul3A_946 = arith.mulf %add3A_945, %add3A_945 : vector<16xf32>
        %add3A_947 = arith.addf %add3A_891, %mul3A_946 : vector<16xf32>
        %add3A_948 = arith.constant 61 : i32
        %add3A_949 = vector.broadcast %add3A_948 : i32 to vector<16xi32>
        %add3A_950 = arith.addi %iota3A, %add3A_949 : vector<16xi32>
        %and3A_951 = arith.constant 63 : i32
        %and3A_952 = vector.broadcast %and3A_951 : i32 to vector<16xi32>
        %and3A_953 = arith.andi %add3A_950, %and3A_952 : vector<16xi32>
        %add3A_954 = arith.constant 1 : i32
        %add3A_955 = vector.broadcast %add3A_954 : i32 to vector<16xi32>
        %add3A_956 = arith.addi %and3A_953, %add3A_955 : vector<16xi32>
        %gather3A_957 = tpu.vector_load_idx %arg7[%add3A_95, %and3A_953] : memref<128x64xf32, #tpu.memory_space<vmem>>[vector<16xi32>, vector<16xi32>], vector<16xf32>,
        %gather3A_958 = tpu.vector_load_idx %arg11[%rem3A_99, %and3A_953] : memref<256x64xf32, #tpu.memory_space<vmem>>[vector<16xi32>, vector<16xi32>], vector<16xf32>,
        %add3A_959 = arith.addf %gather3A_957, %gather3A_958 : vector<16xf32>
        tpu.vector_store_idx %arg9[%add3A_95, %add3A_956], %add3A_959 : memref<128x65xf32, #tpu.memory_space<vmem>>[vector<16xi32>, vector<16xi32>], vector<16xf32>,
        %mul3A_960 = arith.mulf %add3A_959, %add3A_959 : vector<16xf32>
        %add3A_961 = arith.addf %add3A_905, %mul3A_960 : vector<16xf32>
        %add3A_962 = arith.constant 62 : i32
        %add3A_963 = vector.broadcast %add3A_962 : i32 to vector<16xi32>
        %add3A_964 = arith.addi %iota3A, %add3A_963 : vector<16xi32>
        %and3A_965 = arith.constant 63 : i32
        %and3A_966 = vector.broadcast %and3A_965 : i32 to vector<16xi32>
        %and3A_967 = arith.andi %add3A_964, %and3A_966 : vector<16xi32>
        %add3A_968 = arith.constant 1 : i32
        %add3A_969 = vector.broadcast %add3A_968 : i32 to vector<16xi32>
        %add3A_970 = arith.addi %and3A_967, %add3A_969 : vector<16xi32>
        %gather3A_971 = tpu.vector_load_idx %arg7[%add3A_95, %and3A_967] : memref<128x64xf32, #tpu.memory_space<vmem>>[vector<16xi32>, vector<16xi32>], vector<16xf32>,
        %gather3A_972 = tpu.vector_load_idx %arg11[%rem3A_99, %and3A_967] : memref<256x64xf32, #tpu.memory_space<vmem>>[vector<16xi32>, vector<16xi32>], vector<16xf32>,
        %add3A_973 = arith.addf %gather3A_971, %gather3A_972 : vector<16xf32>
        tpu.vector_store_idx %arg9[%add3A_95, %add3A_970], %add3A_973 : memref<128x65xf32, #tpu.memory_space<vmem>>[vector<16xi32>, vector<16xi32>], vector<16xf32>,
        %mul3A_974 = arith.mulf %add3A_973, %add3A_973 : vector<16xf32>
        %add3A_975 = arith.addf %add3A_919, %mul3A_974 : vector<16xf32>
        %add3A_976 = arith.constant 63 : i32
        %add3A_977 = vector.broadcast %add3A_976 : i32 to vector<16xi32>
        %add3A_978 = arith.addi %iota3A, %add3A_977 : vector<16xi32>
        %and3A_979 = arith.constant 63 : i32
        %and3A_980 = vector.broadcast %and3A_979 : i32 to vector<16xi32>
        %and3A_981 = arith.andi %add3A_978, %and3A_980 : vector<16xi32>
        %add3A_982 = arith.constant 1 : i32
        %add3A_983 = vector.broadcast %add3A_982 : i32 to vector<16xi32>
        %add3A_984 = arith.addi %and3A_981, %add3A_983 : vector<16xi32>
        %gather3A_985 = tpu.vector_load_idx %arg7[%add3A_95, %and3A_981] : memref<128x64xf32, #tpu.memory_space<vmem>>[vector<16xi32>, vector<16xi32>], vector<16xf32>,
        %gather3A_986 = tpu.vector_load_idx %arg11[%rem3A_99, %and3A_981] : memref<256x64xf32, #tpu.memory_space<vmem>>[vector<16xi32>, vector<16xi32>], vector<16xf32>,
        %add3A_987 = arith.addf %gather3A_985, %gather3A_986 : vector<16xf32>
        tpu.vector_store_idx %arg9[%add3A_95, %add3A_984], %add3A_987 : memref<128x65xf32, #tpu.memory_space<vmem>>[vector<16xi32>, vector<16xi32>], vector<16xf32>,
        %mul3A_988 = arith.mulf %add3A_987, %add3A_987 : vector<16xf32>
        %add3A_989 = arith.addf %add3A_933, %mul3A_988 : vector<16xf32>
        %add3A_990 = arith.addf %add3A_947, %add3A_961 : vector<16xf32>
        %add3A_991 = arith.addf %add3A_975, %add3A_989 : vector<16xf32>
        %add3A_992 = arith.addf %add3A_990, %add3A_991 : vector<16xf32>
        %add3A_993 = arith.constant 1.000000e+00 : f32
        %add3A_994 = vector.broadcast %add3A_993 : f32 to vector<16xf32>
        %add3A_995 = arith.addf %add3A_992, %add3A_994 : vector<16xf32>
        %bitcast_convert_type3A = tpu.bitcast %add3A_995 : vector<16xf32> -> vector<16xi32>
        %shift_right_logical3A = arith.constant 1 : i32
        %shift_right_logical3A_996 = vector.broadcast %shift_right_logical3A : i32 to vector<16xi32>
        %shift_right_logical3A_997 = arith.shrui %bitcast_convert_type3A, %shift_right_logical3A_996 : vector<16xi32>
        %sub3A = arith.constant 1597463007 : i32
        %sub3A_998 = vector.broadcast %sub3A : i32 to vector<16xi32>
        %sub3A_999 = arith.subi %sub3A_998, %shift_right_logical3A_997 : vector<16xi32>
        %bitcast_convert_type3A_1000 = tpu.bitcast %sub3A_999 : vector<16xi32> -> vector<16xf32>
        %mul3A_1001 = arith.constant 5.000000e-01 : f32
        %mul3A_1002 = vector.broadcast %mul3A_1001 : f32 to vector<16xf32>
        %mul3A_1003 = arith.mulf %mul3A_1002, %add3A_995 : vector<16xf32>
        %mul3A_1004 = arith.mulf %mul3A_1003, %bitcast_convert_type3A_1000 : vector<16xf32>
        %mul3A_1005 = arith.mulf %mul3A_1004, %bitcast_convert_type3A_1000 : vector<16xf32>
        %sub3A_1006 = arith.constant 1.500000e+00 : f32
        %sub3A_1007 = vector.broadcast %sub3A_1006 : f32 to vector<16xf32>
        %sub3A_1008 = arith.subf %sub3A_1007, %mul3A_1005 : vector<16xf32>
        %mul3A_1009 = arith.mulf %bitcast_convert_type3A_1000, %sub3A_1008 : vector<16xf32>
        %mul3A_1010 = arith.constant 5.000000e-01 : f32
        %mul3A_1011 = vector.broadcast %mul3A_1010 : f32 to vector<16xf32>
        %mul3A_1012 = arith.mulf %mul3A_1011, %add3A_995 : vector<16xf32>
        %mul3A_1013 = arith.mulf %mul3A_1012, %mul3A_1009 : vector<16xf32>
        %mul3A_1014 = arith.mulf %mul3A_1013, %mul3A_1009 : vector<16xf32>
        %sub3A_1015 = arith.constant 1.500000e+00 : f32
        %sub3A_1016 = vector.broadcast %sub3A_1015 : f32 to vector<16xf32>
        %sub3A_1017 = arith.subf %sub3A_1016, %mul3A_1014 : vector<16xf32>
        %mul3A_1018 = arith.mulf %mul3A_1009, %sub3A_1017 : vector<16xf32>
        %mul3A_1019 = arith.constant 5.000000e-01 : f32
        %mul3A_1020 = vector.broadcast %mul3A_1019 : f32 to vector<16xf32>
        %mul3A_1021 = arith.mulf %mul3A_1020, %add3A_995 : vector<16xf32>
        %mul3A_1022 = arith.mulf %mul3A_1021, %mul3A_1018 : vector<16xf32>
        %mul3A_1023 = arith.mulf %mul3A_1022, %mul3A_1018 : vector<16xf32>
        %sub3A_1024 = arith.constant 1.500000e+00 : f32
        %sub3A_1025 = vector.broadcast %sub3A_1024 : f32 to vector<16xf32>
        %sub3A_1026 = arith.subf %sub3A_1025, %mul3A_1023 : vector<16xf32>
        %mul3A_1027 = arith.mulf %mul3A_1018, %sub3A_1026 : vector<16xf32>
        %mul3A_1028 = arith.mulf %add3A_995, %mul3A_1027 : vector<16xf32>
        tpu.vector_store_idx %arg9[%add3A_95, %broadcast_in_dim3A_3], %mul3A_1028 : memref<128x65xf32, #tpu.memory_space<vmem>>[vector<16xi32>, vector<16xi32>], vector<16xf32>,
      }
      %scan3A_46 = arith.constant 8 : i32
      %mul3A_47 = arith.constant 128 : i32
      %mul3A_48 = arith.muli %add3A_24, %mul3A_47 : i32
      %add3A_49 = arith.addi %mul3A_2, %mul3A_48 : i32
      %dma_start3A_50 = arith.constant 0 : i32
      %dma_start3A_51 = tpu.memref_slice %arg5[%add3A_49, %dma_start3A_50] : memref<819200x65xf32, #tpu.memory_space<hbm>> -> memref<128x65xf32, #tpu.memory_space<hbm>>
      %dma_start3A_52 = arith.constant 0 : i32
      %dma_start3A_53 = tpu.memref_slice %arg5[%add3A_49, %dma_start3A_52] : memref<819200x65xf32, #tpu.memory_space<hbm>> -> memref<128x65xf32, #tpu.memory_space<hbm>>
      tpu.enqueue_dma source(%arg9 : memref<128x65xf32, #tpu.memory_space<vmem>>) target(%dma_start3A_53 : memref<128x65xf32, #tpu.memory_space<hbm>>) target_semaphore(%arg14 : memref<!tpu.dma_semaphore, #tpu.memory_space<semaphore_mem>>)
      %mul3A_54 = arith.constant 2 : i32
      %mul3A_55 = arith.muli %mul3A_54, %scan3A_20 : i32
      %add3A_56 = arith.constant 1 : i32
      %add3A_57 = arith.addi %mul3A_55, %add3A_56 : i32
      %add3A_58 = arith.constant 1 : i32
      %add3A_59 = arith.addi %add3A_57, %add3A_58 : i32
      %lt3A_60 = arith.constant 200 : i32
      %lt3A_61 = arith.cmpi slt, %add3A_59, %lt3A_60 : i32
      %convert_element_type3A_62 = arith.extui %lt3A_61 : i1 to i32
      %cond3A_63 = arith.constant 0 : i32
      %cond3A_64 = arith.cmpi ne, %convert_element_type3A_62, %cond3A_63 : i32
      scf.if %cond3A_64 {
        %add3A_91 = arith.constant 1 : i32
        %add3A_92 = arith.addi %add3A_57, %add3A_91 : i32
        %mul3A_93 = arith.constant 128 : i32
        %mul3A_94 = arith.muli %add3A_92, %mul3A_93 : i32
        %dma_start3A_95 = tpu.memref_slice %arg6[%mul3A_94] : memref<25600xi32, #tpu.memory_space<vmem>> -> memref<128xi32, #tpu.memory_space<vmem>>
        %dma_start3A_96 = arith.constant 0 : i32
        %dma_start3A_97 = arith.constant 0 : i32
        %dma_start3A_98 = tpu.memref_slice %arg3[%dma_start3A_96, %dma_start3A_97] : memref<100000x64xf32, #tpu.memory_space<hbm>> -> memref<100000x64xf32, #tpu.memory_space<hbm>>
        tpu.enqueue_indirect_dma source(%dma_start3A_98 : memref<100000x64xf32, #tpu.memory_space<hbm>>) target(%arg7 : memref<128x64xf32, #tpu.memory_space<vmem>>) offsets(%dma_start3A_95 : memref<128xi32, #tpu.memory_space<vmem>>) semaphore(%arg12 : memref<!tpu.dma_semaphore, #tpu.memory_space<semaphore_mem>>)
      } else {
      }
      %dma_wait3A_65 = arith.constant 0 : i32
      %dma_wait3A_66 = tpu.memref_slice %arg6[%dma_wait3A_65] : memref<25600xi32, #tpu.memory_space<vmem>> -> memref<128xi32, #tpu.memory_space<vmem>>
      %dma_wait3A_67 = arith.constant 0 : i32
      %dma_wait3A_68 = arith.constant 0 : i32
      %dma_wait3A_69 = tpu.memref_slice %arg3[%dma_wait3A_67, %dma_wait3A_68] : memref<100000x64xf32, #tpu.memory_space<hbm>> -> memref<100000x64xf32, #tpu.memory_space<hbm>>
      tpu.wait_indirect_dma semaphore(%arg13 : memref<!tpu.dma_semaphore, #tpu.memory_space<semaphore_mem>>) src(%dma_wait3A_69 : memref<100000x64xf32, #tpu.memory_space<hbm>>) dst(%arg8 : memref<128x64xf32, #tpu.memory_space<vmem>>)
      %ge3A_70 = arith.constant 2 : i32
      %ge3A_71 = arith.cmpi sge, %add3A_57, %ge3A_70 : i32
      %convert_element_type3A_72 = arith.extui %ge3A_71 : i1 to i32
      %cond3A_73 = arith.constant 0 : i32
      %cond3A_74 = arith.cmpi ne, %convert_element_type3A_72, %cond3A_73 : i32
      scf.if %cond3A_74 {
        %dma_wait3A_91 = arith.constant 0 : i32
        %dma_wait3A_92 = tpu.memref_slice %arg5[%mul3A_2, %dma_wait3A_91] : memref<819200x65xf32, #tpu.memory_space<hbm>> -> memref<128x65xf32, #tpu.memory_space<hbm>>
        %dma_wait3A_93 = arith.constant 0 : i32
        %dma_wait3A_94 = tpu.memref_slice %arg5[%mul3A_2, %dma_wait3A_93] : memref<819200x65xf32, #tpu.memory_space<hbm>> -> memref<128x65xf32, #tpu.memory_space<hbm>>
        tpu.wait_dma2 semaphore(%arg15 : memref<!tpu.dma_semaphore, #tpu.memory_space<semaphore_mem>>) src(%arg10 : memref<128x65xf32, #tpu.memory_space<vmem>>) dst(%dma_wait3A_94 : memref<128x65xf32, #tpu.memory_space<hbm>>)
      } else {
      }
      %mul3A_75 = arith.constant 128 : i32
      %mul3A_76 = arith.muli %add3A_57, %mul3A_75 : i32
      %add3A_77 = arith.addi %mul3A_2, %mul3A_76 : i32
      %scan3A_78 = arith.constant 0 : i32
      %scan3A_79 = arith.constant 0 : i32
      %scan3A_80 = arith.constant 8 : i32
      %scan3A_81 = arith.addi %scan3A_79, %scan3A_80 : i32
      %scan3A_82 = arith.constant 1 : i32
      scf.for %scan3A_91 = %scan3A_79 to %scan3A_81 step %scan3A_82  : i32 {
        %mul3A_92 = arith.constant 16 : i32
        %mul3A_93 = arith.muli %scan3A_91, %mul3A_92 : i32
        %add3A_94 = vector.broadcast %mul3A_93 : i32 to vector<16xi32>
        %add3A_95 = arith.addi %add3A_94, %iota3A : vector<16xi32>
        %add3A_96 = vector.broadcast %add3A_77 : i32 to vector<16xi32>
        %add3A_97 = arith.addi %add3A_96, %add3A_95 : vector<16xi32>
        %rem3A = arith.constant 200 : i32
        %rem3A_98 = vector.broadcast %rem3A : i32 to vector<16xi32>
        %rem3A_99 = arith.remsi %add3A_97, %rem3A_98 : vector<16xi32>
        %add3A_100 = arith.constant 0 : i32
        %add3A_101 = vector.broadcast %add3A_100 : i32 to vector<16xi32>
        %add3A_102 = arith.addi %iota3A, %add3A_101 : vector<16xi32>
        %and3A = arith.constant 63 : i32
        %and3A_103 = vector.broadcast %and3A : i32 to vector<16xi32>
        %and3A_104 = arith.andi %add3A_102, %and3A_103 : vector<16xi32>
        %add3A_105 = arith.constant 1 : i32
        %add3A_106 = vector.broadcast %add3A_105 : i32 to vector<16xi32>
        %add3A_107 = arith.addi %and3A_104, %add3A_106 : vector<16xi32>
        %gather3A = tpu.vector_load_idx %arg8[%add3A_95, %and3A_104] : memref<128x64xf32, #tpu.memory_space<vmem>>[vector<16xi32>, vector<16xi32>], vector<16xf32>,
        %gather3A_108 = tpu.vector_load_idx %arg11[%rem3A_99, %and3A_104] : memref<256x64xf32, #tpu.memory_space<vmem>>[vector<16xi32>, vector<16xi32>], vector<16xf32>,
        %add3A_109 = arith.addf %gather3A, %gather3A_108 : vector<16xf32>
        tpu.vector_store_idx %arg10[%add3A_95, %add3A_107], %add3A_109 : memref<128x65xf32, #tpu.memory_space<vmem>>[vector<16xi32>, vector<16xi32>], vector<16xf32>,
        %mul3A_110 = arith.mulf %add3A_109, %add3A_109 : vector<16xf32>
        %add3A_111 = arith.constant 1 : i32
        %add3A_112 = vector.broadcast %add3A_111 : i32 to vector<16xi32>
        %add3A_113 = arith.addi %iota3A, %add3A_112 : vector<16xi32>
        %and3A_114 = arith.constant 63 : i32
        %and3A_115 = vector.broadcast %and3A_114 : i32 to vector<16xi32>
        %and3A_116 = arith.andi %add3A_113, %and3A_115 : vector<16xi32>
        %add3A_117 = arith.constant 1 : i32
        %add3A_118 = vector.broadcast %add3A_117 : i32 to vector<16xi32>
        %add3A_119 = arith.addi %and3A_116, %add3A_118 : vector<16xi32>
        %gather3A_120 = tpu.vector_load_idx %arg8[%add3A_95, %and3A_116] : memref<128x64xf32, #tpu.memory_space<vmem>>[vector<16xi32>, vector<16xi32>], vector<16xf32>,
        %gather3A_121 = tpu.vector_load_idx %arg11[%rem3A_99, %and3A_116] : memref<256x64xf32, #tpu.memory_space<vmem>>[vector<16xi32>, vector<16xi32>], vector<16xf32>,
        %add3A_122 = arith.addf %gather3A_120, %gather3A_121 : vector<16xf32>
        tpu.vector_store_idx %arg10[%add3A_95, %add3A_119], %add3A_122 : memref<128x65xf32, #tpu.memory_space<vmem>>[vector<16xi32>, vector<16xi32>], vector<16xf32>,
        %mul3A_123 = arith.mulf %add3A_122, %add3A_122 : vector<16xf32>
        %add3A_124 = arith.constant 2 : i32
        %add3A_125 = vector.broadcast %add3A_124 : i32 to vector<16xi32>
        %add3A_126 = arith.addi %iota3A, %add3A_125 : vector<16xi32>
        %and3A_127 = arith.constant 63 : i32
        %and3A_128 = vector.broadcast %and3A_127 : i32 to vector<16xi32>
        %and3A_129 = arith.andi %add3A_126, %and3A_128 : vector<16xi32>
        %add3A_130 = arith.constant 1 : i32
        %add3A_131 = vector.broadcast %add3A_130 : i32 to vector<16xi32>
        %add3A_132 = arith.addi %and3A_129, %add3A_131 : vector<16xi32>
        %gather3A_133 = tpu.vector_load_idx %arg8[%add3A_95, %and3A_129] : memref<128x64xf32, #tpu.memory_space<vmem>>[vector<16xi32>, vector<16xi32>], vector<16xf32>,
        %gather3A_134 = tpu.vector_load_idx %arg11[%rem3A_99, %and3A_129] : memref<256x64xf32, #tpu.memory_space<vmem>>[vector<16xi32>, vector<16xi32>], vector<16xf32>,
        %add3A_135 = arith.addf %gather3A_133, %gather3A_134 : vector<16xf32>
        tpu.vector_store_idx %arg10[%add3A_95, %add3A_132], %add3A_135 : memref<128x65xf32, #tpu.memory_space<vmem>>[vector<16xi32>, vector<16xi32>], vector<16xf32>,
        %mul3A_136 = arith.mulf %add3A_135, %add3A_135 : vector<16xf32>
        %add3A_137 = arith.constant 3 : i32
        %add3A_138 = vector.broadcast %add3A_137 : i32 to vector<16xi32>
        %add3A_139 = arith.addi %iota3A, %add3A_138 : vector<16xi32>
        %and3A_140 = arith.constant 63 : i32
        %and3A_141 = vector.broadcast %and3A_140 : i32 to vector<16xi32>
        %and3A_142 = arith.andi %add3A_139, %and3A_141 : vector<16xi32>
        %add3A_143 = arith.constant 1 : i32
        %add3A_144 = vector.broadcast %add3A_143 : i32 to vector<16xi32>
        %add3A_145 = arith.addi %and3A_142, %add3A_144 : vector<16xi32>
        %gather3A_146 = tpu.vector_load_idx %arg8[%add3A_95, %and3A_142] : memref<128x64xf32, #tpu.memory_space<vmem>>[vector<16xi32>, vector<16xi32>], vector<16xf32>,
        %gather3A_147 = tpu.vector_load_idx %arg11[%rem3A_99, %and3A_142] : memref<256x64xf32, #tpu.memory_space<vmem>>[vector<16xi32>, vector<16xi32>], vector<16xf32>,
        %add3A_148 = arith.addf %gather3A_146, %gather3A_147 : vector<16xf32>
        tpu.vector_store_idx %arg10[%add3A_95, %add3A_145], %add3A_148 : memref<128x65xf32, #tpu.memory_space<vmem>>[vector<16xi32>, vector<16xi32>], vector<16xf32>,
        %mul3A_149 = arith.mulf %add3A_148, %add3A_148 : vector<16xf32>
        %add3A_150 = arith.constant 4 : i32
        %add3A_151 = vector.broadcast %add3A_150 : i32 to vector<16xi32>
        %add3A_152 = arith.addi %iota3A, %add3A_151 : vector<16xi32>
        %and3A_153 = arith.constant 63 : i32
        %and3A_154 = vector.broadcast %and3A_153 : i32 to vector<16xi32>
        %and3A_155 = arith.andi %add3A_152, %and3A_154 : vector<16xi32>
        %add3A_156 = arith.constant 1 : i32
        %add3A_157 = vector.broadcast %add3A_156 : i32 to vector<16xi32>
        %add3A_158 = arith.addi %and3A_155, %add3A_157 : vector<16xi32>
        %gather3A_159 = tpu.vector_load_idx %arg8[%add3A_95, %and3A_155] : memref<128x64xf32, #tpu.memory_space<vmem>>[vector<16xi32>, vector<16xi32>], vector<16xf32>,
        %gather3A_160 = tpu.vector_load_idx %arg11[%rem3A_99, %and3A_155] : memref<256x64xf32, #tpu.memory_space<vmem>>[vector<16xi32>, vector<16xi32>], vector<16xf32>,
        %add3A_161 = arith.addf %gather3A_159, %gather3A_160 : vector<16xf32>
        tpu.vector_store_idx %arg10[%add3A_95, %add3A_158], %add3A_161 : memref<128x65xf32, #tpu.memory_space<vmem>>[vector<16xi32>, vector<16xi32>], vector<16xf32>,
        %mul3A_162 = arith.mulf %add3A_161, %add3A_161 : vector<16xf32>
        %add3A_163 = arith.addf %mul3A_110, %mul3A_162 : vector<16xf32>
        %add3A_164 = arith.constant 5 : i32
        %add3A_165 = vector.broadcast %add3A_164 : i32 to vector<16xi32>
        %add3A_166 = arith.addi %iota3A, %add3A_165 : vector<16xi32>
        %and3A_167 = arith.constant 63 : i32
        %and3A_168 = vector.broadcast %and3A_167 : i32 to vector<16xi32>
        %and3A_169 = arith.andi %add3A_166, %and3A_168 : vector<16xi32>
        %add3A_170 = arith.constant 1 : i32
        %add3A_171 = vector.broadcast %add3A_170 : i32 to vector<16xi32>
        %add3A_172 = arith.addi %and3A_169, %add3A_171 : vector<16xi32>
        %gather3A_173 = tpu.vector_load_idx %arg8[%add3A_95, %and3A_169] : memref<128x64xf32, #tpu.memory_space<vmem>>[vector<16xi32>, vector<16xi32>], vector<16xf32>,
        %gather3A_174 = tpu.vector_load_idx %arg11[%rem3A_99, %and3A_169] : memref<256x64xf32, #tpu.memory_space<vmem>>[vector<16xi32>, vector<16xi32>], vector<16xf32>,
        %add3A_175 = arith.addf %gather3A_173, %gather3A_174 : vector<16xf32>
        tpu.vector_store_idx %arg10[%add3A_95, %add3A_172], %add3A_175 : memref<128x65xf32, #tpu.memory_space<vmem>>[vector<16xi32>, vector<16xi32>], vector<16xf32>,
        %mul3A_176 = arith.mulf %add3A_175, %add3A_175 : vector<16xf32>
        %add3A_177 = arith.addf %mul3A_123, %mul3A_176 : vector<16xf32>
        %add3A_178 = arith.constant 6 : i32
        %add3A_179 = vector.broadcast %add3A_178 : i32 to vector<16xi32>
        %add3A_180 = arith.addi %iota3A, %add3A_179 : vector<16xi32>
        %and3A_181 = arith.constant 63 : i32
        %and3A_182 = vector.broadcast %and3A_181 : i32 to vector<16xi32>
        %and3A_183 = arith.andi %add3A_180, %and3A_182 : vector<16xi32>
        %add3A_184 = arith.constant 1 : i32
        %add3A_185 = vector.broadcast %add3A_184 : i32 to vector<16xi32>
        %add3A_186 = arith.addi %and3A_183, %add3A_185 : vector<16xi32>
        %gather3A_187 = tpu.vector_load_idx %arg8[%add3A_95, %and3A_183] : memref<128x64xf32, #tpu.memory_space<vmem>>[vector<16xi32>, vector<16xi32>], vector<16xf32>,
        %gather3A_188 = tpu.vector_load_idx %arg11[%rem3A_99, %and3A_183] : memref<256x64xf32, #tpu.memory_space<vmem>>[vector<16xi32>, vector<16xi32>], vector<16xf32>,
        %add3A_189 = arith.addf %gather3A_187, %gather3A_188 : vector<16xf32>
        tpu.vector_store_idx %arg10[%add3A_95, %add3A_186], %add3A_189 : memref<128x65xf32, #tpu.memory_space<vmem>>[vector<16xi32>, vector<16xi32>], vector<16xf32>,
        %mul3A_190 = arith.mulf %add3A_189, %add3A_189 : vector<16xf32>
        %add3A_191 = arith.addf %mul3A_136, %mul3A_190 : vector<16xf32>
        %add3A_192 = arith.constant 7 : i32
        %add3A_193 = vector.broadcast %add3A_192 : i32 to vector<16xi32>
        %add3A_194 = arith.addi %iota3A, %add3A_193 : vector<16xi32>
        %and3A_195 = arith.constant 63 : i32
        %and3A_196 = vector.broadcast %and3A_195 : i32 to vector<16xi32>
        %and3A_197 = arith.andi %add3A_194, %and3A_196 : vector<16xi32>
        %add3A_198 = arith.constant 1 : i32
        %add3A_199 = vector.broadcast %add3A_198 : i32 to vector<16xi32>
        %add3A_200 = arith.addi %and3A_197, %add3A_199 : vector<16xi32>
        %gather3A_201 = tpu.vector_load_idx %arg8[%add3A_95, %and3A_197] : memref<128x64xf32, #tpu.memory_space<vmem>>[vector<16xi32>, vector<16xi32>], vector<16xf32>,
        %gather3A_202 = tpu.vector_load_idx %arg11[%rem3A_99, %and3A_197] : memref<256x64xf32, #tpu.memory_space<vmem>>[vector<16xi32>, vector<16xi32>], vector<16xf32>,
        %add3A_203 = arith.addf %gather3A_201, %gather3A_202 : vector<16xf32>
        tpu.vector_store_idx %arg10[%add3A_95, %add3A_200], %add3A_203 : memref<128x65xf32, #tpu.memory_space<vmem>>[vector<16xi32>, vector<16xi32>], vector<16xf32>,
        %mul3A_204 = arith.mulf %add3A_203, %add3A_203 : vector<16xf32>
        %add3A_205 = arith.addf %mul3A_149, %mul3A_204 : vector<16xf32>
        %add3A_206 = arith.constant 8 : i32
        %add3A_207 = vector.broadcast %add3A_206 : i32 to vector<16xi32>
        %add3A_208 = arith.addi %iota3A, %add3A_207 : vector<16xi32>
        %and3A_209 = arith.constant 63 : i32
        %and3A_210 = vector.broadcast %and3A_209 : i32 to vector<16xi32>
        %and3A_211 = arith.andi %add3A_208, %and3A_210 : vector<16xi32>
        %add3A_212 = arith.constant 1 : i32
        %add3A_213 = vector.broadcast %add3A_212 : i32 to vector<16xi32>
        %add3A_214 = arith.addi %and3A_211, %add3A_213 : vector<16xi32>
        %gather3A_215 = tpu.vector_load_idx %arg8[%add3A_95, %and3A_211] : memref<128x64xf32, #tpu.memory_space<vmem>>[vector<16xi32>, vector<16xi32>], vector<16xf32>,
        %gather3A_216 = tpu.vector_load_idx %arg11[%rem3A_99, %and3A_211] : memref<256x64xf32, #tpu.memory_space<vmem>>[vector<16xi32>, vector<16xi32>], vector<16xf32>,
        %add3A_217 = arith.addf %gather3A_215, %gather3A_216 : vector<16xf32>
        tpu.vector_store_idx %arg10[%add3A_95, %add3A_214], %add3A_217 : memref<128x65xf32, #tpu.memory_space<vmem>>[vector<16xi32>, vector<16xi32>], vector<16xf32>,
        %mul3A_218 = arith.mulf %add3A_217, %add3A_217 : vector<16xf32>
        %add3A_219 = arith.addf %add3A_163, %mul3A_218 : vector<16xf32>
        %add3A_220 = arith.constant 9 : i32
        %add3A_221 = vector.broadcast %add3A_220 : i32 to vector<16xi32>
        %add3A_222 = arith.addi %iota3A, %add3A_221 : vector<16xi32>
        %and3A_223 = arith.constant 63 : i32
        %and3A_224 = vector.broadcast %and3A_223 : i32 to vector<16xi32>
        %and3A_225 = arith.andi %add3A_222, %and3A_224 : vector<16xi32>
        %add3A_226 = arith.constant 1 : i32
        %add3A_227 = vector.broadcast %add3A_226 : i32 to vector<16xi32>
        %add3A_228 = arith.addi %and3A_225, %add3A_227 : vector<16xi32>
        %gather3A_229 = tpu.vector_load_idx %arg8[%add3A_95, %and3A_225] : memref<128x64xf32, #tpu.memory_space<vmem>>[vector<16xi32>, vector<16xi32>], vector<16xf32>,
        %gather3A_230 = tpu.vector_load_idx %arg11[%rem3A_99, %and3A_225] : memref<256x64xf32, #tpu.memory_space<vmem>>[vector<16xi32>, vector<16xi32>], vector<16xf32>,
        %add3A_231 = arith.addf %gather3A_229, %gather3A_230 : vector<16xf32>
        tpu.vector_store_idx %arg10[%add3A_95, %add3A_228], %add3A_231 : memref<128x65xf32, #tpu.memory_space<vmem>>[vector<16xi32>, vector<16xi32>], vector<16xf32>,
        %mul3A_232 = arith.mulf %add3A_231, %add3A_231 : vector<16xf32>
        %add3A_233 = arith.addf %add3A_177, %mul3A_232 : vector<16xf32>
        %add3A_234 = arith.constant 10 : i32
        %add3A_235 = vector.broadcast %add3A_234 : i32 to vector<16xi32>
        %add3A_236 = arith.addi %iota3A, %add3A_235 : vector<16xi32>
        %and3A_237 = arith.constant 63 : i32
        %and3A_238 = vector.broadcast %and3A_237 : i32 to vector<16xi32>
        %and3A_239 = arith.andi %add3A_236, %and3A_238 : vector<16xi32>
        %add3A_240 = arith.constant 1 : i32
        %add3A_241 = vector.broadcast %add3A_240 : i32 to vector<16xi32>
        %add3A_242 = arith.addi %and3A_239, %add3A_241 : vector<16xi32>
        %gather3A_243 = tpu.vector_load_idx %arg8[%add3A_95, %and3A_239] : memref<128x64xf32, #tpu.memory_space<vmem>>[vector<16xi32>, vector<16xi32>], vector<16xf32>,
        %gather3A_244 = tpu.vector_load_idx %arg11[%rem3A_99, %and3A_239] : memref<256x64xf32, #tpu.memory_space<vmem>>[vector<16xi32>, vector<16xi32>], vector<16xf32>,
        %add3A_245 = arith.addf %gather3A_243, %gather3A_244 : vector<16xf32>
        tpu.vector_store_idx %arg10[%add3A_95, %add3A_242], %add3A_245 : memref<128x65xf32, #tpu.memory_space<vmem>>[vector<16xi32>, vector<16xi32>], vector<16xf32>,
        %mul3A_246 = arith.mulf %add3A_245, %add3A_245 : vector<16xf32>
        %add3A_247 = arith.addf %add3A_191, %mul3A_246 : vector<16xf32>
        %add3A_248 = arith.constant 11 : i32
        %add3A_249 = vector.broadcast %add3A_248 : i32 to vector<16xi32>
        %add3A_250 = arith.addi %iota3A, %add3A_249 : vector<16xi32>
        %and3A_251 = arith.constant 63 : i32
        %and3A_252 = vector.broadcast %and3A_251 : i32 to vector<16xi32>
        %and3A_253 = arith.andi %add3A_250, %and3A_252 : vector<16xi32>
        %add3A_254 = arith.constant 1 : i32
        %add3A_255 = vector.broadcast %add3A_254 : i32 to vector<16xi32>
        %add3A_256 = arith.addi %and3A_253, %add3A_255 : vector<16xi32>
        %gather3A_257 = tpu.vector_load_idx %arg8[%add3A_95, %and3A_253] : memref<128x64xf32, #tpu.memory_space<vmem>>[vector<16xi32>, vector<16xi32>], vector<16xf32>,
        %gather3A_258 = tpu.vector_load_idx %arg11[%rem3A_99, %and3A_253] : memref<256x64xf32, #tpu.memory_space<vmem>>[vector<16xi32>, vector<16xi32>], vector<16xf32>,
        %add3A_259 = arith.addf %gather3A_257, %gather3A_258 : vector<16xf32>
        tpu.vector_store_idx %arg10[%add3A_95, %add3A_256], %add3A_259 : memref<128x65xf32, #tpu.memory_space<vmem>>[vector<16xi32>, vector<16xi32>], vector<16xf32>,
        %mul3A_260 = arith.mulf %add3A_259, %add3A_259 : vector<16xf32>
        %add3A_261 = arith.addf %add3A_205, %mul3A_260 : vector<16xf32>
        %add3A_262 = arith.constant 12 : i32
        %add3A_263 = vector.broadcast %add3A_262 : i32 to vector<16xi32>
        %add3A_264 = arith.addi %iota3A, %add3A_263 : vector<16xi32>
        %and3A_265 = arith.constant 63 : i32
        %and3A_266 = vector.broadcast %and3A_265 : i32 to vector<16xi32>
        %and3A_267 = arith.andi %add3A_264, %and3A_266 : vector<16xi32>
        %add3A_268 = arith.constant 1 : i32
        %add3A_269 = vector.broadcast %add3A_268 : i32 to vector<16xi32>
        %add3A_270 = arith.addi %and3A_267, %add3A_269 : vector<16xi32>
        %gather3A_271 = tpu.vector_load_idx %arg8[%add3A_95, %and3A_267] : memref<128x64xf32, #tpu.memory_space<vmem>>[vector<16xi32>, vector<16xi32>], vector<16xf32>,
        %gather3A_272 = tpu.vector_load_idx %arg11[%rem3A_99, %and3A_267] : memref<256x64xf32, #tpu.memory_space<vmem>>[vector<16xi32>, vector<16xi32>], vector<16xf32>,
        %add3A_273 = arith.addf %gather3A_271, %gather3A_272 : vector<16xf32>
        tpu.vector_store_idx %arg10[%add3A_95, %add3A_270], %add3A_273 : memref<128x65xf32, #tpu.memory_space<vmem>>[vector<16xi32>, vector<16xi32>], vector<16xf32>,
        %mul3A_274 = arith.mulf %add3A_273, %add3A_273 : vector<16xf32>
        %add3A_275 = arith.addf %add3A_219, %mul3A_274 : vector<16xf32>
        %add3A_276 = arith.constant 13 : i32
        %add3A_277 = vector.broadcast %add3A_276 : i32 to vector<16xi32>
        %add3A_278 = arith.addi %iota3A, %add3A_277 : vector<16xi32>
        %and3A_279 = arith.constant 63 : i32
        %and3A_280 = vector.broadcast %and3A_279 : i32 to vector<16xi32>
        %and3A_281 = arith.andi %add3A_278, %and3A_280 : vector<16xi32>
        %add3A_282 = arith.constant 1 : i32
        %add3A_283 = vector.broadcast %add3A_282 : i32 to vector<16xi32>
        %add3A_284 = arith.addi %and3A_281, %add3A_283 : vector<16xi32>
        %gather3A_285 = tpu.vector_load_idx %arg8[%add3A_95, %and3A_281] : memref<128x64xf32, #tpu.memory_space<vmem>>[vector<16xi32>, vector<16xi32>], vector<16xf32>,
        %gather3A_286 = tpu.vector_load_idx %arg11[%rem3A_99, %and3A_281] : memref<256x64xf32, #tpu.memory_space<vmem>>[vector<16xi32>, vector<16xi32>], vector<16xf32>,
        %add3A_287 = arith.addf %gather3A_285, %gather3A_286 : vector<16xf32>
        tpu.vector_store_idx %arg10[%add3A_95, %add3A_284], %add3A_287 : memref<128x65xf32, #tpu.memory_space<vmem>>[vector<16xi32>, vector<16xi32>], vector<16xf32>,
        %mul3A_288 = arith.mulf %add3A_287, %add3A_287 : vector<16xf32>
        %add3A_289 = arith.addf %add3A_233, %mul3A_288 : vector<16xf32>
        %add3A_290 = arith.constant 14 : i32
        %add3A_291 = vector.broadcast %add3A_290 : i32 to vector<16xi32>
        %add3A_292 = arith.addi %iota3A, %add3A_291 : vector<16xi32>
        %and3A_293 = arith.constant 63 : i32
        %and3A_294 = vector.broadcast %and3A_293 : i32 to vector<16xi32>
        %and3A_295 = arith.andi %add3A_292, %and3A_294 : vector<16xi32>
        %add3A_296 = arith.constant 1 : i32
        %add3A_297 = vector.broadcast %add3A_296 : i32 to vector<16xi32>
        %add3A_298 = arith.addi %and3A_295, %add3A_297 : vector<16xi32>
        %gather3A_299 = tpu.vector_load_idx %arg8[%add3A_95, %and3A_295] : memref<128x64xf32, #tpu.memory_space<vmem>>[vector<16xi32>, vector<16xi32>], vector<16xf32>,
        %gather3A_300 = tpu.vector_load_idx %arg11[%rem3A_99, %and3A_295] : memref<256x64xf32, #tpu.memory_space<vmem>>[vector<16xi32>, vector<16xi32>], vector<16xf32>,
        %add3A_301 = arith.addf %gather3A_299, %gather3A_300 : vector<16xf32>
        tpu.vector_store_idx %arg10[%add3A_95, %add3A_298], %add3A_301 : memref<128x65xf32, #tpu.memory_space<vmem>>[vector<16xi32>, vector<16xi32>], vector<16xf32>,
        %mul3A_302 = arith.mulf %add3A_301, %add3A_301 : vector<16xf32>
        %add3A_303 = arith.addf %add3A_247, %mul3A_302 : vector<16xf32>
        %add3A_304 = arith.constant 15 : i32
        %add3A_305 = vector.broadcast %add3A_304 : i32 to vector<16xi32>
        %add3A_306 = arith.addi %iota3A, %add3A_305 : vector<16xi32>
        %and3A_307 = arith.constant 63 : i32
        %and3A_308 = vector.broadcast %and3A_307 : i32 to vector<16xi32>
        %and3A_309 = arith.andi %add3A_306, %and3A_308 : vector<16xi32>
        %add3A_310 = arith.constant 1 : i32
        %add3A_311 = vector.broadcast %add3A_310 : i32 to vector<16xi32>
        %add3A_312 = arith.addi %and3A_309, %add3A_311 : vector<16xi32>
        %gather3A_313 = tpu.vector_load_idx %arg8[%add3A_95, %and3A_309] : memref<128x64xf32, #tpu.memory_space<vmem>>[vector<16xi32>, vector<16xi32>], vector<16xf32>,
        %gather3A_314 = tpu.vector_load_idx %arg11[%rem3A_99, %and3A_309] : memref<256x64xf32, #tpu.memory_space<vmem>>[vector<16xi32>, vector<16xi32>], vector<16xf32>,
        %add3A_315 = arith.addf %gather3A_313, %gather3A_314 : vector<16xf32>
        tpu.vector_store_idx %arg10[%add3A_95, %add3A_312], %add3A_315 : memref<128x65xf32, #tpu.memory_space<vmem>>[vector<16xi32>, vector<16xi32>], vector<16xf32>,
        %mul3A_316 = arith.mulf %add3A_315, %add3A_315 : vector<16xf32>
        %add3A_317 = arith.addf %add3A_261, %mul3A_316 : vector<16xf32>
        %add3A_318 = arith.constant 16 : i32
        %add3A_319 = vector.broadcast %add3A_318 : i32 to vector<16xi32>
        %add3A_320 = arith.addi %iota3A, %add3A_319 : vector<16xi32>
        %and3A_321 = arith.constant 63 : i32
        %and3A_322 = vector.broadcast %and3A_321 : i32 to vector<16xi32>
        %and3A_323 = arith.andi %add3A_320, %and3A_322 : vector<16xi32>
        %add3A_324 = arith.constant 1 : i32
        %add3A_325 = vector.broadcast %add3A_324 : i32 to vector<16xi32>
        %add3A_326 = arith.addi %and3A_323, %add3A_325 : vector<16xi32>
        %gather3A_327 = tpu.vector_load_idx %arg8[%add3A_95, %and3A_323] : memref<128x64xf32, #tpu.memory_space<vmem>>[vector<16xi32>, vector<16xi32>], vector<16xf32>,
        %gather3A_328 = tpu.vector_load_idx %arg11[%rem3A_99, %and3A_323] : memref<256x64xf32, #tpu.memory_space<vmem>>[vector<16xi32>, vector<16xi32>], vector<16xf32>,
        %add3A_329 = arith.addf %gather3A_327, %gather3A_328 : vector<16xf32>
        tpu.vector_store_idx %arg10[%add3A_95, %add3A_326], %add3A_329 : memref<128x65xf32, #tpu.memory_space<vmem>>[vector<16xi32>, vector<16xi32>], vector<16xf32>,
        %mul3A_330 = arith.mulf %add3A_329, %add3A_329 : vector<16xf32>
        %add3A_331 = arith.addf %add3A_275, %mul3A_330 : vector<16xf32>
        %add3A_332 = arith.constant 17 : i32
        %add3A_333 = vector.broadcast %add3A_332 : i32 to vector<16xi32>
        %add3A_334 = arith.addi %iota3A, %add3A_333 : vector<16xi32>
        %and3A_335 = arith.constant 63 : i32
        %and3A_336 = vector.broadcast %and3A_335 : i32 to vector<16xi32>
        %and3A_337 = arith.andi %add3A_334, %and3A_336 : vector<16xi32>
        %add3A_338 = arith.constant 1 : i32
        %add3A_339 = vector.broadcast %add3A_338 : i32 to vector<16xi32>
        %add3A_340 = arith.addi %and3A_337, %add3A_339 : vector<16xi32>
        %gather3A_341 = tpu.vector_load_idx %arg8[%add3A_95, %and3A_337] : memref<128x64xf32, #tpu.memory_space<vmem>>[vector<16xi32>, vector<16xi32>], vector<16xf32>,
        %gather3A_342 = tpu.vector_load_idx %arg11[%rem3A_99, %and3A_337] : memref<256x64xf32, #tpu.memory_space<vmem>>[vector<16xi32>, vector<16xi32>], vector<16xf32>,
        %add3A_343 = arith.addf %gather3A_341, %gather3A_342 : vector<16xf32>
        tpu.vector_store_idx %arg10[%add3A_95, %add3A_340], %add3A_343 : memref<128x65xf32, #tpu.memory_space<vmem>>[vector<16xi32>, vector<16xi32>], vector<16xf32>,
        %mul3A_344 = arith.mulf %add3A_343, %add3A_343 : vector<16xf32>
        %add3A_345 = arith.addf %add3A_289, %mul3A_344 : vector<16xf32>
        %add3A_346 = arith.constant 18 : i32
        %add3A_347 = vector.broadcast %add3A_346 : i32 to vector<16xi32>
        %add3A_348 = arith.addi %iota3A, %add3A_347 : vector<16xi32>
        %and3A_349 = arith.constant 63 : i32
        %and3A_350 = vector.broadcast %and3A_349 : i32 to vector<16xi32>
        %and3A_351 = arith.andi %add3A_348, %and3A_350 : vector<16xi32>
        %add3A_352 = arith.constant 1 : i32
        %add3A_353 = vector.broadcast %add3A_352 : i32 to vector<16xi32>
        %add3A_354 = arith.addi %and3A_351, %add3A_353 : vector<16xi32>
        %gather3A_355 = tpu.vector_load_idx %arg8[%add3A_95, %and3A_351] : memref<128x64xf32, #tpu.memory_space<vmem>>[vector<16xi32>, vector<16xi32>], vector<16xf32>,
        %gather3A_356 = tpu.vector_load_idx %arg11[%rem3A_99, %and3A_351] : memref<256x64xf32, #tpu.memory_space<vmem>>[vector<16xi32>, vector<16xi32>], vector<16xf32>,
        %add3A_357 = arith.addf %gather3A_355, %gather3A_356 : vector<16xf32>
        tpu.vector_store_idx %arg10[%add3A_95, %add3A_354], %add3A_357 : memref<128x65xf32, #tpu.memory_space<vmem>>[vector<16xi32>, vector<16xi32>], vector<16xf32>,
        %mul3A_358 = arith.mulf %add3A_357, %add3A_357 : vector<16xf32>
        %add3A_359 = arith.addf %add3A_303, %mul3A_358 : vector<16xf32>
        %add3A_360 = arith.constant 19 : i32
        %add3A_361 = vector.broadcast %add3A_360 : i32 to vector<16xi32>
        %add3A_362 = arith.addi %iota3A, %add3A_361 : vector<16xi32>
        %and3A_363 = arith.constant 63 : i32
        %and3A_364 = vector.broadcast %and3A_363 : i32 to vector<16xi32>
        %and3A_365 = arith.andi %add3A_362, %and3A_364 : vector<16xi32>
        %add3A_366 = arith.constant 1 : i32
        %add3A_367 = vector.broadcast %add3A_366 : i32 to vector<16xi32>
        %add3A_368 = arith.addi %and3A_365, %add3A_367 : vector<16xi32>
        %gather3A_369 = tpu.vector_load_idx %arg8[%add3A_95, %and3A_365] : memref<128x64xf32, #tpu.memory_space<vmem>>[vector<16xi32>, vector<16xi32>], vector<16xf32>,
        %gather3A_370 = tpu.vector_load_idx %arg11[%rem3A_99, %and3A_365] : memref<256x64xf32, #tpu.memory_space<vmem>>[vector<16xi32>, vector<16xi32>], vector<16xf32>,
        %add3A_371 = arith.addf %gather3A_369, %gather3A_370 : vector<16xf32>
        tpu.vector_store_idx %arg10[%add3A_95, %add3A_368], %add3A_371 : memref<128x65xf32, #tpu.memory_space<vmem>>[vector<16xi32>, vector<16xi32>], vector<16xf32>,
        %mul3A_372 = arith.mulf %add3A_371, %add3A_371 : vector<16xf32>
        %add3A_373 = arith.addf %add3A_317, %mul3A_372 : vector<16xf32>
        %add3A_374 = arith.constant 20 : i32
        %add3A_375 = vector.broadcast %add3A_374 : i32 to vector<16xi32>
        %add3A_376 = arith.addi %iota3A, %add3A_375 : vector<16xi32>
        %and3A_377 = arith.constant 63 : i32
        %and3A_378 = vector.broadcast %and3A_377 : i32 to vector<16xi32>
        %and3A_379 = arith.andi %add3A_376, %and3A_378 : vector<16xi32>
        %add3A_380 = arith.constant 1 : i32
        %add3A_381 = vector.broadcast %add3A_380 : i32 to vector<16xi32>
        %add3A_382 = arith.addi %and3A_379, %add3A_381 : vector<16xi32>
        %gather3A_383 = tpu.vector_load_idx %arg8[%add3A_95, %and3A_379] : memref<128x64xf32, #tpu.memory_space<vmem>>[vector<16xi32>, vector<16xi32>], vector<16xf32>,
        %gather3A_384 = tpu.vector_load_idx %arg11[%rem3A_99, %and3A_379] : memref<256x64xf32, #tpu.memory_space<vmem>>[vector<16xi32>, vector<16xi32>], vector<16xf32>,
        %add3A_385 = arith.addf %gather3A_383, %gather3A_384 : vector<16xf32>
        tpu.vector_store_idx %arg10[%add3A_95, %add3A_382], %add3A_385 : memref<128x65xf32, #tpu.memory_space<vmem>>[vector<16xi32>, vector<16xi32>], vector<16xf32>,
        %mul3A_386 = arith.mulf %add3A_385, %add3A_385 : vector<16xf32>
        %add3A_387 = arith.addf %add3A_331, %mul3A_386 : vector<16xf32>
        %add3A_388 = arith.constant 21 : i32
        %add3A_389 = vector.broadcast %add3A_388 : i32 to vector<16xi32>
        %add3A_390 = arith.addi %iota3A, %add3A_389 : vector<16xi32>
        %and3A_391 = arith.constant 63 : i32
        %and3A_392 = vector.broadcast %and3A_391 : i32 to vector<16xi32>
        %and3A_393 = arith.andi %add3A_390, %and3A_392 : vector<16xi32>
        %add3A_394 = arith.constant 1 : i32
        %add3A_395 = vector.broadcast %add3A_394 : i32 to vector<16xi32>
        %add3A_396 = arith.addi %and3A_393, %add3A_395 : vector<16xi32>
        %gather3A_397 = tpu.vector_load_idx %arg8[%add3A_95, %and3A_393] : memref<128x64xf32, #tpu.memory_space<vmem>>[vector<16xi32>, vector<16xi32>], vector<16xf32>,
        %gather3A_398 = tpu.vector_load_idx %arg11[%rem3A_99, %and3A_393] : memref<256x64xf32, #tpu.memory_space<vmem>>[vector<16xi32>, vector<16xi32>], vector<16xf32>,
        %add3A_399 = arith.addf %gather3A_397, %gather3A_398 : vector<16xf32>
        tpu.vector_store_idx %arg10[%add3A_95, %add3A_396], %add3A_399 : memref<128x65xf32, #tpu.memory_space<vmem>>[vector<16xi32>, vector<16xi32>], vector<16xf32>,
        %mul3A_400 = arith.mulf %add3A_399, %add3A_399 : vector<16xf32>
        %add3A_401 = arith.addf %add3A_345, %mul3A_400 : vector<16xf32>
        %add3A_402 = arith.constant 22 : i32
        %add3A_403 = vector.broadcast %add3A_402 : i32 to vector<16xi32>
        %add3A_404 = arith.addi %iota3A, %add3A_403 : vector<16xi32>
        %and3A_405 = arith.constant 63 : i32
        %and3A_406 = vector.broadcast %and3A_405 : i32 to vector<16xi32>
        %and3A_407 = arith.andi %add3A_404, %and3A_406 : vector<16xi32>
        %add3A_408 = arith.constant 1 : i32
        %add3A_409 = vector.broadcast %add3A_408 : i32 to vector<16xi32>
        %add3A_410 = arith.addi %and3A_407, %add3A_409 : vector<16xi32>
        %gather3A_411 = tpu.vector_load_idx %arg8[%add3A_95, %and3A_407] : memref<128x64xf32, #tpu.memory_space<vmem>>[vector<16xi32>, vector<16xi32>], vector<16xf32>,
        %gather3A_412 = tpu.vector_load_idx %arg11[%rem3A_99, %and3A_407] : memref<256x64xf32, #tpu.memory_space<vmem>>[vector<16xi32>, vector<16xi32>], vector<16xf32>,
        %add3A_413 = arith.addf %gather3A_411, %gather3A_412 : vector<16xf32>
        tpu.vector_store_idx %arg10[%add3A_95, %add3A_410], %add3A_413 : memref<128x65xf32, #tpu.memory_space<vmem>>[vector<16xi32>, vector<16xi32>], vector<16xf32>,
        %mul3A_414 = arith.mulf %add3A_413, %add3A_413 : vector<16xf32>
        %add3A_415 = arith.addf %add3A_359, %mul3A_414 : vector<16xf32>
        %add3A_416 = arith.constant 23 : i32
        %add3A_417 = vector.broadcast %add3A_416 : i32 to vector<16xi32>
        %add3A_418 = arith.addi %iota3A, %add3A_417 : vector<16xi32>
        %and3A_419 = arith.constant 63 : i32
        %and3A_420 = vector.broadcast %and3A_419 : i32 to vector<16xi32>
        %and3A_421 = arith.andi %add3A_418, %and3A_420 : vector<16xi32>
        %add3A_422 = arith.constant 1 : i32
        %add3A_423 = vector.broadcast %add3A_422 : i32 to vector<16xi32>
        %add3A_424 = arith.addi %and3A_421, %add3A_423 : vector<16xi32>
        %gather3A_425 = tpu.vector_load_idx %arg8[%add3A_95, %and3A_421] : memref<128x64xf32, #tpu.memory_space<vmem>>[vector<16xi32>, vector<16xi32>], vector<16xf32>,
        %gather3A_426 = tpu.vector_load_idx %arg11[%rem3A_99, %and3A_421] : memref<256x64xf32, #tpu.memory_space<vmem>>[vector<16xi32>, vector<16xi32>], vector<16xf32>,
        %add3A_427 = arith.addf %gather3A_425, %gather3A_426 : vector<16xf32>
        tpu.vector_store_idx %arg10[%add3A_95, %add3A_424], %add3A_427 : memref<128x65xf32, #tpu.memory_space<vmem>>[vector<16xi32>, vector<16xi32>], vector<16xf32>,
        %mul3A_428 = arith.mulf %add3A_427, %add3A_427 : vector<16xf32>
        %add3A_429 = arith.addf %add3A_373, %mul3A_428 : vector<16xf32>
        %add3A_430 = arith.constant 24 : i32
        %add3A_431 = vector.broadcast %add3A_430 : i32 to vector<16xi32>
        %add3A_432 = arith.addi %iota3A, %add3A_431 : vector<16xi32>
        %and3A_433 = arith.constant 63 : i32
        %and3A_434 = vector.broadcast %and3A_433 : i32 to vector<16xi32>
        %and3A_435 = arith.andi %add3A_432, %and3A_434 : vector<16xi32>
        %add3A_436 = arith.constant 1 : i32
        %add3A_437 = vector.broadcast %add3A_436 : i32 to vector<16xi32>
        %add3A_438 = arith.addi %and3A_435, %add3A_437 : vector<16xi32>
        %gather3A_439 = tpu.vector_load_idx %arg8[%add3A_95, %and3A_435] : memref<128x64xf32, #tpu.memory_space<vmem>>[vector<16xi32>, vector<16xi32>], vector<16xf32>,
        %gather3A_440 = tpu.vector_load_idx %arg11[%rem3A_99, %and3A_435] : memref<256x64xf32, #tpu.memory_space<vmem>>[vector<16xi32>, vector<16xi32>], vector<16xf32>,
        %add3A_441 = arith.addf %gather3A_439, %gather3A_440 : vector<16xf32>
        tpu.vector_store_idx %arg10[%add3A_95, %add3A_438], %add3A_441 : memref<128x65xf32, #tpu.memory_space<vmem>>[vector<16xi32>, vector<16xi32>], vector<16xf32>,
        %mul3A_442 = arith.mulf %add3A_441, %add3A_441 : vector<16xf32>
        %add3A_443 = arith.addf %add3A_387, %mul3A_442 : vector<16xf32>
        %add3A_444 = arith.constant 25 : i32
        %add3A_445 = vector.broadcast %add3A_444 : i32 to vector<16xi32>
        %add3A_446 = arith.addi %iota3A, %add3A_445 : vector<16xi32>
        %and3A_447 = arith.constant 63 : i32
        %and3A_448 = vector.broadcast %and3A_447 : i32 to vector<16xi32>
        %and3A_449 = arith.andi %add3A_446, %and3A_448 : vector<16xi32>
        %add3A_450 = arith.constant 1 : i32
        %add3A_451 = vector.broadcast %add3A_450 : i32 to vector<16xi32>
        %add3A_452 = arith.addi %and3A_449, %add3A_451 : vector<16xi32>
        %gather3A_453 = tpu.vector_load_idx %arg8[%add3A_95, %and3A_449] : memref<128x64xf32, #tpu.memory_space<vmem>>[vector<16xi32>, vector<16xi32>], vector<16xf32>,
        %gather3A_454 = tpu.vector_load_idx %arg11[%rem3A_99, %and3A_449] : memref<256x64xf32, #tpu.memory_space<vmem>>[vector<16xi32>, vector<16xi32>], vector<16xf32>,
        %add3A_455 = arith.addf %gather3A_453, %gather3A_454 : vector<16xf32>
        tpu.vector_store_idx %arg10[%add3A_95, %add3A_452], %add3A_455 : memref<128x65xf32, #tpu.memory_space<vmem>>[vector<16xi32>, vector<16xi32>], vector<16xf32>,
        %mul3A_456 = arith.mulf %add3A_455, %add3A_455 : vector<16xf32>
        %add3A_457 = arith.addf %add3A_401, %mul3A_456 : vector<16xf32>
        %add3A_458 = arith.constant 26 : i32
        %add3A_459 = vector.broadcast %add3A_458 : i32 to vector<16xi32>
        %add3A_460 = arith.addi %iota3A, %add3A_459 : vector<16xi32>
        %and3A_461 = arith.constant 63 : i32
        %and3A_462 = vector.broadcast %and3A_461 : i32 to vector<16xi32>
        %and3A_463 = arith.andi %add3A_460, %and3A_462 : vector<16xi32>
        %add3A_464 = arith.constant 1 : i32
        %add3A_465 = vector.broadcast %add3A_464 : i32 to vector<16xi32>
        %add3A_466 = arith.addi %and3A_463, %add3A_465 : vector<16xi32>
        %gather3A_467 = tpu.vector_load_idx %arg8[%add3A_95, %and3A_463] : memref<128x64xf32, #tpu.memory_space<vmem>>[vector<16xi32>, vector<16xi32>], vector<16xf32>,
        %gather3A_468 = tpu.vector_load_idx %arg11[%rem3A_99, %and3A_463] : memref<256x64xf32, #tpu.memory_space<vmem>>[vector<16xi32>, vector<16xi32>], vector<16xf32>,
        %add3A_469 = arith.addf %gather3A_467, %gather3A_468 : vector<16xf32>
        tpu.vector_store_idx %arg10[%add3A_95, %add3A_466], %add3A_469 : memref<128x65xf32, #tpu.memory_space<vmem>>[vector<16xi32>, vector<16xi32>], vector<16xf32>,
        %mul3A_470 = arith.mulf %add3A_469, %add3A_469 : vector<16xf32>
        %add3A_471 = arith.addf %add3A_415, %mul3A_470 : vector<16xf32>
        %add3A_472 = arith.constant 27 : i32
        %add3A_473 = vector.broadcast %add3A_472 : i32 to vector<16xi32>
        %add3A_474 = arith.addi %iota3A, %add3A_473 : vector<16xi32>
        %and3A_475 = arith.constant 63 : i32
        %and3A_476 = vector.broadcast %and3A_475 : i32 to vector<16xi32>
        %and3A_477 = arith.andi %add3A_474, %and3A_476 : vector<16xi32>
        %add3A_478 = arith.constant 1 : i32
        %add3A_479 = vector.broadcast %add3A_478 : i32 to vector<16xi32>
        %add3A_480 = arith.addi %and3A_477, %add3A_479 : vector<16xi32>
        %gather3A_481 = tpu.vector_load_idx %arg8[%add3A_95, %and3A_477] : memref<128x64xf32, #tpu.memory_space<vmem>>[vector<16xi32>, vector<16xi32>], vector<16xf32>,
        %gather3A_482 = tpu.vector_load_idx %arg11[%rem3A_99, %and3A_477] : memref<256x64xf32, #tpu.memory_space<vmem>>[vector<16xi32>, vector<16xi32>], vector<16xf32>,
        %add3A_483 = arith.addf %gather3A_481, %gather3A_482 : vector<16xf32>
        tpu.vector_store_idx %arg10[%add3A_95, %add3A_480], %add3A_483 : memref<128x65xf32, #tpu.memory_space<vmem>>[vector<16xi32>, vector<16xi32>], vector<16xf32>,
        %mul3A_484 = arith.mulf %add3A_483, %add3A_483 : vector<16xf32>
        %add3A_485 = arith.addf %add3A_429, %mul3A_484 : vector<16xf32>
        %add3A_486 = arith.constant 28 : i32
        %add3A_487 = vector.broadcast %add3A_486 : i32 to vector<16xi32>
        %add3A_488 = arith.addi %iota3A, %add3A_487 : vector<16xi32>
        %and3A_489 = arith.constant 63 : i32
        %and3A_490 = vector.broadcast %and3A_489 : i32 to vector<16xi32>
        %and3A_491 = arith.andi %add3A_488, %and3A_490 : vector<16xi32>
        %add3A_492 = arith.constant 1 : i32
        %add3A_493 = vector.broadcast %add3A_492 : i32 to vector<16xi32>
        %add3A_494 = arith.addi %and3A_491, %add3A_493 : vector<16xi32>
        %gather3A_495 = tpu.vector_load_idx %arg8[%add3A_95, %and3A_491] : memref<128x64xf32, #tpu.memory_space<vmem>>[vector<16xi32>, vector<16xi32>], vector<16xf32>,
        %gather3A_496 = tpu.vector_load_idx %arg11[%rem3A_99, %and3A_491] : memref<256x64xf32, #tpu.memory_space<vmem>>[vector<16xi32>, vector<16xi32>], vector<16xf32>,
        %add3A_497 = arith.addf %gather3A_495, %gather3A_496 : vector<16xf32>
        tpu.vector_store_idx %arg10[%add3A_95, %add3A_494], %add3A_497 : memref<128x65xf32, #tpu.memory_space<vmem>>[vector<16xi32>, vector<16xi32>], vector<16xf32>,
        %mul3A_498 = arith.mulf %add3A_497, %add3A_497 : vector<16xf32>
        %add3A_499 = arith.addf %add3A_443, %mul3A_498 : vector<16xf32>
        %add3A_500 = arith.constant 29 : i32
        %add3A_501 = vector.broadcast %add3A_500 : i32 to vector<16xi32>
        %add3A_502 = arith.addi %iota3A, %add3A_501 : vector<16xi32>
        %and3A_503 = arith.constant 63 : i32
        %and3A_504 = vector.broadcast %and3A_503 : i32 to vector<16xi32>
        %and3A_505 = arith.andi %add3A_502, %and3A_504 : vector<16xi32>
        %add3A_506 = arith.constant 1 : i32
        %add3A_507 = vector.broadcast %add3A_506 : i32 to vector<16xi32>
        %add3A_508 = arith.addi %and3A_505, %add3A_507 : vector<16xi32>
        %gather3A_509 = tpu.vector_load_idx %arg8[%add3A_95, %and3A_505] : memref<128x64xf32, #tpu.memory_space<vmem>>[vector<16xi32>, vector<16xi32>], vector<16xf32>,
        %gather3A_510 = tpu.vector_load_idx %arg11[%rem3A_99, %and3A_505] : memref<256x64xf32, #tpu.memory_space<vmem>>[vector<16xi32>, vector<16xi32>], vector<16xf32>,
        %add3A_511 = arith.addf %gather3A_509, %gather3A_510 : vector<16xf32>
        tpu.vector_store_idx %arg10[%add3A_95, %add3A_508], %add3A_511 : memref<128x65xf32, #tpu.memory_space<vmem>>[vector<16xi32>, vector<16xi32>], vector<16xf32>,
        %mul3A_512 = arith.mulf %add3A_511, %add3A_511 : vector<16xf32>
        %add3A_513 = arith.addf %add3A_457, %mul3A_512 : vector<16xf32>
        %add3A_514 = arith.constant 30 : i32
        %add3A_515 = vector.broadcast %add3A_514 : i32 to vector<16xi32>
        %add3A_516 = arith.addi %iota3A, %add3A_515 : vector<16xi32>
        %and3A_517 = arith.constant 63 : i32
        %and3A_518 = vector.broadcast %and3A_517 : i32 to vector<16xi32>
        %and3A_519 = arith.andi %add3A_516, %and3A_518 : vector<16xi32>
        %add3A_520 = arith.constant 1 : i32
        %add3A_521 = vector.broadcast %add3A_520 : i32 to vector<16xi32>
        %add3A_522 = arith.addi %and3A_519, %add3A_521 : vector<16xi32>
        %gather3A_523 = tpu.vector_load_idx %arg8[%add3A_95, %and3A_519] : memref<128x64xf32, #tpu.memory_space<vmem>>[vector<16xi32>, vector<16xi32>], vector<16xf32>,
        %gather3A_524 = tpu.vector_load_idx %arg11[%rem3A_99, %and3A_519] : memref<256x64xf32, #tpu.memory_space<vmem>>[vector<16xi32>, vector<16xi32>], vector<16xf32>,
        %add3A_525 = arith.addf %gather3A_523, %gather3A_524 : vector<16xf32>
        tpu.vector_store_idx %arg10[%add3A_95, %add3A_522], %add3A_525 : memref<128x65xf32, #tpu.memory_space<vmem>>[vector<16xi32>, vector<16xi32>], vector<16xf32>,
        %mul3A_526 = arith.mulf %add3A_525, %add3A_525 : vector<16xf32>
        %add3A_527 = arith.addf %add3A_471, %mul3A_526 : vector<16xf32>
        %add3A_528 = arith.constant 31 : i32
        %add3A_529 = vector.broadcast %add3A_528 : i32 to vector<16xi32>
        %add3A_530 = arith.addi %iota3A, %add3A_529 : vector<16xi32>
        %and3A_531 = arith.constant 63 : i32
        %and3A_532 = vector.broadcast %and3A_531 : i32 to vector<16xi32>
        %and3A_533 = arith.andi %add3A_530, %and3A_532 : vector<16xi32>
        %add3A_534 = arith.constant 1 : i32
        %add3A_535 = vector.broadcast %add3A_534 : i32 to vector<16xi32>
        %add3A_536 = arith.addi %and3A_533, %add3A_535 : vector<16xi32>
        %gather3A_537 = tpu.vector_load_idx %arg8[%add3A_95, %and3A_533] : memref<128x64xf32, #tpu.memory_space<vmem>>[vector<16xi32>, vector<16xi32>], vector<16xf32>,
        %gather3A_538 = tpu.vector_load_idx %arg11[%rem3A_99, %and3A_533] : memref<256x64xf32, #tpu.memory_space<vmem>>[vector<16xi32>, vector<16xi32>], vector<16xf32>,
        %add3A_539 = arith.addf %gather3A_537, %gather3A_538 : vector<16xf32>
        tpu.vector_store_idx %arg10[%add3A_95, %add3A_536], %add3A_539 : memref<128x65xf32, #tpu.memory_space<vmem>>[vector<16xi32>, vector<16xi32>], vector<16xf32>,
        %mul3A_540 = arith.mulf %add3A_539, %add3A_539 : vector<16xf32>
        %add3A_541 = arith.addf %add3A_485, %mul3A_540 : vector<16xf32>
        %add3A_542 = arith.constant 32 : i32
        %add3A_543 = vector.broadcast %add3A_542 : i32 to vector<16xi32>
        %add3A_544 = arith.addi %iota3A, %add3A_543 : vector<16xi32>
        %and3A_545 = arith.constant 63 : i32
        %and3A_546 = vector.broadcast %and3A_545 : i32 to vector<16xi32>
        %and3A_547 = arith.andi %add3A_544, %and3A_546 : vector<16xi32>
        %add3A_548 = arith.constant 1 : i32
        %add3A_549 = vector.broadcast %add3A_548 : i32 to vector<16xi32>
        %add3A_550 = arith.addi %and3A_547, %add3A_549 : vector<16xi32>
        %gather3A_551 = tpu.vector_load_idx %arg8[%add3A_95, %and3A_547] : memref<128x64xf32, #tpu.memory_space<vmem>>[vector<16xi32>, vector<16xi32>], vector<16xf32>,
        %gather3A_552 = tpu.vector_load_idx %arg11[%rem3A_99, %and3A_547] : memref<256x64xf32, #tpu.memory_space<vmem>>[vector<16xi32>, vector<16xi32>], vector<16xf32>,
        %add3A_553 = arith.addf %gather3A_551, %gather3A_552 : vector<16xf32>
        tpu.vector_store_idx %arg10[%add3A_95, %add3A_550], %add3A_553 : memref<128x65xf32, #tpu.memory_space<vmem>>[vector<16xi32>, vector<16xi32>], vector<16xf32>,
        %mul3A_554 = arith.mulf %add3A_553, %add3A_553 : vector<16xf32>
        %add3A_555 = arith.addf %add3A_499, %mul3A_554 : vector<16xf32>
        %add3A_556 = arith.constant 33 : i32
        %add3A_557 = vector.broadcast %add3A_556 : i32 to vector<16xi32>
        %add3A_558 = arith.addi %iota3A, %add3A_557 : vector<16xi32>
        %and3A_559 = arith.constant 63 : i32
        %and3A_560 = vector.broadcast %and3A_559 : i32 to vector<16xi32>
        %and3A_561 = arith.andi %add3A_558, %and3A_560 : vector<16xi32>
        %add3A_562 = arith.constant 1 : i32
        %add3A_563 = vector.broadcast %add3A_562 : i32 to vector<16xi32>
        %add3A_564 = arith.addi %and3A_561, %add3A_563 : vector<16xi32>
        %gather3A_565 = tpu.vector_load_idx %arg8[%add3A_95, %and3A_561] : memref<128x64xf32, #tpu.memory_space<vmem>>[vector<16xi32>, vector<16xi32>], vector<16xf32>,
        %gather3A_566 = tpu.vector_load_idx %arg11[%rem3A_99, %and3A_561] : memref<256x64xf32, #tpu.memory_space<vmem>>[vector<16xi32>, vector<16xi32>], vector<16xf32>,
        %add3A_567 = arith.addf %gather3A_565, %gather3A_566 : vector<16xf32>
        tpu.vector_store_idx %arg10[%add3A_95, %add3A_564], %add3A_567 : memref<128x65xf32, #tpu.memory_space<vmem>>[vector<16xi32>, vector<16xi32>], vector<16xf32>,
        %mul3A_568 = arith.mulf %add3A_567, %add3A_567 : vector<16xf32>
        %add3A_569 = arith.addf %add3A_513, %mul3A_568 : vector<16xf32>
        %add3A_570 = arith.constant 34 : i32
        %add3A_571 = vector.broadcast %add3A_570 : i32 to vector<16xi32>
        %add3A_572 = arith.addi %iota3A, %add3A_571 : vector<16xi32>
        %and3A_573 = arith.constant 63 : i32
        %and3A_574 = vector.broadcast %and3A_573 : i32 to vector<16xi32>
        %and3A_575 = arith.andi %add3A_572, %and3A_574 : vector<16xi32>
        %add3A_576 = arith.constant 1 : i32
        %add3A_577 = vector.broadcast %add3A_576 : i32 to vector<16xi32>
        %add3A_578 = arith.addi %and3A_575, %add3A_577 : vector<16xi32>
        %gather3A_579 = tpu.vector_load_idx %arg8[%add3A_95, %and3A_575] : memref<128x64xf32, #tpu.memory_space<vmem>>[vector<16xi32>, vector<16xi32>], vector<16xf32>,
        %gather3A_580 = tpu.vector_load_idx %arg11[%rem3A_99, %and3A_575] : memref<256x64xf32, #tpu.memory_space<vmem>>[vector<16xi32>, vector<16xi32>], vector<16xf32>,
        %add3A_581 = arith.addf %gather3A_579, %gather3A_580 : vector<16xf32>
        tpu.vector_store_idx %arg10[%add3A_95, %add3A_578], %add3A_581 : memref<128x65xf32, #tpu.memory_space<vmem>>[vector<16xi32>, vector<16xi32>], vector<16xf32>,
        %mul3A_582 = arith.mulf %add3A_581, %add3A_581 : vector<16xf32>
        %add3A_583 = arith.addf %add3A_527, %mul3A_582 : vector<16xf32>
        %add3A_584 = arith.constant 35 : i32
        %add3A_585 = vector.broadcast %add3A_584 : i32 to vector<16xi32>
        %add3A_586 = arith.addi %iota3A, %add3A_585 : vector<16xi32>
        %and3A_587 = arith.constant 63 : i32
        %and3A_588 = vector.broadcast %and3A_587 : i32 to vector<16xi32>
        %and3A_589 = arith.andi %add3A_586, %and3A_588 : vector<16xi32>
        %add3A_590 = arith.constant 1 : i32
        %add3A_591 = vector.broadcast %add3A_590 : i32 to vector<16xi32>
        %add3A_592 = arith.addi %and3A_589, %add3A_591 : vector<16xi32>
        %gather3A_593 = tpu.vector_load_idx %arg8[%add3A_95, %and3A_589] : memref<128x64xf32, #tpu.memory_space<vmem>>[vector<16xi32>, vector<16xi32>], vector<16xf32>,
        %gather3A_594 = tpu.vector_load_idx %arg11[%rem3A_99, %and3A_589] : memref<256x64xf32, #tpu.memory_space<vmem>>[vector<16xi32>, vector<16xi32>], vector<16xf32>,
        %add3A_595 = arith.addf %gather3A_593, %gather3A_594 : vector<16xf32>
        tpu.vector_store_idx %arg10[%add3A_95, %add3A_592], %add3A_595 : memref<128x65xf32, #tpu.memory_space<vmem>>[vector<16xi32>, vector<16xi32>], vector<16xf32>,
        %mul3A_596 = arith.mulf %add3A_595, %add3A_595 : vector<16xf32>
        %add3A_597 = arith.addf %add3A_541, %mul3A_596 : vector<16xf32>
        %add3A_598 = arith.constant 36 : i32
        %add3A_599 = vector.broadcast %add3A_598 : i32 to vector<16xi32>
        %add3A_600 = arith.addi %iota3A, %add3A_599 : vector<16xi32>
        %and3A_601 = arith.constant 63 : i32
        %and3A_602 = vector.broadcast %and3A_601 : i32 to vector<16xi32>
        %and3A_603 = arith.andi %add3A_600, %and3A_602 : vector<16xi32>
        %add3A_604 = arith.constant 1 : i32
        %add3A_605 = vector.broadcast %add3A_604 : i32 to vector<16xi32>
        %add3A_606 = arith.addi %and3A_603, %add3A_605 : vector<16xi32>
        %gather3A_607 = tpu.vector_load_idx %arg8[%add3A_95, %and3A_603] : memref<128x64xf32, #tpu.memory_space<vmem>>[vector<16xi32>, vector<16xi32>], vector<16xf32>,
        %gather3A_608 = tpu.vector_load_idx %arg11[%rem3A_99, %and3A_603] : memref<256x64xf32, #tpu.memory_space<vmem>>[vector<16xi32>, vector<16xi32>], vector<16xf32>,
        %add3A_609 = arith.addf %gather3A_607, %gather3A_608 : vector<16xf32>
        tpu.vector_store_idx %arg10[%add3A_95, %add3A_606], %add3A_609 : memref<128x65xf32, #tpu.memory_space<vmem>>[vector<16xi32>, vector<16xi32>], vector<16xf32>,
        %mul3A_610 = arith.mulf %add3A_609, %add3A_609 : vector<16xf32>
        %add3A_611 = arith.addf %add3A_555, %mul3A_610 : vector<16xf32>
        %add3A_612 = arith.constant 37 : i32
        %add3A_613 = vector.broadcast %add3A_612 : i32 to vector<16xi32>
        %add3A_614 = arith.addi %iota3A, %add3A_613 : vector<16xi32>
        %and3A_615 = arith.constant 63 : i32
        %and3A_616 = vector.broadcast %and3A_615 : i32 to vector<16xi32>
        %and3A_617 = arith.andi %add3A_614, %and3A_616 : vector<16xi32>
        %add3A_618 = arith.constant 1 : i32
        %add3A_619 = vector.broadcast %add3A_618 : i32 to vector<16xi32>
        %add3A_620 = arith.addi %and3A_617, %add3A_619 : vector<16xi32>
        %gather3A_621 = tpu.vector_load_idx %arg8[%add3A_95, %and3A_617] : memref<128x64xf32, #tpu.memory_space<vmem>>[vector<16xi32>, vector<16xi32>], vector<16xf32>,
        %gather3A_622 = tpu.vector_load_idx %arg11[%rem3A_99, %and3A_617] : memref<256x64xf32, #tpu.memory_space<vmem>>[vector<16xi32>, vector<16xi32>], vector<16xf32>,
        %add3A_623 = arith.addf %gather3A_621, %gather3A_622 : vector<16xf32>
        tpu.vector_store_idx %arg10[%add3A_95, %add3A_620], %add3A_623 : memref<128x65xf32, #tpu.memory_space<vmem>>[vector<16xi32>, vector<16xi32>], vector<16xf32>,
        %mul3A_624 = arith.mulf %add3A_623, %add3A_623 : vector<16xf32>
        %add3A_625 = arith.addf %add3A_569, %mul3A_624 : vector<16xf32>
        %add3A_626 = arith.constant 38 : i32
        %add3A_627 = vector.broadcast %add3A_626 : i32 to vector<16xi32>
        %add3A_628 = arith.addi %iota3A, %add3A_627 : vector<16xi32>
        %and3A_629 = arith.constant 63 : i32
        %and3A_630 = vector.broadcast %and3A_629 : i32 to vector<16xi32>
        %and3A_631 = arith.andi %add3A_628, %and3A_630 : vector<16xi32>
        %add3A_632 = arith.constant 1 : i32
        %add3A_633 = vector.broadcast %add3A_632 : i32 to vector<16xi32>
        %add3A_634 = arith.addi %and3A_631, %add3A_633 : vector<16xi32>
        %gather3A_635 = tpu.vector_load_idx %arg8[%add3A_95, %and3A_631] : memref<128x64xf32, #tpu.memory_space<vmem>>[vector<16xi32>, vector<16xi32>], vector<16xf32>,
        %gather3A_636 = tpu.vector_load_idx %arg11[%rem3A_99, %and3A_631] : memref<256x64xf32, #tpu.memory_space<vmem>>[vector<16xi32>, vector<16xi32>], vector<16xf32>,
        %add3A_637 = arith.addf %gather3A_635, %gather3A_636 : vector<16xf32>
        tpu.vector_store_idx %arg10[%add3A_95, %add3A_634], %add3A_637 : memref<128x65xf32, #tpu.memory_space<vmem>>[vector<16xi32>, vector<16xi32>], vector<16xf32>,
        %mul3A_638 = arith.mulf %add3A_637, %add3A_637 : vector<16xf32>
        %add3A_639 = arith.addf %add3A_583, %mul3A_638 : vector<16xf32>
        %add3A_640 = arith.constant 39 : i32
        %add3A_641 = vector.broadcast %add3A_640 : i32 to vector<16xi32>
        %add3A_642 = arith.addi %iota3A, %add3A_641 : vector<16xi32>
        %and3A_643 = arith.constant 63 : i32
        %and3A_644 = vector.broadcast %and3A_643 : i32 to vector<16xi32>
        %and3A_645 = arith.andi %add3A_642, %and3A_644 : vector<16xi32>
        %add3A_646 = arith.constant 1 : i32
        %add3A_647 = vector.broadcast %add3A_646 : i32 to vector<16xi32>
        %add3A_648 = arith.addi %and3A_645, %add3A_647 : vector<16xi32>
        %gather3A_649 = tpu.vector_load_idx %arg8[%add3A_95, %and3A_645] : memref<128x64xf32, #tpu.memory_space<vmem>>[vector<16xi32>, vector<16xi32>], vector<16xf32>,
        %gather3A_650 = tpu.vector_load_idx %arg11[%rem3A_99, %and3A_645] : memref<256x64xf32, #tpu.memory_space<vmem>>[vector<16xi32>, vector<16xi32>], vector<16xf32>,
        %add3A_651 = arith.addf %gather3A_649, %gather3A_650 : vector<16xf32>
        tpu.vector_store_idx %arg10[%add3A_95, %add3A_648], %add3A_651 : memref<128x65xf32, #tpu.memory_space<vmem>>[vector<16xi32>, vector<16xi32>], vector<16xf32>,
        %mul3A_652 = arith.mulf %add3A_651, %add3A_651 : vector<16xf32>
        %add3A_653 = arith.addf %add3A_597, %mul3A_652 : vector<16xf32>
        %add3A_654 = arith.constant 40 : i32
        %add3A_655 = vector.broadcast %add3A_654 : i32 to vector<16xi32>
        %add3A_656 = arith.addi %iota3A, %add3A_655 : vector<16xi32>
        %and3A_657 = arith.constant 63 : i32
        %and3A_658 = vector.broadcast %and3A_657 : i32 to vector<16xi32>
        %and3A_659 = arith.andi %add3A_656, %and3A_658 : vector<16xi32>
        %add3A_660 = arith.constant 1 : i32
        %add3A_661 = vector.broadcast %add3A_660 : i32 to vector<16xi32>
        %add3A_662 = arith.addi %and3A_659, %add3A_661 : vector<16xi32>
        %gather3A_663 = tpu.vector_load_idx %arg8[%add3A_95, %and3A_659] : memref<128x64xf32, #tpu.memory_space<vmem>>[vector<16xi32>, vector<16xi32>], vector<16xf32>,
        %gather3A_664 = tpu.vector_load_idx %arg11[%rem3A_99, %and3A_659] : memref<256x64xf32, #tpu.memory_space<vmem>>[vector<16xi32>, vector<16xi32>], vector<16xf32>,
        %add3A_665 = arith.addf %gather3A_663, %gather3A_664 : vector<16xf32>
        tpu.vector_store_idx %arg10[%add3A_95, %add3A_662], %add3A_665 : memref<128x65xf32, #tpu.memory_space<vmem>>[vector<16xi32>, vector<16xi32>], vector<16xf32>,
        %mul3A_666 = arith.mulf %add3A_665, %add3A_665 : vector<16xf32>
        %add3A_667 = arith.addf %add3A_611, %mul3A_666 : vector<16xf32>
        %add3A_668 = arith.constant 41 : i32
        %add3A_669 = vector.broadcast %add3A_668 : i32 to vector<16xi32>
        %add3A_670 = arith.addi %iota3A, %add3A_669 : vector<16xi32>
        %and3A_671 = arith.constant 63 : i32
        %and3A_672 = vector.broadcast %and3A_671 : i32 to vector<16xi32>
        %and3A_673 = arith.andi %add3A_670, %and3A_672 : vector<16xi32>
        %add3A_674 = arith.constant 1 : i32
        %add3A_675 = vector.broadcast %add3A_674 : i32 to vector<16xi32>
        %add3A_676 = arith.addi %and3A_673, %add3A_675 : vector<16xi32>
        %gather3A_677 = tpu.vector_load_idx %arg8[%add3A_95, %and3A_673] : memref<128x64xf32, #tpu.memory_space<vmem>>[vector<16xi32>, vector<16xi32>], vector<16xf32>,
        %gather3A_678 = tpu.vector_load_idx %arg11[%rem3A_99, %and3A_673] : memref<256x64xf32, #tpu.memory_space<vmem>>[vector<16xi32>, vector<16xi32>], vector<16xf32>,
        %add3A_679 = arith.addf %gather3A_677, %gather3A_678 : vector<16xf32>
        tpu.vector_store_idx %arg10[%add3A_95, %add3A_676], %add3A_679 : memref<128x65xf32, #tpu.memory_space<vmem>>[vector<16xi32>, vector<16xi32>], vector<16xf32>,
        %mul3A_680 = arith.mulf %add3A_679, %add3A_679 : vector<16xf32>
        %add3A_681 = arith.addf %add3A_625, %mul3A_680 : vector<16xf32>
        %add3A_682 = arith.constant 42 : i32
        %add3A_683 = vector.broadcast %add3A_682 : i32 to vector<16xi32>
        %add3A_684 = arith.addi %iota3A, %add3A_683 : vector<16xi32>
        %and3A_685 = arith.constant 63 : i32
        %and3A_686 = vector.broadcast %and3A_685 : i32 to vector<16xi32>
        %and3A_687 = arith.andi %add3A_684, %and3A_686 : vector<16xi32>
        %add3A_688 = arith.constant 1 : i32
        %add3A_689 = vector.broadcast %add3A_688 : i32 to vector<16xi32>
        %add3A_690 = arith.addi %and3A_687, %add3A_689 : vector<16xi32>
        %gather3A_691 = tpu.vector_load_idx %arg8[%add3A_95, %and3A_687] : memref<128x64xf32, #tpu.memory_space<vmem>>[vector<16xi32>, vector<16xi32>], vector<16xf32>,
        %gather3A_692 = tpu.vector_load_idx %arg11[%rem3A_99, %and3A_687] : memref<256x64xf32, #tpu.memory_space<vmem>>[vector<16xi32>, vector<16xi32>], vector<16xf32>,
        %add3A_693 = arith.addf %gather3A_691, %gather3A_692 : vector<16xf32>
        tpu.vector_store_idx %arg10[%add3A_95, %add3A_690], %add3A_693 : memref<128x65xf32, #tpu.memory_space<vmem>>[vector<16xi32>, vector<16xi32>], vector<16xf32>,
        %mul3A_694 = arith.mulf %add3A_693, %add3A_693 : vector<16xf32>
        %add3A_695 = arith.addf %add3A_639, %mul3A_694 : vector<16xf32>
        %add3A_696 = arith.constant 43 : i32
        %add3A_697 = vector.broadcast %add3A_696 : i32 to vector<16xi32>
        %add3A_698 = arith.addi %iota3A, %add3A_697 : vector<16xi32>
        %and3A_699 = arith.constant 63 : i32
        %and3A_700 = vector.broadcast %and3A_699 : i32 to vector<16xi32>
        %and3A_701 = arith.andi %add3A_698, %and3A_700 : vector<16xi32>
        %add3A_702 = arith.constant 1 : i32
        %add3A_703 = vector.broadcast %add3A_702 : i32 to vector<16xi32>
        %add3A_704 = arith.addi %and3A_701, %add3A_703 : vector<16xi32>
        %gather3A_705 = tpu.vector_load_idx %arg8[%add3A_95, %and3A_701] : memref<128x64xf32, #tpu.memory_space<vmem>>[vector<16xi32>, vector<16xi32>], vector<16xf32>,
        %gather3A_706 = tpu.vector_load_idx %arg11[%rem3A_99, %and3A_701] : memref<256x64xf32, #tpu.memory_space<vmem>>[vector<16xi32>, vector<16xi32>], vector<16xf32>,
        %add3A_707 = arith.addf %gather3A_705, %gather3A_706 : vector<16xf32>
        tpu.vector_store_idx %arg10[%add3A_95, %add3A_704], %add3A_707 : memref<128x65xf32, #tpu.memory_space<vmem>>[vector<16xi32>, vector<16xi32>], vector<16xf32>,
        %mul3A_708 = arith.mulf %add3A_707, %add3A_707 : vector<16xf32>
        %add3A_709 = arith.addf %add3A_653, %mul3A_708 : vector<16xf32>
        %add3A_710 = arith.constant 44 : i32
        %add3A_711 = vector.broadcast %add3A_710 : i32 to vector<16xi32>
        %add3A_712 = arith.addi %iota3A, %add3A_711 : vector<16xi32>
        %and3A_713 = arith.constant 63 : i32
        %and3A_714 = vector.broadcast %and3A_713 : i32 to vector<16xi32>
        %and3A_715 = arith.andi %add3A_712, %and3A_714 : vector<16xi32>
        %add3A_716 = arith.constant 1 : i32
        %add3A_717 = vector.broadcast %add3A_716 : i32 to vector<16xi32>
        %add3A_718 = arith.addi %and3A_715, %add3A_717 : vector<16xi32>
        %gather3A_719 = tpu.vector_load_idx %arg8[%add3A_95, %and3A_715] : memref<128x64xf32, #tpu.memory_space<vmem>>[vector<16xi32>, vector<16xi32>], vector<16xf32>,
        %gather3A_720 = tpu.vector_load_idx %arg11[%rem3A_99, %and3A_715] : memref<256x64xf32, #tpu.memory_space<vmem>>[vector<16xi32>, vector<16xi32>], vector<16xf32>,
        %add3A_721 = arith.addf %gather3A_719, %gather3A_720 : vector<16xf32>
        tpu.vector_store_idx %arg10[%add3A_95, %add3A_718], %add3A_721 : memref<128x65xf32, #tpu.memory_space<vmem>>[vector<16xi32>, vector<16xi32>], vector<16xf32>,
        %mul3A_722 = arith.mulf %add3A_721, %add3A_721 : vector<16xf32>
        %add3A_723 = arith.addf %add3A_667, %mul3A_722 : vector<16xf32>
        %add3A_724 = arith.constant 45 : i32
        %add3A_725 = vector.broadcast %add3A_724 : i32 to vector<16xi32>
        %add3A_726 = arith.addi %iota3A, %add3A_725 : vector<16xi32>
        %and3A_727 = arith.constant 63 : i32
        %and3A_728 = vector.broadcast %and3A_727 : i32 to vector<16xi32>
        %and3A_729 = arith.andi %add3A_726, %and3A_728 : vector<16xi32>
        %add3A_730 = arith.constant 1 : i32
        %add3A_731 = vector.broadcast %add3A_730 : i32 to vector<16xi32>
        %add3A_732 = arith.addi %and3A_729, %add3A_731 : vector<16xi32>
        %gather3A_733 = tpu.vector_load_idx %arg8[%add3A_95, %and3A_729] : memref<128x64xf32, #tpu.memory_space<vmem>>[vector<16xi32>, vector<16xi32>], vector<16xf32>,
        %gather3A_734 = tpu.vector_load_idx %arg11[%rem3A_99, %and3A_729] : memref<256x64xf32, #tpu.memory_space<vmem>>[vector<16xi32>, vector<16xi32>], vector<16xf32>,
        %add3A_735 = arith.addf %gather3A_733, %gather3A_734 : vector<16xf32>
        tpu.vector_store_idx %arg10[%add3A_95, %add3A_732], %add3A_735 : memref<128x65xf32, #tpu.memory_space<vmem>>[vector<16xi32>, vector<16xi32>], vector<16xf32>,
        %mul3A_736 = arith.mulf %add3A_735, %add3A_735 : vector<16xf32>
        %add3A_737 = arith.addf %add3A_681, %mul3A_736 : vector<16xf32>
        %add3A_738 = arith.constant 46 : i32
        %add3A_739 = vector.broadcast %add3A_738 : i32 to vector<16xi32>
        %add3A_740 = arith.addi %iota3A, %add3A_739 : vector<16xi32>
        %and3A_741 = arith.constant 63 : i32
        %and3A_742 = vector.broadcast %and3A_741 : i32 to vector<16xi32>
        %and3A_743 = arith.andi %add3A_740, %and3A_742 : vector<16xi32>
        %add3A_744 = arith.constant 1 : i32
        %add3A_745 = vector.broadcast %add3A_744 : i32 to vector<16xi32>
        %add3A_746 = arith.addi %and3A_743, %add3A_745 : vector<16xi32>
        %gather3A_747 = tpu.vector_load_idx %arg8[%add3A_95, %and3A_743] : memref<128x64xf32, #tpu.memory_space<vmem>>[vector<16xi32>, vector<16xi32>], vector<16xf32>,
        %gather3A_748 = tpu.vector_load_idx %arg11[%rem3A_99, %and3A_743] : memref<256x64xf32, #tpu.memory_space<vmem>>[vector<16xi32>, vector<16xi32>], vector<16xf32>,
        %add3A_749 = arith.addf %gather3A_747, %gather3A_748 : vector<16xf32>
        tpu.vector_store_idx %arg10[%add3A_95, %add3A_746], %add3A_749 : memref<128x65xf32, #tpu.memory_space<vmem>>[vector<16xi32>, vector<16xi32>], vector<16xf32>,
        %mul3A_750 = arith.mulf %add3A_749, %add3A_749 : vector<16xf32>
        %add3A_751 = arith.addf %add3A_695, %mul3A_750 : vector<16xf32>
        %add3A_752 = arith.constant 47 : i32
        %add3A_753 = vector.broadcast %add3A_752 : i32 to vector<16xi32>
        %add3A_754 = arith.addi %iota3A, %add3A_753 : vector<16xi32>
        %and3A_755 = arith.constant 63 : i32
        %and3A_756 = vector.broadcast %and3A_755 : i32 to vector<16xi32>
        %and3A_757 = arith.andi %add3A_754, %and3A_756 : vector<16xi32>
        %add3A_758 = arith.constant 1 : i32
        %add3A_759 = vector.broadcast %add3A_758 : i32 to vector<16xi32>
        %add3A_760 = arith.addi %and3A_757, %add3A_759 : vector<16xi32>
        %gather3A_761 = tpu.vector_load_idx %arg8[%add3A_95, %and3A_757] : memref<128x64xf32, #tpu.memory_space<vmem>>[vector<16xi32>, vector<16xi32>], vector<16xf32>,
        %gather3A_762 = tpu.vector_load_idx %arg11[%rem3A_99, %and3A_757] : memref<256x64xf32, #tpu.memory_space<vmem>>[vector<16xi32>, vector<16xi32>], vector<16xf32>,
        %add3A_763 = arith.addf %gather3A_761, %gather3A_762 : vector<16xf32>
        tpu.vector_store_idx %arg10[%add3A_95, %add3A_760], %add3A_763 : memref<128x65xf32, #tpu.memory_space<vmem>>[vector<16xi32>, vector<16xi32>], vector<16xf32>,
        %mul3A_764 = arith.mulf %add3A_763, %add3A_763 : vector<16xf32>
        %add3A_765 = arith.addf %add3A_709, %mul3A_764 : vector<16xf32>
        %add3A_766 = arith.constant 48 : i32
        %add3A_767 = vector.broadcast %add3A_766 : i32 to vector<16xi32>
        %add3A_768 = arith.addi %iota3A, %add3A_767 : vector<16xi32>
        %and3A_769 = arith.constant 63 : i32
        %and3A_770 = vector.broadcast %and3A_769 : i32 to vector<16xi32>
        %and3A_771 = arith.andi %add3A_768, %and3A_770 : vector<16xi32>
        %add3A_772 = arith.constant 1 : i32
        %add3A_773 = vector.broadcast %add3A_772 : i32 to vector<16xi32>
        %add3A_774 = arith.addi %and3A_771, %add3A_773 : vector<16xi32>
        %gather3A_775 = tpu.vector_load_idx %arg8[%add3A_95, %and3A_771] : memref<128x64xf32, #tpu.memory_space<vmem>>[vector<16xi32>, vector<16xi32>], vector<16xf32>,
        %gather3A_776 = tpu.vector_load_idx %arg11[%rem3A_99, %and3A_771] : memref<256x64xf32, #tpu.memory_space<vmem>>[vector<16xi32>, vector<16xi32>], vector<16xf32>,
        %add3A_777 = arith.addf %gather3A_775, %gather3A_776 : vector<16xf32>
        tpu.vector_store_idx %arg10[%add3A_95, %add3A_774], %add3A_777 : memref<128x65xf32, #tpu.memory_space<vmem>>[vector<16xi32>, vector<16xi32>], vector<16xf32>,
        %mul3A_778 = arith.mulf %add3A_777, %add3A_777 : vector<16xf32>
        %add3A_779 = arith.addf %add3A_723, %mul3A_778 : vector<16xf32>
        %add3A_780 = arith.constant 49 : i32
        %add3A_781 = vector.broadcast %add3A_780 : i32 to vector<16xi32>
        %add3A_782 = arith.addi %iota3A, %add3A_781 : vector<16xi32>
        %and3A_783 = arith.constant 63 : i32
        %and3A_784 = vector.broadcast %and3A_783 : i32 to vector<16xi32>
        %and3A_785 = arith.andi %add3A_782, %and3A_784 : vector<16xi32>
        %add3A_786 = arith.constant 1 : i32
        %add3A_787 = vector.broadcast %add3A_786 : i32 to vector<16xi32>
        %add3A_788 = arith.addi %and3A_785, %add3A_787 : vector<16xi32>
        %gather3A_789 = tpu.vector_load_idx %arg8[%add3A_95, %and3A_785] : memref<128x64xf32, #tpu.memory_space<vmem>>[vector<16xi32>, vector<16xi32>], vector<16xf32>,
        %gather3A_790 = tpu.vector_load_idx %arg11[%rem3A_99, %and3A_785] : memref<256x64xf32, #tpu.memory_space<vmem>>[vector<16xi32>, vector<16xi32>], vector<16xf32>,
        %add3A_791 = arith.addf %gather3A_789, %gather3A_790 : vector<16xf32>
        tpu.vector_store_idx %arg10[%add3A_95, %add3A_788], %add3A_791 : memref<128x65xf32, #tpu.memory_space<vmem>>[vector<16xi32>, vector<16xi32>], vector<16xf32>,
        %mul3A_792 = arith.mulf %add3A_791, %add3A_791 : vector<16xf32>
        %add3A_793 = arith.addf %add3A_737, %mul3A_792 : vector<16xf32>
        %add3A_794 = arith.constant 50 : i32
        %add3A_795 = vector.broadcast %add3A_794 : i32 to vector<16xi32>
        %add3A_796 = arith.addi %iota3A, %add3A_795 : vector<16xi32>
        %and3A_797 = arith.constant 63 : i32
        %and3A_798 = vector.broadcast %and3A_797 : i32 to vector<16xi32>
        %and3A_799 = arith.andi %add3A_796, %and3A_798 : vector<16xi32>
        %add3A_800 = arith.constant 1 : i32
        %add3A_801 = vector.broadcast %add3A_800 : i32 to vector<16xi32>
        %add3A_802 = arith.addi %and3A_799, %add3A_801 : vector<16xi32>
        %gather3A_803 = tpu.vector_load_idx %arg8[%add3A_95, %and3A_799] : memref<128x64xf32, #tpu.memory_space<vmem>>[vector<16xi32>, vector<16xi32>], vector<16xf32>,
        %gather3A_804 = tpu.vector_load_idx %arg11[%rem3A_99, %and3A_799] : memref<256x64xf32, #tpu.memory_space<vmem>>[vector<16xi32>, vector<16xi32>], vector<16xf32>,
        %add3A_805 = arith.addf %gather3A_803, %gather3A_804 : vector<16xf32>
        tpu.vector_store_idx %arg10[%add3A_95, %add3A_802], %add3A_805 : memref<128x65xf32, #tpu.memory_space<vmem>>[vector<16xi32>, vector<16xi32>], vector<16xf32>,
        %mul3A_806 = arith.mulf %add3A_805, %add3A_805 : vector<16xf32>
        %add3A_807 = arith.addf %add3A_751, %mul3A_806 : vector<16xf32>
        %add3A_808 = arith.constant 51 : i32
        %add3A_809 = vector.broadcast %add3A_808 : i32 to vector<16xi32>
        %add3A_810 = arith.addi %iota3A, %add3A_809 : vector<16xi32>
        %and3A_811 = arith.constant 63 : i32
        %and3A_812 = vector.broadcast %and3A_811 : i32 to vector<16xi32>
        %and3A_813 = arith.andi %add3A_810, %and3A_812 : vector<16xi32>
        %add3A_814 = arith.constant 1 : i32
        %add3A_815 = vector.broadcast %add3A_814 : i32 to vector<16xi32>
        %add3A_816 = arith.addi %and3A_813, %add3A_815 : vector<16xi32>
        %gather3A_817 = tpu.vector_load_idx %arg8[%add3A_95, %and3A_813] : memref<128x64xf32, #tpu.memory_space<vmem>>[vector<16xi32>, vector<16xi32>], vector<16xf32>,
        %gather3A_818 = tpu.vector_load_idx %arg11[%rem3A_99, %and3A_813] : memref<256x64xf32, #tpu.memory_space<vmem>>[vector<16xi32>, vector<16xi32>], vector<16xf32>,
        %add3A_819 = arith.addf %gather3A_817, %gather3A_818 : vector<16xf32>
        tpu.vector_store_idx %arg10[%add3A_95, %add3A_816], %add3A_819 : memref<128x65xf32, #tpu.memory_space<vmem>>[vector<16xi32>, vector<16xi32>], vector<16xf32>,
        %mul3A_820 = arith.mulf %add3A_819, %add3A_819 : vector<16xf32>
        %add3A_821 = arith.addf %add3A_765, %mul3A_820 : vector<16xf32>
        %add3A_822 = arith.constant 52 : i32
        %add3A_823 = vector.broadcast %add3A_822 : i32 to vector<16xi32>
        %add3A_824 = arith.addi %iota3A, %add3A_823 : vector<16xi32>
        %and3A_825 = arith.constant 63 : i32
        %and3A_826 = vector.broadcast %and3A_825 : i32 to vector<16xi32>
        %and3A_827 = arith.andi %add3A_824, %and3A_826 : vector<16xi32>
        %add3A_828 = arith.constant 1 : i32
        %add3A_829 = vector.broadcast %add3A_828 : i32 to vector<16xi32>
        %add3A_830 = arith.addi %and3A_827, %add3A_829 : vector<16xi32>
        %gather3A_831 = tpu.vector_load_idx %arg8[%add3A_95, %and3A_827] : memref<128x64xf32, #tpu.memory_space<vmem>>[vector<16xi32>, vector<16xi32>], vector<16xf32>,
        %gather3A_832 = tpu.vector_load_idx %arg11[%rem3A_99, %and3A_827] : memref<256x64xf32, #tpu.memory_space<vmem>>[vector<16xi32>, vector<16xi32>], vector<16xf32>,
        %add3A_833 = arith.addf %gather3A_831, %gather3A_832 : vector<16xf32>
        tpu.vector_store_idx %arg10[%add3A_95, %add3A_830], %add3A_833 : memref<128x65xf32, #tpu.memory_space<vmem>>[vector<16xi32>, vector<16xi32>], vector<16xf32>,
        %mul3A_834 = arith.mulf %add3A_833, %add3A_833 : vector<16xf32>
        %add3A_835 = arith.addf %add3A_779, %mul3A_834 : vector<16xf32>
        %add3A_836 = arith.constant 53 : i32
        %add3A_837 = vector.broadcast %add3A_836 : i32 to vector<16xi32>
        %add3A_838 = arith.addi %iota3A, %add3A_837 : vector<16xi32>
        %and3A_839 = arith.constant 63 : i32
        %and3A_840 = vector.broadcast %and3A_839 : i32 to vector<16xi32>
        %and3A_841 = arith.andi %add3A_838, %and3A_840 : vector<16xi32>
        %add3A_842 = arith.constant 1 : i32
        %add3A_843 = vector.broadcast %add3A_842 : i32 to vector<16xi32>
        %add3A_844 = arith.addi %and3A_841, %add3A_843 : vector<16xi32>
        %gather3A_845 = tpu.vector_load_idx %arg8[%add3A_95, %and3A_841] : memref<128x64xf32, #tpu.memory_space<vmem>>[vector<16xi32>, vector<16xi32>], vector<16xf32>,
        %gather3A_846 = tpu.vector_load_idx %arg11[%rem3A_99, %and3A_841] : memref<256x64xf32, #tpu.memory_space<vmem>>[vector<16xi32>, vector<16xi32>], vector<16xf32>,
        %add3A_847 = arith.addf %gather3A_845, %gather3A_846 : vector<16xf32>
        tpu.vector_store_idx %arg10[%add3A_95, %add3A_844], %add3A_847 : memref<128x65xf32, #tpu.memory_space<vmem>>[vector<16xi32>, vector<16xi32>], vector<16xf32>,
        %mul3A_848 = arith.mulf %add3A_847, %add3A_847 : vector<16xf32>
        %add3A_849 = arith.addf %add3A_793, %mul3A_848 : vector<16xf32>
        %add3A_850 = arith.constant 54 : i32
        %add3A_851 = vector.broadcast %add3A_850 : i32 to vector<16xi32>
        %add3A_852 = arith.addi %iota3A, %add3A_851 : vector<16xi32>
        %and3A_853 = arith.constant 63 : i32
        %and3A_854 = vector.broadcast %and3A_853 : i32 to vector<16xi32>
        %and3A_855 = arith.andi %add3A_852, %and3A_854 : vector<16xi32>
        %add3A_856 = arith.constant 1 : i32
        %add3A_857 = vector.broadcast %add3A_856 : i32 to vector<16xi32>
        %add3A_858 = arith.addi %and3A_855, %add3A_857 : vector<16xi32>
        %gather3A_859 = tpu.vector_load_idx %arg8[%add3A_95, %and3A_855] : memref<128x64xf32, #tpu.memory_space<vmem>>[vector<16xi32>, vector<16xi32>], vector<16xf32>,
        %gather3A_860 = tpu.vector_load_idx %arg11[%rem3A_99, %and3A_855] : memref<256x64xf32, #tpu.memory_space<vmem>>[vector<16xi32>, vector<16xi32>], vector<16xf32>,
        %add3A_861 = arith.addf %gather3A_859, %gather3A_860 : vector<16xf32>
        tpu.vector_store_idx %arg10[%add3A_95, %add3A_858], %add3A_861 : memref<128x65xf32, #tpu.memory_space<vmem>>[vector<16xi32>, vector<16xi32>], vector<16xf32>,
        %mul3A_862 = arith.mulf %add3A_861, %add3A_861 : vector<16xf32>
        %add3A_863 = arith.addf %add3A_807, %mul3A_862 : vector<16xf32>
        %add3A_864 = arith.constant 55 : i32
        %add3A_865 = vector.broadcast %add3A_864 : i32 to vector<16xi32>
        %add3A_866 = arith.addi %iota3A, %add3A_865 : vector<16xi32>
        %and3A_867 = arith.constant 63 : i32
        %and3A_868 = vector.broadcast %and3A_867 : i32 to vector<16xi32>
        %and3A_869 = arith.andi %add3A_866, %and3A_868 : vector<16xi32>
        %add3A_870 = arith.constant 1 : i32
        %add3A_871 = vector.broadcast %add3A_870 : i32 to vector<16xi32>
        %add3A_872 = arith.addi %and3A_869, %add3A_871 : vector<16xi32>
        %gather3A_873 = tpu.vector_load_idx %arg8[%add3A_95, %and3A_869] : memref<128x64xf32, #tpu.memory_space<vmem>>[vector<16xi32>, vector<16xi32>], vector<16xf32>,
        %gather3A_874 = tpu.vector_load_idx %arg11[%rem3A_99, %and3A_869] : memref<256x64xf32, #tpu.memory_space<vmem>>[vector<16xi32>, vector<16xi32>], vector<16xf32>,
        %add3A_875 = arith.addf %gather3A_873, %gather3A_874 : vector<16xf32>
        tpu.vector_store_idx %arg10[%add3A_95, %add3A_872], %add3A_875 : memref<128x65xf32, #tpu.memory_space<vmem>>[vector<16xi32>, vector<16xi32>], vector<16xf32>,
        %mul3A_876 = arith.mulf %add3A_875, %add3A_875 : vector<16xf32>
        %add3A_877 = arith.addf %add3A_821, %mul3A_876 : vector<16xf32>
        %add3A_878 = arith.constant 56 : i32
        %add3A_879 = vector.broadcast %add3A_878 : i32 to vector<16xi32>
        %add3A_880 = arith.addi %iota3A, %add3A_879 : vector<16xi32>
        %and3A_881 = arith.constant 63 : i32
        %and3A_882 = vector.broadcast %and3A_881 : i32 to vector<16xi32>
        %and3A_883 = arith.andi %add3A_880, %and3A_882 : vector<16xi32>
        %add3A_884 = arith.constant 1 : i32
        %add3A_885 = vector.broadcast %add3A_884 : i32 to vector<16xi32>
        %add3A_886 = arith.addi %and3A_883, %add3A_885 : vector<16xi32>
        %gather3A_887 = tpu.vector_load_idx %arg8[%add3A_95, %and3A_883] : memref<128x64xf32, #tpu.memory_space<vmem>>[vector<16xi32>, vector<16xi32>], vector<16xf32>,
        %gather3A_888 = tpu.vector_load_idx %arg11[%rem3A_99, %and3A_883] : memref<256x64xf32, #tpu.memory_space<vmem>>[vector<16xi32>, vector<16xi32>], vector<16xf32>,
        %add3A_889 = arith.addf %gather3A_887, %gather3A_888 : vector<16xf32>
        tpu.vector_store_idx %arg10[%add3A_95, %add3A_886], %add3A_889 : memref<128x65xf32, #tpu.memory_space<vmem>>[vector<16xi32>, vector<16xi32>], vector<16xf32>,
        %mul3A_890 = arith.mulf %add3A_889, %add3A_889 : vector<16xf32>
        %add3A_891 = arith.addf %add3A_835, %mul3A_890 : vector<16xf32>
        %add3A_892 = arith.constant 57 : i32
        %add3A_893 = vector.broadcast %add3A_892 : i32 to vector<16xi32>
        %add3A_894 = arith.addi %iota3A, %add3A_893 : vector<16xi32>
        %and3A_895 = arith.constant 63 : i32
        %and3A_896 = vector.broadcast %and3A_895 : i32 to vector<16xi32>
        %and3A_897 = arith.andi %add3A_894, %and3A_896 : vector<16xi32>
        %add3A_898 = arith.constant 1 : i32
        %add3A_899 = vector.broadcast %add3A_898 : i32 to vector<16xi32>
        %add3A_900 = arith.addi %and3A_897, %add3A_899 : vector<16xi32>
        %gather3A_901 = tpu.vector_load_idx %arg8[%add3A_95, %and3A_897] : memref<128x64xf32, #tpu.memory_space<vmem>>[vector<16xi32>, vector<16xi32>], vector<16xf32>,
        %gather3A_902 = tpu.vector_load_idx %arg11[%rem3A_99, %and3A_897] : memref<256x64xf32, #tpu.memory_space<vmem>>[vector<16xi32>, vector<16xi32>], vector<16xf32>,
        %add3A_903 = arith.addf %gather3A_901, %gather3A_902 : vector<16xf32>
        tpu.vector_store_idx %arg10[%add3A_95, %add3A_900], %add3A_903 : memref<128x65xf32, #tpu.memory_space<vmem>>[vector<16xi32>, vector<16xi32>], vector<16xf32>,
        %mul3A_904 = arith.mulf %add3A_903, %add3A_903 : vector<16xf32>
        %add3A_905 = arith.addf %add3A_849, %mul3A_904 : vector<16xf32>
        %add3A_906 = arith.constant 58 : i32
        %add3A_907 = vector.broadcast %add3A_906 : i32 to vector<16xi32>
        %add3A_908 = arith.addi %iota3A, %add3A_907 : vector<16xi32>
        %and3A_909 = arith.constant 63 : i32
        %and3A_910 = vector.broadcast %and3A_909 : i32 to vector<16xi32>
        %and3A_911 = arith.andi %add3A_908, %and3A_910 : vector<16xi32>
        %add3A_912 = arith.constant 1 : i32
        %add3A_913 = vector.broadcast %add3A_912 : i32 to vector<16xi32>
        %add3A_914 = arith.addi %and3A_911, %add3A_913 : vector<16xi32>
        %gather3A_915 = tpu.vector_load_idx %arg8[%add3A_95, %and3A_911] : memref<128x64xf32, #tpu.memory_space<vmem>>[vector<16xi32>, vector<16xi32>], vector<16xf32>,
        %gather3A_916 = tpu.vector_load_idx %arg11[%rem3A_99, %and3A_911] : memref<256x64xf32, #tpu.memory_space<vmem>>[vector<16xi32>, vector<16xi32>], vector<16xf32>,
        %add3A_917 = arith.addf %gather3A_915, %gather3A_916 : vector<16xf32>
        tpu.vector_store_idx %arg10[%add3A_95, %add3A_914], %add3A_917 : memref<128x65xf32, #tpu.memory_space<vmem>>[vector<16xi32>, vector<16xi32>], vector<16xf32>,
        %mul3A_918 = arith.mulf %add3A_917, %add3A_917 : vector<16xf32>
        %add3A_919 = arith.addf %add3A_863, %mul3A_918 : vector<16xf32>
        %add3A_920 = arith.constant 59 : i32
        %add3A_921 = vector.broadcast %add3A_920 : i32 to vector<16xi32>
        %add3A_922 = arith.addi %iota3A, %add3A_921 : vector<16xi32>
        %and3A_923 = arith.constant 63 : i32
        %and3A_924 = vector.broadcast %and3A_923 : i32 to vector<16xi32>
        %and3A_925 = arith.andi %add3A_922, %and3A_924 : vector<16xi32>
        %add3A_926 = arith.constant 1 : i32
        %add3A_927 = vector.broadcast %add3A_926 : i32 to vector<16xi32>
        %add3A_928 = arith.addi %and3A_925, %add3A_927 : vector<16xi32>
        %gather3A_929 = tpu.vector_load_idx %arg8[%add3A_95, %and3A_925] : memref<128x64xf32, #tpu.memory_space<vmem>>[vector<16xi32>, vector<16xi32>], vector<16xf32>,
        %gather3A_930 = tpu.vector_load_idx %arg11[%rem3A_99, %and3A_925] : memref<256x64xf32, #tpu.memory_space<vmem>>[vector<16xi32>, vector<16xi32>], vector<16xf32>,
        %add3A_931 = arith.addf %gather3A_929, %gather3A_930 : vector<16xf32>
        tpu.vector_store_idx %arg10[%add3A_95, %add3A_928], %add3A_931 : memref<128x65xf32, #tpu.memory_space<vmem>>[vector<16xi32>, vector<16xi32>], vector<16xf32>,
        %mul3A_932 = arith.mulf %add3A_931, %add3A_931 : vector<16xf32>
        %add3A_933 = arith.addf %add3A_877, %mul3A_932 : vector<16xf32>
        %add3A_934 = arith.constant 60 : i32
        %add3A_935 = vector.broadcast %add3A_934 : i32 to vector<16xi32>
        %add3A_936 = arith.addi %iota3A, %add3A_935 : vector<16xi32>
        %and3A_937 = arith.constant 63 : i32
        %and3A_938 = vector.broadcast %and3A_937 : i32 to vector<16xi32>
        %and3A_939 = arith.andi %add3A_936, %and3A_938 : vector<16xi32>
        %add3A_940 = arith.constant 1 : i32
        %add3A_941 = vector.broadcast %add3A_940 : i32 to vector<16xi32>
        %add3A_942 = arith.addi %and3A_939, %add3A_941 : vector<16xi32>
        %gather3A_943 = tpu.vector_load_idx %arg8[%add3A_95, %and3A_939] : memref<128x64xf32, #tpu.memory_space<vmem>>[vector<16xi32>, vector<16xi32>], vector<16xf32>,
        %gather3A_944 = tpu.vector_load_idx %arg11[%rem3A_99, %and3A_939] : memref<256x64xf32, #tpu.memory_space<vmem>>[vector<16xi32>, vector<16xi32>], vector<16xf32>,
        %add3A_945 = arith.addf %gather3A_943, %gather3A_944 : vector<16xf32>
        tpu.vector_store_idx %arg10[%add3A_95, %add3A_942], %add3A_945 : memref<128x65xf32, #tpu.memory_space<vmem>>[vector<16xi32>, vector<16xi32>], vector<16xf32>,
        %mul3A_946 = arith.mulf %add3A_945, %add3A_945 : vector<16xf32>
        %add3A_947 = arith.addf %add3A_891, %mul3A_946 : vector<16xf32>
        %add3A_948 = arith.constant 61 : i32
        %add3A_949 = vector.broadcast %add3A_948 : i32 to vector<16xi32>
        %add3A_950 = arith.addi %iota3A, %add3A_949 : vector<16xi32>
        %and3A_951 = arith.constant 63 : i32
        %and3A_952 = vector.broadcast %and3A_951 : i32 to vector<16xi32>
        %and3A_953 = arith.andi %add3A_950, %and3A_952 : vector<16xi32>
        %add3A_954 = arith.constant 1 : i32
        %add3A_955 = vector.broadcast %add3A_954 : i32 to vector<16xi32>
        %add3A_956 = arith.addi %and3A_953, %add3A_955 : vector<16xi32>
        %gather3A_957 = tpu.vector_load_idx %arg8[%add3A_95, %and3A_953] : memref<128x64xf32, #tpu.memory_space<vmem>>[vector<16xi32>, vector<16xi32>], vector<16xf32>,
        %gather3A_958 = tpu.vector_load_idx %arg11[%rem3A_99, %and3A_953] : memref<256x64xf32, #tpu.memory_space<vmem>>[vector<16xi32>, vector<16xi32>], vector<16xf32>,
        %add3A_959 = arith.addf %gather3A_957, %gather3A_958 : vector<16xf32>
        tpu.vector_store_idx %arg10[%add3A_95, %add3A_956], %add3A_959 : memref<128x65xf32, #tpu.memory_space<vmem>>[vector<16xi32>, vector<16xi32>], vector<16xf32>,
        %mul3A_960 = arith.mulf %add3A_959, %add3A_959 : vector<16xf32>
        %add3A_961 = arith.addf %add3A_905, %mul3A_960 : vector<16xf32>
        %add3A_962 = arith.constant 62 : i32
        %add3A_963 = vector.broadcast %add3A_962 : i32 to vector<16xi32>
        %add3A_964 = arith.addi %iota3A, %add3A_963 : vector<16xi32>
        %and3A_965 = arith.constant 63 : i32
        %and3A_966 = vector.broadcast %and3A_965 : i32 to vector<16xi32>
        %and3A_967 = arith.andi %add3A_964, %and3A_966 : vector<16xi32>
        %add3A_968 = arith.constant 1 : i32
        %add3A_969 = vector.broadcast %add3A_968 : i32 to vector<16xi32>
        %add3A_970 = arith.addi %and3A_967, %add3A_969 : vector<16xi32>
        %gather3A_971 = tpu.vector_load_idx %arg8[%add3A_95, %and3A_967] : memref<128x64xf32, #tpu.memory_space<vmem>>[vector<16xi32>, vector<16xi32>], vector<16xf32>,
        %gather3A_972 = tpu.vector_load_idx %arg11[%rem3A_99, %and3A_967] : memref<256x64xf32, #tpu.memory_space<vmem>>[vector<16xi32>, vector<16xi32>], vector<16xf32>,
        %add3A_973 = arith.addf %gather3A_971, %gather3A_972 : vector<16xf32>
        tpu.vector_store_idx %arg10[%add3A_95, %add3A_970], %add3A_973 : memref<128x65xf32, #tpu.memory_space<vmem>>[vector<16xi32>, vector<16xi32>], vector<16xf32>,
        %mul3A_974 = arith.mulf %add3A_973, %add3A_973 : vector<16xf32>
        %add3A_975 = arith.addf %add3A_919, %mul3A_974 : vector<16xf32>
        %add3A_976 = arith.constant 63 : i32
        %add3A_977 = vector.broadcast %add3A_976 : i32 to vector<16xi32>
        %add3A_978 = arith.addi %iota3A, %add3A_977 : vector<16xi32>
        %and3A_979 = arith.constant 63 : i32
        %and3A_980 = vector.broadcast %and3A_979 : i32 to vector<16xi32>
        %and3A_981 = arith.andi %add3A_978, %and3A_980 : vector<16xi32>
        %add3A_982 = arith.constant 1 : i32
        %add3A_983 = vector.broadcast %add3A_982 : i32 to vector<16xi32>
        %add3A_984 = arith.addi %and3A_981, %add3A_983 : vector<16xi32>
        %gather3A_985 = tpu.vector_load_idx %arg8[%add3A_95, %and3A_981] : memref<128x64xf32, #tpu.memory_space<vmem>>[vector<16xi32>, vector<16xi32>], vector<16xf32>,
        %gather3A_986 = tpu.vector_load_idx %arg11[%rem3A_99, %and3A_981] : memref<256x64xf32, #tpu.memory_space<vmem>>[vector<16xi32>, vector<16xi32>], vector<16xf32>,
        %add3A_987 = arith.addf %gather3A_985, %gather3A_986 : vector<16xf32>
        tpu.vector_store_idx %arg10[%add3A_95, %add3A_984], %add3A_987 : memref<128x65xf32, #tpu.memory_space<vmem>>[vector<16xi32>, vector<16xi32>], vector<16xf32>,
        %mul3A_988 = arith.mulf %add3A_987, %add3A_987 : vector<16xf32>
        %add3A_989 = arith.addf %add3A_933, %mul3A_988 : vector<16xf32>
        %add3A_990 = arith.addf %add3A_947, %add3A_961 : vector<16xf32>
        %add3A_991 = arith.addf %add3A_975, %add3A_989 : vector<16xf32>
        %add3A_992 = arith.addf %add3A_990, %add3A_991 : vector<16xf32>
        %add3A_993 = arith.constant 1.000000e+00 : f32
        %add3A_994 = vector.broadcast %add3A_993 : f32 to vector<16xf32>
        %add3A_995 = arith.addf %add3A_992, %add3A_994 : vector<16xf32>
        %bitcast_convert_type3A = tpu.bitcast %add3A_995 : vector<16xf32> -> vector<16xi32>
        %shift_right_logical3A = arith.constant 1 : i32
        %shift_right_logical3A_996 = vector.broadcast %shift_right_logical3A : i32 to vector<16xi32>
        %shift_right_logical3A_997 = arith.shrui %bitcast_convert_type3A, %shift_right_logical3A_996 : vector<16xi32>
        %sub3A = arith.constant 1597463007 : i32
        %sub3A_998 = vector.broadcast %sub3A : i32 to vector<16xi32>
        %sub3A_999 = arith.subi %sub3A_998, %shift_right_logical3A_997 : vector<16xi32>
        %bitcast_convert_type3A_1000 = tpu.bitcast %sub3A_999 : vector<16xi32> -> vector<16xf32>
        %mul3A_1001 = arith.constant 5.000000e-01 : f32
        %mul3A_1002 = vector.broadcast %mul3A_1001 : f32 to vector<16xf32>
        %mul3A_1003 = arith.mulf %mul3A_1002, %add3A_995 : vector<16xf32>
        %mul3A_1004 = arith.mulf %mul3A_1003, %bitcast_convert_type3A_1000 : vector<16xf32>
        %mul3A_1005 = arith.mulf %mul3A_1004, %bitcast_convert_type3A_1000 : vector<16xf32>
        %sub3A_1006 = arith.constant 1.500000e+00 : f32
        %sub3A_1007 = vector.broadcast %sub3A_1006 : f32 to vector<16xf32>
        %sub3A_1008 = arith.subf %sub3A_1007, %mul3A_1005 : vector<16xf32>
        %mul3A_1009 = arith.mulf %bitcast_convert_type3A_1000, %sub3A_1008 : vector<16xf32>
        %mul3A_1010 = arith.constant 5.000000e-01 : f32
        %mul3A_1011 = vector.broadcast %mul3A_1010 : f32 to vector<16xf32>
        %mul3A_1012 = arith.mulf %mul3A_1011, %add3A_995 : vector<16xf32>
        %mul3A_1013 = arith.mulf %mul3A_1012, %mul3A_1009 : vector<16xf32>
        %mul3A_1014 = arith.mulf %mul3A_1013, %mul3A_1009 : vector<16xf32>
        %sub3A_1015 = arith.constant 1.500000e+00 : f32
        %sub3A_1016 = vector.broadcast %sub3A_1015 : f32 to vector<16xf32>
        %sub3A_1017 = arith.subf %sub3A_1016, %mul3A_1014 : vector<16xf32>
        %mul3A_1018 = arith.mulf %mul3A_1009, %sub3A_1017 : vector<16xf32>
        %mul3A_1019 = arith.constant 5.000000e-01 : f32
        %mul3A_1020 = vector.broadcast %mul3A_1019 : f32 to vector<16xf32>
        %mul3A_1021 = arith.mulf %mul3A_1020, %add3A_995 : vector<16xf32>
        %mul3A_1022 = arith.mulf %mul3A_1021, %mul3A_1018 : vector<16xf32>
        %mul3A_1023 = arith.mulf %mul3A_1022, %mul3A_1018 : vector<16xf32>
        %sub3A_1024 = arith.constant 1.500000e+00 : f32
        %sub3A_1025 = vector.broadcast %sub3A_1024 : f32 to vector<16xf32>
        %sub3A_1026 = arith.subf %sub3A_1025, %mul3A_1023 : vector<16xf32>
        %mul3A_1027 = arith.mulf %mul3A_1018, %sub3A_1026 : vector<16xf32>
        %mul3A_1028 = arith.mulf %add3A_995, %mul3A_1027 : vector<16xf32>
        tpu.vector_store_idx %arg10[%add3A_95, %broadcast_in_dim3A_3], %mul3A_1028 : memref<128x65xf32, #tpu.memory_space<vmem>>[vector<16xi32>, vector<16xi32>], vector<16xf32>,
      }
      %scan3A_83 = arith.constant 8 : i32
      %mul3A_84 = arith.constant 128 : i32
      %mul3A_85 = arith.muli %add3A_57, %mul3A_84 : i32
      %add3A_86 = arith.addi %mul3A_2, %mul3A_85 : i32
      %dma_start3A_87 = arith.constant 0 : i32
      %dma_start3A_88 = tpu.memref_slice %arg5[%add3A_86, %dma_start3A_87] : memref<819200x65xf32, #tpu.memory_space<hbm>> -> memref<128x65xf32, #tpu.memory_space<hbm>>
      %dma_start3A_89 = arith.constant 0 : i32
      %dma_start3A_90 = tpu.memref_slice %arg5[%add3A_86, %dma_start3A_89] : memref<819200x65xf32, #tpu.memory_space<hbm>> -> memref<128x65xf32, #tpu.memory_space<hbm>>
      tpu.enqueue_dma source(%arg10 : memref<128x65xf32, #tpu.memory_space<vmem>>) target(%dma_start3A_90 : memref<128x65xf32, #tpu.memory_space<hbm>>) target_semaphore(%arg15 : memref<!tpu.dma_semaphore, #tpu.memory_space<semaphore_mem>>)
    }
    %scan3A_12 = arith.constant 100 : i32
    %dma_wait3A = arith.constant 0 : i32
    %dma_wait3A_13 = tpu.memref_slice %arg5[%mul3A_2, %dma_wait3A] : memref<819200x65xf32, #tpu.memory_space<hbm>> -> memref<128x65xf32, #tpu.memory_space<hbm>>
    %dma_wait3A_14 = arith.constant 0 : i32
    %dma_wait3A_15 = tpu.memref_slice %arg5[%mul3A_2, %dma_wait3A_14] : memref<819200x65xf32, #tpu.memory_space<hbm>> -> memref<128x65xf32, #tpu.memory_space<hbm>>
    tpu.wait_dma2 semaphore(%arg14 : memref<!tpu.dma_semaphore, #tpu.memory_space<semaphore_mem>>) src(%arg9 : memref<128x65xf32, #tpu.memory_space<vmem>>) dst(%dma_wait3A_15 : memref<128x65xf32, #tpu.memory_space<hbm>>)
    %dma_wait3A_16 = arith.constant 0 : i32
    %dma_wait3A_17 = tpu.memref_slice %arg5[%mul3A_2, %dma_wait3A_16] : memref<819200x65xf32, #tpu.memory_space<hbm>> -> memref<128x65xf32, #tpu.memory_space<hbm>>
    %dma_wait3A_18 = arith.constant 0 : i32
    %dma_wait3A_19 = tpu.memref_slice %arg5[%mul3A_2, %dma_wait3A_18] : memref<819200x65xf32, #tpu.memory_space<hbm>> -> memref<128x65xf32, #tpu.memory_space<hbm>>
    tpu.wait_dma2 semaphore(%arg15 : memref<!tpu.dma_semaphore, #tpu.memory_space<semaphore_mem>>) src(%arg10 : memref<128x65xf32, #tpu.memory_space<vmem>>) dst(%dma_wait3A_19 : memref<128x65xf32, #tpu.memory_space<hbm>>)
    return
  }
}

</mosaic_0001>

<sc_bundles>
// kernel: kernel.3.cloned.1.call-start
scs
__scs_entry_jumppad:
0x0: {  	(pc) =	sbr.rel $0x88, $3  }
0x1: {  	(tag) =	ssettag $0x0;
	lr =	simm.s32 $0x1  }
0x2: {  	[smem:$0x3F9E] =	sst lr;
	_ =	strace $0xD0000000  }
0x3: {  	_ = 	snop  }
0x4: {  	_ = 	snop  }
0x5: {  	_ = 	snop  }
0x6: {  	_ = 	snop  }
0x7: {  	_ = 	snop  }
__scs_overlays_trampoline_lowered:
0x8: {  	[smem:$0x3FAD] =	sst s0  }
0x9: {  	[smem:$0x3FAE] =	sst s1  }
0xa: {  	[smem:$0x3FAF] =	sst s2  }
0xb: {  	[smem:$0x3FB0] =	sst s3  }
0xc: {  	[smem:$0x3FB1] =	sst s4  }
0xd: {  	[smem:$0x3FB2] =	sst s5  }
0xe: {  	[smem:$0x3FB3] =	sst s6  }
0xf: {  	[smem:$0x3FB4] =	sst s7  }
0x10: {  	[smem:$0x3FB5] =	sst s8  }
0x11: {  	[smem:$0x3FB6] =	sst s9;
	s0 =	simm.s32 @!p0 $0x0  }
0x12: {  	s1 =	sld [smem:$0x3F9C];
	s0 =	simm.s32 @p0 $0x1  }
0x13: {  	[smem:$0x3FB7] =	sst s0;
	s0 =	simm.s32 @!p1 $0x0  }
0x14: {  	s2 =	sld [smem:$0x3F9B];
	s0 =	simm.s32 @p1 $0x1  }
0x15: {  	[smem:$0x3FB8] =	sst s0;
	s0 =	simm.s32 @!p2 $0x0  }
0x16: {  	s3 =	sld [smem:$0x3FDB];
	s0 =	simm.s32 @p2 $0x1  }
0x17: {  	s4 =	simm.s32 $0x1BF5;
	[smem:$0x3FBA] =	sst s0  }
0x18: {  	s0 =	sld [smem:$0x3F9D];
	_ =	swait.ge [sflag:s4], $0x0  }
0x19: {  	s7 =	sld [smem:$0x3F9E]  }
0x1a: {  	s8 =	sadd.s32 $0xFFFFE003, lr  }
0x1b: {  	s9 =	sadd.s32 $0xFFFFFEF7, lr;
	s5 =	simm.s32 $0xFFFFFFFF;
	p2 =	slt.u32 s8, $0xFFFFF086  }
0x1c: {  	p1 =	slt.u32 s9, $0xF7A;
	s5 =	simm.s32 @!p2 $0x0  }
0x1d: {  	s5 =	simm.s32 @p1 $0x1;
	p0 =	seq.s32 s7, s2  }
0x1e: {  	s7 =	smul.u32 @!p0 $0xF7A, s2;
	p2 =	seq.s32 @!p0 s5, $0x0  }
0x1f: {  	s9 =	smul.u32 $0xF7A, s1;
	s8 =	simm.s32 @!p0 $0x1BF5;
	p2 =	por !p2, p0  }
0x20: {  	[sflag:s8] =	ssyncset.s32 @!p0 $0xFFFFF086;
	s6 =	sadd.s32 @!p0 s3, s7;
	s7 =	simm.s32 @!p0 $0x108  }
0x21: {  	s3 =	sadd.s32 s3, s9;
	s6 =	sadd.s32 @!p0 $0x88, s6;
	s7 =	simm.s32 @p2 $0x1082  }
0x22: {  	[simem:s7], [sflag:s8] =	dma.local @!p0 [hbm:s6], $0xF7A  }
0x23: {  	s9 =	sor.u32 $0xD0000000, s2;
	s6 =	simm.s32 $0x108;
	_ =	swait.ge @!p0 [sflag:s8], $0x0  }
0x24: {  	s3 =	sadd.s32 $0x88, s3;
	s6 =	simm.s32 @!p1 $0x1082;
	[sflag:s4] =	ssyncset.s32 $0xFFFFF086  }
0x25: {  	[simem:s6], [sflag:s4] =	dma.local [hbm:s3], $0xF7A  }
0x26: {  	[smem:$0x3F9E] =	sst s1;
	(tag) =	ssettag s2;
	_ =	strace s9  }
0x27: {  	s1 =	sld [smem:$0x3FAE]  }
0x28: {  	s2 =	sld [smem:$0x3FAF]  }
0x29: {  	s4 =	sld [smem:$0x3FB1]  }
0x2a: {  	p0 =	seq.s32 s5, $0x0;
	s5 =	sld [smem:$0x3FB2]  }
0x2b: {  	s6 =	sld [smem:$0x3FB3]  }
0x2c: {  	s7 =	sld [smem:$0x3FB4]  }
0x2d: {  	s3 =	simm.s32 $0x108;
	s8 =	sld [smem:$0x3FB5]  }
0x2e: {  	s3 =	simm.s32 @!p0 $0x1082;
	s9 =	sld [smem:$0x3FB6]  }
0x2f: {  	lr =	sadd.s32 s0, s3;
	s0 =	sld [smem:$0x3FAD]  }
0x30: {  	s3 =	sld [smem:$0x3FB0]  }
0x31: {  	[smem:$0x3FB9] =	sst s10  }
0x32: {  	s10 =	sld [smem:$0x3FB7];
	_ =	sdelay $0x3  }
0x33: {  	p0 =	seq.s32 s10, $0x1;
	s10 =	sld [smem:$0x3FB9];
	_ =	sdelay $0x3  }
0x34: {  	[smem:$0x3FB9] =	sst s10  }
0x35: {  	s10 =	sld [smem:$0x3FB8];
	_ =	sdelay $0x3  }
0x36: {  	p1 =	seq.s32 s10, $0x1;
	s10 =	sld [smem:$0x3FB9];
	_ =	sdelay $0x3  }
0x37: {  	[smem:$0x3FB9] =	sst s10  }
0x38: {  	s10 =	sld [smem:$0x3FBA]  }
0x39: {  	_ = 	snop;
	(pc) =	sbr.ind lr, $3  }
0x3a: {  	_ = 	snop  }
0x3b: {  	_ = 	snop  }
0x3c: {  	p2 =	seq.s32 s10, $0x1;
	s10 =	sld [smem:$0x3FB9]  }
0x3d: {  	_ =	shalt  }
0x3e: {  	_ =	shalt  }
0x3f: {  	_ =	shalt  }
0x40: {  	_ =	shalt  }
0x41: {  	_ =	shalt  }
0x42: {  	_ =	shalt  }
0x43: {  	_ =	shalt  }
0x44: {  	_ =	shalt  }
0x45: {  	_ =	shalt  }
0x46: {  	_ =	shalt  }
0x47: {  	_ =	shalt  }
0x48: {  	_ =	shalt  }
0x49: {  	_ =	shalt  }
0x4a: {  	_ =	shalt  }
0x4b: {  	_ =	shalt  }
0x4c: {  	_ =	shalt  }
0x4d: {  	_ =	shalt  }
0x4e: {  	_ =	shalt  }
0x4f: {  	_ =	shalt  }
0x50: {  	_ =	shalt  }
0x51: {  	_ =	shalt  }
0x52: {  	_ =	shalt  }
0x53: {  	_ =	shalt  }
0x54: {  	_ =	shalt  }
0x55: {  	_ =	shalt  }
0x56: {  	_ =	shalt  }
0x57: {  	_ =	shalt  }
0x58: {  	_ =	shalt  }
0x59: {  	_ =	shalt  }
0x5a: {  	_ =	shalt  }
0x5b: {  	_ =	shalt  }
0x5c: {  	_ =	shalt  }
0x5d: {  	_ =	shalt  }
0x5e: {  	_ =	shalt  }
0x5f: {  	_ =	shalt  }
0x60: {  	_ =	shalt  }
0x61: {  	_ =	shalt  }
0x62: {  	_ =	shalt  }
0x63: {  	_ =	shalt  }
0x64: {  	_ =	shalt  }
0x65: {  	_ =	shalt  }
0x66: {  	_ =	shalt  }
0x67: {  	_ =	shalt  }
0x68: {  	_ =	shalt  }
0x69: {  	_ =	shalt  }
0x6a: {  	_ =	shalt  }
0x6b: {  	_ =	shalt  }
0x6c: {  	_ =	shalt  }
0x6d: {  	_ =	shalt  }
0x6e: {  	_ =	shalt  }
0x6f: {  	_ =	shalt  }
0x70: {  	_ =	shalt  }
0x71: {  	_ =	shalt  }
0x72: {  	_ =	shalt  }
0x73: {  	_ =	shalt  }
0x74: {  	_ =	shalt  }
0x75: {  	_ =	shalt  }
0x76: {  	_ =	shalt  }
0x77: {  	_ =	shalt  }
0x78: {  	_ =	shalt  }
0x79: {  	_ =	shalt  }
0x7a: {  	_ =	shalt  }
0x7b: {  	_ =	shalt  }
0x7c: {  	_ =	shalt  }
0x7d: {  	_ =	shalt  }
0x7e: {  	_ =	shalt  }
0x7f: {  	_ =	shalt  }
0x80: {  	_ =	shalt  }
0x81: {  	_ =	shalt  }
0x82: {  	_ =	shalt  }
0x83: {  	_ =	shalt  }
0x84: {  	_ =	shalt  }
0x85: {  	_ =	shalt  }
0x86: {  	_ =	shalt  }
0x87: {  	_ =	shalt  }
.Lfunc_end0:
.L_simem_size_0:
called_computation.1_lowered:
.L_overlay_start_0:
0x88: {  	s2 =	sld [smem:$0x3FD9]  }
0x89: {  	s3 =	sld [smem:$0x3FFE];
	_ =	sdelay $0x1  }
0x8a: {  	s1 =	srdreg.scid  }
0x8b: {  	s0 =	sand.u32 $0x1, s1  }
0x8c: {  	s16 =	sshll.u32 s0, $0xA;
	s2 =	sadd.s32 s3, s2  }
0x8d: {  	s2 =	sadd.s32 s2, s16  }
0x8e: {  	[smem:$0x3FC5] =	sst s2  }
0x8f: {  	_ = 	snop  }
0x90: {  	(tm) =	ssettm $0x1  }
0x91: {  	s17 =	sld [smem:$0x3FFB];
	_ =	sdelay $0x3  }
0x92: {  	_ =	strace s17  }
0x93: {  	s2 =	sld [smem:$0x3FFC];
	_ =	sdelay $0x3  }
0x94: {  	_ =	strace s2  }
0x95: {  	s2 =	sld [smem:$0x3FFD];
	_ =	sdelay $0x3  }
0x96: {  	_ =	strace s2  }
0x97: {  	_ =	strace $0x8FFFFFFF  }
0x98: {  	s18 =	sld [smem:$0x3FDB];
	_ =	sdelay $0x1  }
0x99: {  	s19 =	simm.s32 $_scs_section_size  }
0x9a: {  	s4 =	simm.s32 $_size__tile_overlayer_lowered;
	s5 =	simm.s32 $_tile_overlayer_lowered  }
0x9b: {  	s22 =	simm.s32 $0x1BFF;
	s21 =	sshll.u32 s5, $0x1;
	s2 =	sadd.s32 s19, s18  }
0x9c: {  	s6 =	simm.s32 $0x0;
	s20 =	sshll.u32 s4, $0x1;
	s4 =	sadd.s32 s21, s2  }
0x9d: {  	[timem:s6], [sflag:s22] =	dma.local [hbm:s4], s20  }
0x9e: {  	_ =	swait.ge [sflag:s22], s20  }
0x9f: {  	s3 =	ssub.s32 $0x0, s20;
	[sflag:s22] =	ssyncset.done $0x0  }
0xa0: {  	[sflag:s22] =	ssyncadd.s32 s3;
	_ =	sdelay $0x1  }
0xa1: {  	s23 =	simm.s32 $0x1B8B  }
0xa2: {  	_ =	swait.ge [sflag:s23], $0x1  }
0xa3: {  	[sflag:s23] =	ssyncset.done $0x0  }
0xa4: {  	s25 =	simm.s32 $0x1B8E;
	s24 =	sld [smem:$0x3FFE];
	[sflag:s23] =	ssyncadd.s32 $0xFFFFFFFF  }
0xa5: {  	s26 =	simm.s32 $execute0_lowered;
	[smem:$0x3FD2] =	sst s25  }
0xa6: {  	s4 =	sshll.u32 s26, $0x1;
	_ =	strace $0x80000046;
	[dreg:$0x1] =	wrdreg $0xFFFFFFFF  }
0xa7: {  	s28 =	simm.s32 $_size_execute0_lowered;
	s2 =	sadd.s32 s2, s4;
	[dreg:$0x0] =	wrdreg $0x0  }
0xa8: {  	s4 =	sshll.u32 s28, $0x1;
	[dreg:$0x2] =	wrdreg s2  }
0xa9: {  	[dreg:$0x3] =	wrdreg s4  }
0xaa: {  	[dreg:$0x4] =	wrdreg $0xC0  }
0xab: {  	_ =	task [dreg:s6], $0x5FFFF  }
0xac: {  	[dreg:$0x1] =	wrdreg $0xFFFFFFFF  }
0xad: {  	[dreg:$0x0] =	wrdreg $0x60  }
0xae: {  	[dreg:$0x2] =	wrdreg s24  }
0xaf: {  	[dreg:$0x3] =	wrdreg $0x9  }
0xb0: {  	_ =	task.clear_ibuf [dreg:s6], $0x4FFFF;
	_ =	strace $0x90000046  }
0xb1: {  	s29 =	simm.s32 $0x9;
	_ =	strace $0x80000048  }
0xb2: {  	_ =	swait.ge [sflag:s29], $0x1  }
0xb3: {  	[sflag:s29] =	ssyncadd.s32 $0xFFFFFFFF  }
0xb4: {  	_ =	strace $0x90000048  }
0xb5: {  	_ =	sfence  }
0xb6: {  	s30 =	sld [smem:$0x0];
	_ =	sdelay $0x2  }
0xb7: {  	s31 =	sshll.u32 s1, $0xD;
	s1 =	sshrl.u32 s1, $0x2  }
0xb8: {  	s3 =	sand.u32 $0x4000, s31;
	s1 =	sadd.s32 s1, s30  }
0xb9: {  	s0 =	sor.u32 s3, s0;
	s1 =	sshll.u32 s1, $0x11  }
0xba: {  	s0 =	sor.u32 s1, s0  }
0xbb: {  	s0 =	sadd.s32 $0x8F2B, s0  }
0xbc: {  	[sflag:s0] =	ssyncadd.remote.s32 $0x1  }
0xbd: {  	_ =	sfence.sel $0xFFFF  }
0xbe: {  	[dreg:$0x0] =	wrdreg $0xFFFFFFFF;
	(pc) =	sbr.abs _section_cstart, $3  }
0xbf: {  	[dreg:$0x1] =	wrdreg $0xFFFFFFFF  }
0xc0: {  	_ =	task.clear_ibuf [dreg:s6], $0x2FFFF;
	_ =	strace $0x9FFFFFFF  }
0xc1: {  	(tm) =	ssettm $0x7FFFFFFF  }
tec
execute0_lowered:
.L_overlay_start_1:
0x0: {  	(tag) =	ssettag $0x1  }
0x1: {  	v6 =	vlaneseq.u32;
	v39 =	vimm.s32 $0x34333231;
	v1 =	vimm.s32 $0x38373635  }
0x2: {  	v2 =	vimm.s32 $0x3C3B3A39;
	v40 =	vimm.s32 $0x3F3E3D;
	v41 =	vimm.s32 $0x35343332  }
0x3: {  	v42 =	vimm.s32 $0x39383736;
	vm0 =	vcmask $0x1F10;
	v46 =	vimm.s32 $0x3D3C3B3A  }
0x4: {  	v47 =	vimm.s32 $0x36353433;
	v48 =	vimm.s32 $0x3A393837;
	v0 =	vadd.s32 $0x8, v6  }
0x5: {  	v49 =	vimm.s32 $0x1403F3E;
	v50 =	vimm.s32 $0x1003F3E;
	v33 =	vadd.s32 $0x12, v6;
	[tilespmem:$0x1FA60] =	vst v0  }
0x6: {  	v52 =	vimm.s32 $0x3E3D3C3B;
	v53 =	vimm.s32 $0x201403F;
	v34 =	vadd.s32 $0x13, v6;
	[tilespmem:$0x1FA70] =	vst v33  }
0x7: {  	v54 =	vimm.s32 $0x37363534;
	v56 =	vimm.s32 $0x3B3A3938;
	v35 =	vadd.s32 $0x14, v6;
	[tilespmem:$0x1FA80] =	vst v34  }
0x8: {  	v57 =	vimm.s32 $0x3F3E3D3C;
	v58 =	vimm.s32 $0x3020100;
	v36 =	vadd.s32 $0x15, v6;
	[tilespmem:$0x1FA90] =	vst v35  }
0x9: {  	v59 =	vimm.s32 $0x201003F;
	v63 =	vimm.s32 $0x3020140;
	v37 =	vadd.s32 $0x16, v6;
	[tilespmem:$0x1FAA0] =	vst v36  }
0xa: {  	v5 =	vimm.s32 $0xBA987654;
	vm1 =	vcmask $0x2F10;
	v38 =	vadd.s32 $0x17, v6;
	[tilespmem:$0x1FAB0] =	vst v37  }
0xb: {  	vm2 =	vcmask $0x3F30;
	v23 =	vunpack.c.0.s8.s32 v1;
	v43 =	vadd.s32 $0x18, v6;
	[tilespmem:$0x1FAC0] =	vst v38  }
0xc: {  	v3 =	vunpack.c.0.s8.s32 v2;
	v45 =	vadd.s32 $0x19, v6;
	v2 =	vunpack.c.0.s8.s32 v48;
	[tilespmem:$0x1FAD0] =	vst v43  }
0xd: {  	v40 =	vunpack.c.0.s8.s32 v40;
	v1 =	vunpack.c.0.s8.s32 v41;
	v4 =	vunpack.c.0.s8.s32 v56;
	[tilespmem:$0x1FAE0] =	vst v45  }
0xe: {  	v12 =	vunpack.c.0.s8.s32 v46;
	v41 =	vunpack.c.0.s8.s32 v49;
	v7 =	vunpack.c.0.s8.s32 v57;
	[tilespmem:$0x1FB10] =	vst v2  }
0xf: {  	v32 =	vunpack.c.0.s8.s32 v50;
	v55 =	vunpack.c.0.s8.s32 v54;
	v10 =	vunpack.c.0.s8.s32 v63;
	[tilespmem:$0x1FB40] =	vst v4  }
0x10: {  	v46 =	vimm.s32 $0x87654321;
	v48 =	vimm.s32 $0x98765432;
	v0 =	vunpack.c.0.s8.s32 v39;
	[tilespmem:$0x1FBF0] =	vst v7  }
0x11: {  	v37 =	vunpack.c.0.s8.s32 v42;
	v35 =	vimm.s32 $0x4030201;
	v44 =	vsel vm0, v40, v3;
	[tilespmem:$0x1FC20] =	vst v10  }
0x12: {  	v61 =	vsel vm0, v4, v55;
	v36 =	vunpack.c.0.s8.s32 v35;
	v0 =	vsel vm0, v23, v0;
	[tilespmem:$0x1FAF0] =	vst v44  }
0x13: {  	v38 =	vsel vm0, v37, v1;
	v1 =	vunpack.c.0.s8.s32 v47;
	[tilespmem:$0x1FB50] =	vst v61;
	v0 =	vcombine.low v0, v44  }
0x14: {  	v62 =	vunpack.c.0.s8.s32 v53;
	v49 =	vimm.s32 $0xA9876543;
	v43 =	vimm.s32 $0x5040302;
	[tilespmem:$0x1FB60] =	vst v36  }
0x15: {  	v56 =	vimm.s32 $0x43218765;
	v44 =	vunpack.c.0.s8.s32 v43;
	v51 =	vsel vm0, v2, v1;
	[tilespmem:$0x1FB00] =	vst v0  }
0x16: {  	v60 =	vunpack.c.0.s8.s32 v58;
	v57 =	vimm.s32 $0xB0A0908;
	v45 =	vimm.s32 $0x6050403;
	[tilespmem:$0x1FB20] =	vst v51  }
0x17: {  	v1 =	vunpack.c.0.s8.s32 v45;
	v45 =	vadd.s32 $0x1E, v6;
	v0 =	vunpack.c.0.s8.s32 v52;
	[tilespmem:$0x1FB70] =	vst v44  }
0x18: {  	v39 =	vimm.s32 $0x7060504;
	v27 =	vmovc v3;
	v3 =	vunpack.c.l.s4.s8 v49;
	v4 =	vimm.s32 $0x32107654;
	[tilespmem:$0x1FC40] =	vst v45  }
0x19: {  	v47 =	vimm.s32 $0x76543210;
	v2 =	vunpack.c.l.s4.s8 v48;
	[tilespmem:$0x1FB30] =	vst v0;
	v0 =	vunpack.c.0.s8.s32 v39  }
0x1a: {  	v50 =	vunpack.c.0.s8.s32 v3;
	v44 =	vadd.s32 $0x1D, v6;
	[tilespmem:$0x1FB80] =	vst v1;
	v1 =	vunpack.c.l.s4.s8 v47  }
0x1b: {  	v51 =	vunpack.c.l.s4.s8 v5;
	v2 =	vunpack.c.0.s8.s32 v2;
	[tilespmem:$0x1FC30] =	vst v44;
	v0 =	vsel vm0, v0, v10  }
0x1c: {  	v47 =	vadd.s32 $0x1F, v6;
	v1 =	vunpack.c.0.s8.s32 v1;
	[tilespmem:$0x1FB90] =	vst v0;
	v0 =	vunpack.c.l.s4.s8 v46  }
0x1d: {  	v4 =	vunpack.c.l.s4.s8 v4;
	v55 =	vunpack.c.0.s8.s32 v51;
	[tilespmem:$0x1FC50] =	vst v47;
	v52 =	vand.u32 $0xF, v2  }
0x1e: {  	v2 =	vunpack.c.l.s4.s8 v56;
	[tilespmem:$0x1FBA0] =	vst v1;
	v1 =	vand.u32 $0xF, v50;
	v0 =	vunpack.c.0.s8.s32 v0  }
0x1f: {  	v58 =	vimm.s32 $0x7654BA98;
	v53 =	vunpack.c.0.s8.s32 v4;
	[tilespmem:$0x1FBD0] =	vst v1;
	v1 =	vand.u32 $0xF, v55  }
0x20: {  	v63 =	vimm.s32 $0x6543A987;
	v2 =	vunpack.c.0.s8.s32 v2;
	[tilespmem:$0x1FBE0] =	vst v1;
	v0 =	vand.u32 $0xF, v0  }
0x21: {  	s1 =	srdreg.scid;
	v33 =	vunpack.c.0.s8.s32 v59;
	v1 =	vunpack.c.0.s8.s32 v57;
	[tilespmem:$0x1FBB0] =	vst v0;
	v0 =	vand.u32 $0xF, v53  }
0x22: {  	s0 =	stileid.u32;
	s6 =	rddreg [dreg:$0x0];
	v34 =	vsel vm0, v60, v7;
	[tilespmem:$0x1FBC0] =	vst v52;
	v59 =	vand.u32 $0xF, v2;
	v0 =	vsel vm1, v0, v7  }
0x23: {  	s3 =	simm.s32 $0x0;
	s4 =	sand.u32 $0x1, s1;
	s31 =	sshll.u32 s0, $0x1;
	v42 =	vimm.s32 $0x403F3E3D;
	v54 =	vcombine.low v61, v34;
	[tilespmem:$0x1FC10] =	vst v59;
	v0 =	vsel vm2, v1, v0  }
0x24: {  	[smem:$0x7FF] =	sst s3;
	s1 =	sor.u32 s4, s31;
	v61 =	vimm.s32 $0xC0B0A09;
	v3 =	vunpack.c.l.s4.s8 v58;
	v48 =	vor.u32 $0x20, v6;
	[tilespmem:$0x1FC00] =	vst v0  }
0x25: {  	s2 =	smul.u32 $0x6400, s1;
	s1 =	rddreg [dreg:$0x1];
	v34 =	vunpack.c.0.s8.s32 v42;
	v58 =	vadd.s32 $0x25, v6;
	v50 =	vadd.s32 $0x23, v6;
	_ =	strace $0x80000047;
	[tilespmem:$0x1FC60] =	vst v48  }
0x26: {  	v4 =	vimm.s32 $0x54329876;
	v3 =	vunpack.c.0.s8.s32 v3;
	v56 =	vadd.s32 $0x24, v6;
	[tilespmem:$0x1FC70] =	vst v50  }
0x27: {  	v60 =	vunpack.c.l.s4.s8 v4;
	v4 =	vimm.s32 $0xF0E0D0C;
	v2 =	vunpack.c.l.s4.s8 v63;
	[tilespmem:$0x1FC80] =	vst v56  }
0x28: {  	v36 =	vunpack.c.0.s8.s32 v4;
	v35 =	vand.u32 $0xF, v3;
	v59 =	vadd.s32 $0x26, v6;
	[tilespmem:$0x1FC90] =	vst v58  }
0x29: {  	v39 =	vunpack.c.0.s8.s32 v2;
	v1 =	vsel vm1, v35, v10;
	v35 =	vadd.s32 $0x27, v6;
	[tilespmem:$0x1FCA0] =	vst v59  }
0x2a: {  	v42 =	vimm.s32 $0xD0C0B0A;
	v11 =	vsel vm2, v36, v1;
	v36 =	vadd.s32 $0x28, v6;
	[tilespmem:$0x1FCB0] =	vst v35  }
0x2b: {  	v43 =	vimm.s32 $0xE0D0C0B;
	v57 =	vand.u32 $0xF, v39;
	v39 =	vadd.s32 $0x29, v6;
	[tilespmem:$0x1FCC0] =	vst v36  }
0x2c: {  	v46 =	vunpack.c.0.s8.s32 v61;
	v61 =	vunpack.c.0.s8.s32 v42;
	v42 =	vadd.s32 $0x2A, v6;
	[tilespmem:$0x1FCD0] =	vst v39  }
0x2d: {  	v0 =	vunpack.c.0.s8.s32 v60;
	v60 =	vunpack.c.0.s8.s32 v43;
	v43 =	vadd.s32 $0x2B, v6;
	[tilespmem:$0x1FCE0] =	vst v42  }
0x2e: {  	v44 =	vadd.s32 $0x2C, v6;
	[tilespmem:$0x1FCF0] =	vst v43  }
0x2f: {  	v45 =	vadd.s32 $0x2D, v6;
	[tilespmem:$0x1FD00] =	vst v44  }
0x30: {  	v47 =	vadd.s32 $0x2E, v6;
	[tilespmem:$0x1FD10] =	vst v45  }
0x31: {  	[tilespmem:$0x1FD20] =	vst v47  }
0x32: {  	v8 =	vadd.s32 $0x1, v6;
	[tilespmem:$0x1FD80] =	vst v12  }
0x33: {  	v13 =	vadd.s32 $0x2, v6;
	[tilespmem:$0x1FDA0] =	vst v8  }
0x34: {  	v14 =	vadd.s32 $0x3, v6;
	[tilespmem:$0x1FDB0] =	vst v13  }
0x35: {  	v15 =	vadd.s32 $0x4, v6;
	[tilespmem:$0x1FDC0] =	vst v14  }
0x36: {  	v16 =	vadd.s32 $0x5, v6;
	[tilespmem:$0x1FDD0] =	vst v15  }
0x37: {  	v17 =	vadd.s32 $0x6, v6;
	[tilespmem:$0x1FDE0] =	vst v16  }
0x38: {  	v18 =	vadd.s32 $0x7, v6;
	[tilespmem:$0x1FDF0] =	vst v17  }
0x39: {  	v20 =	vadd.s32 $0x9, v6;
	[tilespmem:$0x1FE00] =	vst v18  }
0x3a: {  	v21 =	vadd.s32 $0xA, v6;
	[tilespmem:$0x1FE10] =	vst v20  }
0x3b: {  	v22 =	vadd.s32 $0xB, v6;
	[tilespmem:$0x1FE20] =	vst v21  }
0x3c: {  	v24 =	vadd.s32 $0xC, v6;
	[tilespmem:$0x1FE30] =	vst v22  }
0x3d: {  	v25 =	vadd.s32 $0xD, v6;
	[tilespmem:$0x1FE40] =	vst v24  }
0x3e: {  	v26 =	vadd.s32 $0xE, v6;
	[tilespmem:$0x1FE50] =	vst v25  }
0x3f: {  	v28 =	vadd.s32 $0xF, v6;
	[tilespmem:$0x1FE60] =	vst v26  }
0x40: {  	v29 =	vor.u32 $0x10, v6;
	[tilespmem:$0x1FE70] =	vst v28  }
0x41: {  	v30 =	vadd.s32 $0x11, v6;
	[tilespmem:$0x1FE80] =	vst v29  }
0x42: {  	[tilespmem:$0x1FE90] =	vst v30  }
0x43: {  	[tilespmem:$0x1FEA0] =	vst v23  }
0x44: {  	[tilespmem:$0x1FEB0] =	vst v27  }
0x45: {  	[tilespmem:$0x1FEC0] =	vst v40  }
0x46: {  	[tilespmem:$0x1FED0] =	vst v37  }
0x47: {  	[tilespmem:$0x1FEE0] =	vst v38  }
0x48: {  	[tilespmem:$0x1FEF0] =	vst v41  }
0x49: {  	[tilespmem:$0x1FF00] =	vst v32  }
0x4a: {  	[tilespmem:$0x1FF10] =	vst v62  }
0x4b: {  	[tilespmem:$0x1FF20] =	vst v33  }
0x4c: {  	[tilespmem:$0x1FF30] =	vst v54  }
0x4d: {  	[tilespmem:$0x1FF40] =	vst v34  }
0x4e: {  	[tilespmem:$0x1FF50] =	vst v46  }
0x4f: {  	[tilespmem:$0x1FF70] =	vst v11  }
0x50: {  	[tilespmem:$0x1FF80] =	vst v61  }
0x51: {  	v49 =	vadd.s32 $0x1A, v6;
	[tilespmem:$0x1FF90] =	vst v57  }
0x52: {  	v52 =	vadd.s32 $0x1B, v6;
	[tilespmem:$0x1FFB0] =	vst v49  }
0x53: {  	v53 =	vadd.s32 $0x1C, v6;
	[tilespmem:$0x1FFC0] =	vst v52  }
0x54: {  	v51 =	vadd.s32 $0x21, v6;
	[tilespmem:$0x1FFD0] =	vst v53  }
0x55: {  	v55 =	vadd.s32 $0x22, v6;
	[tilespmem:$0x1FFE0] =	vst v51  }
0x56: {  	v48 =	vadd.s32 $0x2F, v6;
	[tilespmem:$0x1FFF0] =	vst v55  }
0x57: {  	s10 =	simm.s32 $0x5;
	v50 =	vor.u32 $0x30, v6;
	[tilespmem:$0x1FD30] =	vst v48  }
0x58: {  	s11 =	simm.s32 $0x80;
	s12 =	simm.s32 $0x6400;
	s13 =	simm.s32 $0x8400;
	v58 =	vadd.s32 $0x31, v6;
	[tilespmem:$0x1FD40] =	vst v50  }
0x59: {  	s14 =	simm.s32 $0x1;
	s15 =	simm.s32 $0xA400;
	s16 =	simm.s32 $0x2;
	v56 =	vsel vm0, v41, v12;
	[tilespmem:$0x1FD50] =	vst v58  }
0x5a: {  	s17 =	simm.s32 $0x4;
	s18 =	simm.s32 $0xC800;
	s7 =	ssub.s32 $0x2, s4;
	v59 =	vsel vm0, v32, v12;
	[tilespmem:$0x1FD60] =	vst v56  }
0x5b: {  	s19 =	simm.s32 $0x3;
	s20 =	simm.s32 $0x0;
	s9 =	sshrl.u32 s7, $0x1;
	[tilespmem:$0x1FD90] =	vst v59  }
0x5c: {  	s4 =	sadd.s32 $0x1A000, s6;
	s9 =	ssub.s32 s7, s9;
	s5 =	sshrl.u32 s2, $0x3;
	v63 =	vand.u32 $0xF, v0;
	v0 =	vcombine.low v38, v56;
	[tilespmem:$0x1FFA0] =	vst v60  }
0x5d: {  	s8 =	sadd.s32 s5, s6;
	s5 =	sadd.s32 $0x800, s6;
	s6 =	sadd.s32 $0xDD600, s6;
	[tilespmem:$0x1FF60] =	vst v63  }
0x5e: {  	s7 =	sadd.s32 $0x1000, s8;
	s8 =	smax.u32 s9, $0x1;
	s9 =	simm.s32 $0xEC00;
	[tilespmem:$0x1FD70] =	vst v0  }
.LBB2_1:
0x5f: {  	[tilespmem:s9], [sflag:$0x5] =	stream.linear.gather [hbm4b:s5+s3], $0x4000, $0x38;
	[tilespmem:$0x12C00] =	vst v63  }
0x60: {  	_ =	swait.ge [sflag:s10], $0x4000  }
0x61: {  	[sflag:s10] =	ssyncset.done $0x0  }
0x62: {  	[sflag:s10] =	ssyncadd.s32 $0xFFFFC000  }
0x63: {  	[tilespmem:s3], [sflag:$0x5] =	stream.linear.gather [hbm4b:s7+s3], $0x6400, $0x38;
	[tilespmem:$0x12C00] =	vst v63  }
0x64: {  	_ =	swait.ge [sflag:s10], $0x6400  }
0x65: {  	[sflag:s10] =	ssyncset.done $0x0  }
0x66: {  	s21 =	simm.s32 $0x0;
	[sflag:s10] =	ssyncadd.s32 $0xFFFF9C00  }
0x67: {  	[tilespmem:s12], [sflag:$0x1] =	stream.indirect.gather [hbm4b:s4+s11], $0x40, s3, s11, $0xb8;
	[tilespmem:$0x12C00] =	vst v63  }
.LBB2_2:
0x68: {  	s22 =	sshllo.u32 s21, $0x1  }
0x69: {  	s22 =	sshll.u32 s22, $0x7  }
0x6a: {  	s23 =	sand.u32 $0x3FFFFF80, s22  }
0x6b: {  	[tilespmem:s13], [sflag:$0x2] =	stream.indirect.gather [hbm4b:s4+s11], $0x40, s23, s11, $0xb8;
	[tilespmem:$0x12C00] =	vst v63  }
0x6c: {  	_ =	swait.ge [sflag:s14], $0x2000  }
0x6d: {  	p0 =	seq.s32 s21, $0x0;
	[sflag:s14] =	ssyncset.done $0x0  }
0x6e: {  	s25 =	simm.s32 @!p0 $0x3;
	s23 =	sshll.u32 s21, $0x8;
	[sflag:s14] =	ssyncadd.s32 $0xFFFFE000  }
0x6f: {  	s24 =	sadd.s32 s2, s23;
	_ =	swait.ge @!p0 [sflag:s25], $0x2400  }
0x70: {  	v0 =	vmov s24;
	[sflag:s25] =	ssyncset.done @!p0 $0x0  }
0x71: {  	v54 =	vmov v27;
	[tilespmem:$0x1FA50] =	vst v0;
	[sflag:s25] =	ssyncadd.s32 @!p0 $0xFFFFDC00;
	s25 =	simm.s32 $0x0  }
.LBB2_3:
0x72: {  	v1 =	vld [tilespmem:$0x1FA50];
	_ =	sdelay $0x3  }
0x73: {  	v0 =	vor.u32 s25, v6  }
0x74: {  	v1 =	vor.u32 v1, v0  }
0x75: {  	v2 =	vmulhi.u32 $0x51EB851F, v1;
	_ =	sdelay $0x1  }
0x76: {  	v2 =	vshrl.u32 v2, $0x6  }
0x77: {  	v2 =	vmul.u32 $0xC8, v2;
	_ =	sdelay $0x1  }
0x78: {  	v12 =	vshll.u32 v0, $0x6;
	v1 =	vsub.s32 v1, v2  }
0x79: {  	v46 =	vor.u32 v6, v12;
	v11 =	vshll.u32 v1, $0x6  }
0x7a: {  	v1 =	vor.u32 v6, v11;
	_ =	sdelay $0x3  }
0x7b: {  	v2 =	vld.idx.msk [tilespmem:v46+s12+$0x0], $0xffff  }
0x7c: {  	v10 =	vmul.u32 $0x48, v0;
	v1 =	vld.idx.msk [tilespmem:v1+s9+$0x0], $0xffff;
	_ =	sdelay $0x1  }
0x7d: {  	v0 =	vadd.s32 v8, v10  }
0x7e: {  	v3 =	vor.u32 v8, v12  }
0x7f: {  	v4 =	vor.u32 v8, v11  }
0x80: {  	v1 =	vadd.f32 v1, v2;
	_ =	sdelay $0x1  }
0x81: {  	[tilespmem:v0+s15+$0x0] =	vst.idx.msk $0xffff, v1  }
0x82: {  	v0 =	vld.idx.msk [tilespmem:v3+s12+$0x0], $0xffff  }
0x83: {  	[tilespmem:$0x1F890] =	vst v1;
	v1 =	vld.idx.msk [tilespmem:v4+s9+$0x0], $0xffff;
	_ =	sdelay $0x1  }
0x84: {  	v47 =	vadd.s32 v13, v10  }
0x85: {  	v3 =	vor.u32 v13, v12  }
0x86: {  	v4 =	vor.u32 v13, v11  }
0x87: {  	v0 =	vadd.f32 v1, v0;
	_ =	sdelay $0x1  }
0x88: {  	[tilespmem:v47+s15+$0x0] =	vst.idx.msk $0xffff, v0  }
0x89: {  	[tilespmem:$0x1F8A0] =	vst v0;
	v0 =	vld.idx.msk [tilespmem:v3+s12+$0x0], $0xffff  }
0x8a: {  	v48 =	vld.idx.msk [tilespmem:v4+s9+$0x0], $0xffff;
	_ =	sdelay $0x1  }
0x8b: {  	v50 =	vadd.s32 v14, v10  }
0x8c: {  	v4 =	vor.u32 v14, v12  }
0x8d: {  	v5 =	vor.u32 v14, v11  }
0x8e: {  	v0 =	vadd.f32 v48, v0;
	_ =	sdelay $0x1  }
0x8f: {  	[tilespmem:v50+s15+$0x0] =	vst.idx.msk $0xffff, v0  }
0x90: {  	[tilespmem:$0x1F8B0] =	vst v0;
	v0 =	vld.idx.msk [tilespmem:v4+s12+$0x0], $0xffff  }
0x91: {  	v56 =	vld.idx.msk [tilespmem:v5+s9+$0x0], $0xffff;
	_ =	sdelay $0x1  }
0x92: {  	v57 =	vadd.s32 v15, v10  }
0x93: {  	v5 =	vor.u32 v15, v12  }
0x94: {  	v6 =	vor.u32 v15, v11  }
0x95: {  	v0 =	vadd.f32 v56, v0;
	_ =	sdelay $0x1  }
0x96: {  	[tilespmem:v57+s15+$0x0] =	vst.idx.msk $0xffff, v0  }
0x97: {  	[tilespmem:$0x1F8D0] =	vst v0;
	v0 =	vld.idx.msk [tilespmem:v5+s12+$0x0], $0xffff  }
0x98: {  	v58 =	vld.idx.msk [tilespmem:v6+s9+$0x0], $0xffff;
	_ =	sdelay $0x1  }
0x99: {  	v59 =	vadd.s32 v16, v10  }
0x9a: {  	v6 =	vor.u32 v16, v12  }
0x9b: {  	v7 =	vor.u32 v16, v11  }
0x9c: {  	v0 =	vadd.f32 v58, v0;
	_ =	sdelay $0x1  }
0x9d: {  	[tilespmem:v59+s15+$0x0] =	vst.idx.msk $0xffff, v0  }
0x9e: {  	[tilespmem:$0x1F8C0] =	vst v0;
	v0 =	vld.idx.msk [tilespmem:v6+s12+$0x0], $0xffff  }
0x9f: {  	v60 =	vld.idx.msk [tilespmem:v7+s9+$0x0], $0xffff;
	_ =	sdelay $0x1  }
0xa0: {  	v6 =	vadd.s32 v17, v10  }
0xa1: {  	v7 =	vor.u32 v17, v12  }
0xa2: {  	v8 =	vor.u32 v17, v11  }
0xa3: {  	v0 =	vadd.f32 v60, v0;
	_ =	sdelay $0x1  }
0xa4: {  	[tilespmem:v6+s15+$0x0] =	vst.idx.msk $0xffff, v0  }
0xa5: {  	[tilespmem:$0x1F8E0] =	vst v0;
	v0 =	vld.idx.msk [tilespmem:v7+s12+$0x0], $0xffff  }
0xa6: {  	v61 =	vld.idx.msk [tilespmem:v8+s9+$0x0], $0xffff;
	_ =	sdelay $0x1  }
0xa7: {  	v6 =	vadd.s32 v18, v10  }
0xa8: {  	v8 =	vor.u32 v18, v12  }
0xa9: {  	v9 =	vor.u32 v18, v11  }
0xaa: {  	v0 =	vadd.f32 v61, v0  }
0xab: {  	v19 =	vld [tilespmem:$0x1FA60]  }
0xac: {  	[tilespmem:v6+s15+$0x0] =	vst.idx.msk $0xffff, v0  }
0xad: {  	[tilespmem:$0x1F8F0] =	vst v0;
	v0 =	vld.idx.msk [tilespmem:v8+s12+$0x0], $0xffff  }
0xae: {  	v62 =	vld.idx.msk [tilespmem:v9+s9+$0x0], $0xffff;
	_ =	sdelay $0x1  }
0xaf: {  	v6 =	vadd.s32 v19, v10  }
0xb0: {  	v9 =	vor.u32 v19, v12  }
0xb1: {  	v13 =	vor.u32 v19, v11  }
0xb2: {  	v0 =	vadd.f32 v62, v0;
	_ =	sdelay $0x1  }
0xb3: {  	[tilespmem:v6+s15+$0x0] =	vst.idx.msk $0xffff, v0  }
0xb4: {  	[tilespmem:$0x1F900] =	vst v0;
	v0 =	vld.idx.msk [tilespmem:v9+s12+$0x0], $0xffff  }
0xb5: {  	v63 =	vld.idx.msk [tilespmem:v13+s9+$0x0], $0xffff;
	_ =	sdelay $0x1  }
0xb6: {  	v6 =	vadd.s32 v20, v10  }
0xb7: {  	v13 =	vor.u32 v20, v12  }
0xb8: {  	v14 =	vor.u32 v20, v11  }
0xb9: {  	v0 =	vadd.f32 v63, v0;
	_ =	sdelay $0x1  }
0xba: {  	[tilespmem:v6+s15+$0x0] =	vst.idx.msk $0xffff, v0  }
0xbb: {  	[tilespmem:$0x1F910] =	vst v0;
	v0 =	vld.idx.msk [tilespmem:v13+s12+$0x0], $0xffff  }
0xbc: {  	v46 =	vld.idx.msk [tilespmem:v14+s9+$0x0], $0xffff;
	_ =	sdelay $0x1  }
0xbd: {  	v6 =	vadd.s32 v21, v10  }
0xbe: {  	v13 =	vor.u32 v21, v12  }
0xbf: {  	v14 =	vor.u32 v21, v11  }
0xc0: {  	v0 =	vadd.f32 v46, v0;
	_ =	sdelay $0x1  }
0xc1: {  	[tilespmem:v6+s15+$0x0] =	vst.idx.msk $0xffff, v0  }
0xc2: {  	[tilespmem:$0x1F920] =	vst v0;
	v0 =	vld.idx.msk [tilespmem:v13+s12+$0x0], $0xffff  }
0xc3: {  	v47 =	vld.idx.msk [tilespmem:v14+s9+$0x0], $0xffff;
	_ =	sdelay $0x1  }
0xc4: {  	v6 =	vadd.s32 v22, v10  }
0xc5: {  	v13 =	vor.u32 v22, v12  }
0xc6: {  	v14 =	vor.u32 v22, v11  }
0xc7: {  	v9 =	vadd.f32 v47, v0;
	_ =	sdelay $0x1  }
0xc8: {  	[tilespmem:v6+s15+$0x0] =	vst.idx.msk $0xffff, v9  }
0xc9: {  	v48 =	vld.idx.msk [tilespmem:v13+s12+$0x0], $0xffff  }
0xca: {  	v6 =	vld.idx.msk [tilespmem:v14+s9+$0x0], $0xffff;
	_ =	sdelay $0x1  }
0xcb: {  	v13 =	vadd.s32 v24, v10  }
0xcc: {  	v15 =	vor.u32 v24, v12  }
0xcd: {  	v16 =	vor.u32 v24, v11  }
0xce: {  	v14 =	vadd.f32 v6, v48;
	_ =	sdelay $0x1  }
0xcf: {  	[tilespmem:v13+s15+$0x0] =	vst.idx.msk $0xffff, v14  }
0xd0: {  	v50 =	vld.idx.msk [tilespmem:v15+s12+$0x0], $0xffff  }
0xd1: {  	v6 =	vld.idx.msk [tilespmem:v16+s9+$0x0], $0xffff;
	_ =	sdelay $0x1  }
0xd2: {  	v13 =	vadd.s32 v25, v10  }
0xd3: {  	v16 =	vor.u32 v25, v12  }
0xd4: {  	v17 =	vor.u32 v25, v11  }
0xd5: {  	v15 =	vadd.f32 v6, v50;
	_ =	sdelay $0x1  }
0xd6: {  	[tilespmem:v13+s15+$0x0] =	vst.idx.msk $0xffff, v15  }
0xd7: {  	v56 =	vld.idx.msk [tilespmem:v16+s12+$0x0], $0xffff  }
0xd8: {  	v6 =	vld.idx.msk [tilespmem:v17+s9+$0x0], $0xffff;
	_ =	sdelay $0x1  }
0xd9: {  	v13 =	vadd.s32 v26, v10  }
0xda: {  	v16 =	vor.u32 v26, v12  }
0xdb: {  	v17 =	vor.u32 v26, v11  }
0xdc: {  	v0 =	vadd.f32 v6, v56;
	_ =	sdelay $0x1  }
0xdd: {  	[tilespmem:v13+s15+$0x0] =	vst.idx.msk $0xffff, v0  }
0xde: {  	[tilespmem:$0x1F930] =	vst v0;
	v0 =	vld.idx.msk [tilespmem:v16+s12+$0x0], $0xffff  }
0xdf: {  	v6 =	vld.idx.msk [tilespmem:v17+s9+$0x0], $0xffff;
	_ =	sdelay $0x1  }
0xe0: {  	v13 =	vadd.s32 v28, v10  }
0xe1: {  	v16 =	vor.u32 v28, v12  }
0xe2: {  	v18 =	vor.u32 v28, v11  }
0xe3: {  	v0 =	vadd.f32 v6, v0;
	_ =	sdelay $0x1  }
0xe4: {  	[tilespmem:v13+s15+$0x0] =	vst.idx.msk $0xffff, v0  }
0xe5: {  	[tilespmem:$0x1F940] =	vst v0;
	v0 =	vld.idx.msk [tilespmem:v16+s12+$0x0], $0xffff  }
0xe6: {  	v6 =	vld.idx.msk [tilespmem:v18+s9+$0x0], $0xffff;
	_ =	sdelay $0x1  }
0xe7: {  	v13 =	vadd.s32 v29, v10  }
0xe8: {  	v16 =	vor.u32 v29, v12  }
0xe9: {  	v18 =	vor.u32 v29, v11  }
0xea: {  	v8 =	vadd.f32 v6, v0;
	_ =	sdelay $0x1  }
0xeb: {  	[tilespmem:v13+s15+$0x0] =	vst.idx.msk $0xffff, v8  }
0xec: {  	v57 =	vld.idx.msk [tilespmem:v16+s12+$0x0], $0xffff  }
0xed: {  	v6 =	vld.idx.msk [tilespmem:v18+s9+$0x0], $0xffff;
	_ =	sdelay $0x1  }
0xee: {  	v13 =	vadd.s32 v30, v10  }
0xef: {  	v16 =	vor.u32 v30, v12  }
0xf0: {  	v18 =	vor.u32 v30, v11  }
0xf1: {  	v7 =	vadd.f32 v6, v57  }
0xf2: {  	v39 =	vmov v23;
	v23 =	vld [tilespmem:$0x1FA70]  }
0xf3: {  	[tilespmem:v13+s15+$0x0] =	vst.idx.msk $0xffff, v7  }
0xf4: {  	v58 =	vld.idx.msk [tilespmem:v16+s12+$0x0], $0xffff  }
0xf5: {  	v6 =	vld.idx.msk [tilespmem:v18+s9+$0x0], $0xffff;
	_ =	sdelay $0x1  }
0xf6: {  	v13 =	vadd.s32 v23, v10  }
0xf7: {  	v16 =	vor.u32 v23, v12  }
0xf8: {  	v18 =	vor.u32 v23, v11  }
0xf9: {  	v5 =	vadd.f32 v6, v58  }
0xfa: {  	v34 =	vld [tilespmem:$0x1FA80]  }
0xfb: {  	[tilespmem:v13+s15+$0x0] =	vst.idx.msk $0xffff, v5  }
0xfc: {  	v59 =	vld.idx.msk [tilespmem:v16+s12+$0x0], $0xffff  }
0xfd: {  	v6 =	vld.idx.msk [tilespmem:v18+s9+$0x0], $0xffff;
	_ =	sdelay $0x1  }
0xfe: {  	v13 =	vadd.s32 v34, v10  }
0xff: {  	v16 =	vor.u32 v34, v12  }
0x100: {  	v18 =	vor.u32 v34, v11  }
0x101: {  	v0 =	vadd.f32 v6, v59  }
0x102: {  	v41 =	vld [tilespmem:$0x1FA90]  }
0x103: {  	[tilespmem:v13+s15+$0x0] =	vst.idx.msk $0xffff, v0  }
0x104: {  	[tilespmem:$0x1F950] =	vst v0;
	v0 =	vld.idx.msk [tilespmem:v16+s12+$0x0], $0xffff  }
0x105: {  	v6 =	vld.idx.msk [tilespmem:v18+s9+$0x0], $0xffff;
	_ =	sdelay $0x1  }
0x106: {  	v13 =	vadd.s32 v41, v10  }
0x107: {  	v16 =	vor.u32 v41, v12  }
0x108: {  	v18 =	vor.u32 v41, v11  }
0x109: {  	v41 =	vadd.f32 v6, v0  }
0x10a: {  	v35 =	vld [tilespmem:$0x1FAA0]  }
0x10b: {  	[tilespmem:v13+s15+$0x0] =	vst.idx.msk $0xffff, v41  }
0x10c: {  	v60 =	vld.idx.msk [tilespmem:v16+s12+$0x0], $0xffff  }
0x10d: {  	v6 =	vld.idx.msk [tilespmem:v18+s9+$0x0], $0xffff;
	_ =	sdelay $0x1  }
0x10e: {  	v13 =	vadd.s32 v35, v10  }
0x10f: {  	v16 =	vor.u32 v35, v12  }
0x110: {  	v18 =	vor.u32 v35, v11  }
0x111: {  	v24 =	vadd.f32 v6, v60  }
0x112: {  	v36 =	vmov v37;
	v37 =	vld [tilespmem:$0x1FAB0]  }
0x113: {  	[tilespmem:v13+s15+$0x0] =	vst.idx.msk $0xffff, v24  }
0x114: {  	v61 =	vld.idx.msk [tilespmem:v16+s12+$0x0], $0xffff  }
0x115: {  	v6 =	vld.idx.msk [tilespmem:v18+s9+$0x0], $0xffff;
	_ =	sdelay $0x1  }
0x116: {  	v13 =	vadd.s32 v37, v10  }
0x117: {  	v16 =	vor.u32 v37, v12  }
0x118: {  	v18 =	vor.u32 v37, v11  }
0x119: {  	v17 =	vadd.f32 v6, v61  }
0x11a: {  	v31 =	vld [tilespmem:$0x1FAC0]  }
0x11b: {  	[tilespmem:v13+s15+$0x0] =	vst.idx.msk $0xffff, v17  }
0x11c: {  	v62 =	vld.idx.msk [tilespmem:v16+s12+$0x0], $0xffff  }
0x11d: {  	v6 =	vld.idx.msk [tilespmem:v18+s9+$0x0], $0xffff;
	_ =	sdelay $0x1  }
0x11e: {  	v13 =	vadd.s32 v31, v10  }
0x11f: {  	v16 =	vor.u32 v31, v12  }
0x120: {  	v18 =	vor.u32 v31, v11  }
0x121: {  	v28 =	vadd.f32 v6, v62  }
0x122: {  	v32 =	vld [tilespmem:$0x1FAD0]  }
0x123: {  	[tilespmem:v13+s15+$0x0] =	vst.idx.msk $0xffff, v28  }
0x124: {  	v63 =	vld.idx.msk [tilespmem:v16+s12+$0x0], $0xffff  }
0x125: {  	v6 =	vld.idx.msk [tilespmem:v18+s9+$0x0], $0xffff;
	_ =	sdelay $0x1  }
0x126: {  	v13 =	vadd.s32 v32, v10  }
0x127: {  	v16 =	vor.u32 v32, v12  }
0x128: {  	v18 =	vor.u32 v32, v11  }
0x129: {  	v29 =	vadd.f32 v6, v63  }
0x12a: {  	v33 =	vld [tilespmem:$0x1FAE0]  }
0x12b: {  	[tilespmem:v13+s15+$0x0] =	vst.idx.msk $0xffff, v29  }
0x12c: {  	v32 =	vld.idx.msk [tilespmem:v16+s12+$0x0], $0xffff  }
0x12d: {  	v6 =	vld.idx.msk [tilespmem:v18+s9+$0x0], $0xffff;
	_ =	sdelay $0x1  }
0x12e: {  	v13 =	vadd.s32 v33, v10  }
0x12f: {  	v16 =	vor.u32 v33, v12  }
0x130: {  	v18 =	vor.u32 v33, v11  }
0x131: {  	v30 =	vadd.f32 v6, v32;
	_ =	sdelay $0x1  }
0x132: {  	[tilespmem:v13+s15+$0x0] =	vst.idx.msk $0xffff, v30  }
0x133: {  	v34 =	vld.idx.msk [tilespmem:v16+s12+$0x0], $0xffff  }
0x134: {  	v6 =	vld.idx.msk [tilespmem:v18+s9+$0x0], $0xffff;
	_ =	sdelay $0x1  }
0x135: {  	v13 =	vadd.s32 v49, v10  }
0x136: {  	v16 =	vor.u32 v49, v12  }
0x137: {  	v18 =	vor.u32 v49, v11  }
0x138: {  	v32 =	vadd.f32 v6, v34;
	_ =	sdelay $0x1  }
0x139: {  	[tilespmem:v13+s15+$0x0] =	vst.idx.msk $0xffff, v32  }
0x13a: {  	v35 =	vld.idx.msk [tilespmem:v16+s12+$0x0], $0xffff  }
0x13b: {  	v6 =	vld.idx.msk [tilespmem:v18+s9+$0x0], $0xffff;
	_ =	sdelay $0x1  }
0x13c: {  	v13 =	vadd.s32 v52, v10  }
0x13d: {  	v16 =	vor.u32 v52, v12  }
0x13e: {  	v18 =	vor.u32 v52, v11  }
0x13f: {  	v35 =	vadd.f32 v6, v35;
	_ =	sdelay $0x1  }
0x140: {  	[tilespmem:v13+s15+$0x0] =	vst.idx.msk $0xffff, v35  }
0x141: {  	v37 =	vld.idx.msk [tilespmem:v16+s12+$0x0], $0xffff  }
0x142: {  	v6 =	vld.idx.msk [tilespmem:v18+s9+$0x0], $0xffff;
	_ =	sdelay $0x1  }
0x143: {  	v13 =	vadd.s32 v53, v10  }
0x144: {  	v16 =	vor.u32 v53, v12  }
0x145: {  	v18 =	vor.u32 v53, v11  }
0x146: {  	v0 =	vadd.f32 v6, v37  }
0x147: {  	v45 =	vld [tilespmem:$0x1FC30]  }
0x148: {  	[tilespmem:v13+s15+$0x0] =	vst.idx.msk $0xffff, v0  }
0x149: {  	[tilespmem:$0x1F960] =	vst v0;
	v0 =	vld.idx.msk [tilespmem:v16+s12+$0x0], $0xffff  }
0x14a: {  	v6 =	vld.idx.msk [tilespmem:v18+s9+$0x0], $0xffff;
	_ =	sdelay $0x1  }
0x14b: {  	v13 =	vadd.s32 v45, v10  }
0x14c: {  	v16 =	vor.u32 v45, v12  }
0x14d: {  	v18 =	vor.u32 v45, v11  }
0x14e: {  	v62 =	vadd.f32 v6, v0  }
0x14f: {  	v44 =	vld [tilespmem:$0x1FC40]  }
0x150: {  	[tilespmem:v13+s15+$0x0] =	vst.idx.msk $0xffff, v62  }
0x151: {  	v46 =	vld.idx.msk [tilespmem:v16+s12+$0x0], $0xffff  }
0x152: {  	v6 =	vld.idx.msk [tilespmem:v18+s9+$0x0], $0xffff;
	_ =	sdelay $0x1  }
0x153: {  	v13 =	vadd.s32 v44, v10  }
0x154: {  	v16 =	vor.u32 v44, v12  }
0x155: {  	v18 =	vor.u32 v44, v11  }
0x156: {  	v0 =	vadd.f32 v6, v46  }
0x157: {  	v42 =	vld [tilespmem:$0x1FC50]  }
0x158: {  	[tilespmem:v13+s15+$0x0] =	vst.idx.msk $0xffff, v0  }
0x159: {  	[tilespmem:$0x1F970] =	vst v0;
	v0 =	vld.idx.msk [tilespmem:v16+s12+$0x0], $0xffff  }
0x15a: {  	v6 =	vld.idx.msk [tilespmem:v18+s9+$0x0], $0xffff;
	_ =	sdelay $0x1  }
0x15b: {  	v13 =	vadd.s32 v42, v10  }
0x15c: {  	v16 =	vor.u32 v42, v12  }
0x15d: {  	v18 =	vor.u32 v42, v11  }
0x15e: {  	v0 =	vadd.f32 v6, v0  }
0x15f: {  	v43 =	vld [tilespmem:$0x1FC60]  }
0x160: {  	[tilespmem:v13+s15+$0x0] =	vst.idx.msk $0xffff, v0  }
0x161: {  	[tilespmem:$0x1F980] =	vst v0;
	v0 =	vld.idx.msk [tilespmem:v16+s12+$0x0], $0xffff  }
0x162: {  	v6 =	vld.idx.msk [tilespmem:v18+s9+$0x0], $0xffff;
	_ =	sdelay $0x1  }
0x163: {  	v13 =	vadd.s32 v43, v10  }
0x164: {  	v16 =	vor.u32 v43, v12  }
0x165: {  	v18 =	vor.u32 v43, v11  }
0x166: {  	v0 =	vadd.f32 v6, v0;
	_ =	sdelay $0x1  }
0x167: {  	[tilespmem:v13+s15+$0x0] =	vst.idx.msk $0xffff, v0  }
0x168: {  	[tilespmem:$0x1F990] =	vst v0;
	v0 =	vld.idx.msk [tilespmem:v16+s12+$0x0], $0xffff  }
0x169: {  	v6 =	vld.idx.msk [tilespmem:v18+s9+$0x0], $0xffff;
	_ =	sdelay $0x1  }
0x16a: {  	v13 =	vadd.s32 v51, v10  }
0x16b: {  	v16 =	vor.u32 v51, v12  }
0x16c: {  	v18 =	vor.u32 v51, v11  }
0x16d: {  	v51 =	vadd.f32 v6, v0;
	_ =	sdelay $0x1  }
0x16e: {  	[tilespmem:v13+s15+$0x0] =	vst.idx.msk $0xffff, v51  }
0x16f: {  	v47 =	vld.idx.msk [tilespmem:v16+s12+$0x0], $0xffff  }
0x170: {  	v6 =	vld.idx.msk [tilespmem:v18+s9+$0x0], $0xffff;
	_ =	sdelay $0x1  }
0x171: {  	v13 =	vadd.s32 v55, v10  }
0x172: {  	v16 =	vor.u32 v55, v12  }
0x173: {  	v18 =	vor.u32 v55, v11  }
0x174: {  	v55 =	vadd.f32 v6, v47  }
0x175: {  	v49 =	vld [tilespmem:$0x1FC70]  }
0x176: {  	[tilespmem:v13+s15+$0x0] =	vst.idx.msk $0xffff, v55  }
0x177: {  	v48 =	vld.idx.msk [tilespmem:v16+s12+$0x0], $0xffff  }
0x178: {  	v6 =	vld.idx.msk [tilespmem:v18+s9+$0x0], $0xffff;
	_ =	sdelay $0x1  }
0x179: {  	v13 =	vadd.s32 v49, v10  }
0x17a: {  	v16 =	vor.u32 v49, v12  }
0x17b: {  	v18 =	vor.u32 v49, v11  }
0x17c: {  	v26 =	vadd.f32 v6, v48  }
0x17d: {  	v52 =	vld [tilespmem:$0x1FC80]  }
0x17e: {  	[tilespmem:v13+s15+$0x0] =	vst.idx.msk $0xffff, v26  }
0x17f: {  	v50 =	vld.idx.msk [tilespmem:v16+s12+$0x0], $0xffff  }
0x180: {  	v6 =	vld.idx.msk [tilespmem:v18+s9+$0x0], $0xffff;
	_ =	sdelay $0x1  }
0x181: {  	v13 =	vadd.s32 v52, v10  }
0x182: {  	v16 =	vor.u32 v52, v12  }
0x183: {  	v18 =	vor.u32 v52, v11  }
0x184: {  	v25 =	vadd.f32 v6, v50  }
0x185: {  	v56 =	vld [tilespmem:$0x1FC90]  }
0x186: {  	[tilespmem:v13+s15+$0x0] =	vst.idx.msk $0xffff, v25  }
0x187: {  	v53 =	vld.idx.msk [tilespmem:v16+s12+$0x0], $0xffff  }
0x188: {  	v6 =	vld.idx.msk [tilespmem:v18+s9+$0x0], $0xffff;
	_ =	sdelay $0x1  }
0x189: {  	v13 =	vadd.s32 v56, v10  }
0x18a: {  	v16 =	vor.u32 v56, v12  }
0x18b: {  	v18 =	vor.u32 v56, v11  }
0x18c: {  	v0 =	vadd.f32 v6, v53  }
0x18d: {  	v57 =	vld [tilespmem:$0x1FCA0]  }
0x18e: {  	[tilespmem:v13+s15+$0x0] =	vst.idx.msk $0xffff, v0  }
0x18f: {  	[tilespmem:$0x1F9A0] =	vst v0;
	v0 =	vld.idx.msk [tilespmem:v16+s12+$0x0], $0xffff  }
0x190: {  	v6 =	vld.idx.msk [tilespmem:v18+s9+$0x0], $0xffff;
	_ =	sdelay $0x1  }
0x191: {  	v13 =	vadd.s32 v57, v10  }
0x192: {  	v16 =	vor.u32 v57, v12  }
0x193: {  	v18 =	vor.u32 v57, v11  }
0x194: {  	v22 =	vadd.f32 v6, v0  }
0x195: {  	v59 =	vld [tilespmem:$0x1FCB0]  }
0x196: {  	[tilespmem:v13+s15+$0x0] =	vst.idx.msk $0xffff, v22  }
0x197: {  	v58 =	vld.idx.msk [tilespmem:v16+s12+$0x0], $0xffff  }
0x198: {  	v6 =	vld.idx.msk [tilespmem:v18+s9+$0x0], $0xffff;
	_ =	sdelay $0x1  }
0x199: {  	v13 =	vadd.s32 v59, v10  }
0x19a: {  	v16 =	vor.u32 v59, v12  }
0x19b: {  	v18 =	vor.u32 v59, v11  }
0x19c: {  	v23 =	vadd.f32 v6, v58  }
0x19d: {  	v61 =	vld [tilespmem:$0x1FCC0]  }
0x19e: {  	[tilespmem:v13+s15+$0x0] =	vst.idx.msk $0xffff, v23  }
0x19f: {  	v60 =	vld.idx.msk [tilespmem:v16+s12+$0x0], $0xffff  }
0x1a0: {  	v6 =	vld.idx.msk [tilespmem:v18+s9+$0x0], $0xffff;
	_ =	sdelay $0x1  }
0x1a1: {  	v13 =	vadd.s32 v61, v10  }
0x1a2: {  	v16 =	vor.u32 v61, v12  }
0x1a3: {  	v18 =	vor.u32 v61, v11  }
0x1a4: {  	v0 =	vadd.f32 v6, v60  }
0x1a5: {  	v63 =	vld [tilespmem:$0x1FCD0]  }
0x1a6: {  	[tilespmem:v13+s15+$0x0] =	vst.idx.msk $0xffff, v0  }
0x1a7: {  	[tilespmem:$0x1F9B0] =	vst v0;
	v0 =	vld.idx.msk [tilespmem:v16+s12+$0x0], $0xffff  }
0x1a8: {  	v6 =	vld.idx.msk [tilespmem:v18+s9+$0x0], $0xffff;
	_ =	sdelay $0x1  }
0x1a9: {  	v13 =	vadd.s32 v63, v10  }
0x1aa: {  	v16 =	vor.u32 v63, v12  }
0x1ab: {  	v18 =	vor.u32 v63, v11  }
0x1ac: {  	v0 =	vadd.f32 v6, v0  }
0x1ad: {  	v33 =	vld [tilespmem:$0x1FCE0]  }
0x1ae: {  	[tilespmem:v13+s15+$0x0] =	vst.idx.msk $0xffff, v0  }
0x1af: {  	[tilespmem:$0x1F9C0] =	vst v0;
	v0 =	vld.idx.msk [tilespmem:v16+s12+$0x0], $0xffff  }
0x1b0: {  	v6 =	vld.idx.msk [tilespmem:v18+s9+$0x0], $0xffff;
	_ =	sdelay $0x1  }
0x1b1: {  	v13 =	vadd.s32 v33, v10  }
0x1b2: {  	v16 =	vor.u32 v33, v12  }
0x1b3: {  	v18 =	vor.u32 v33, v11  }
0x1b4: {  	v0 =	vadd.f32 v6, v0  }
0x1b5: {  	v34 =	vld [tilespmem:$0x1FCF0]  }
0x1b6: {  	[tilespmem:v13+s15+$0x0] =	vst.idx.msk $0xffff, v0  }
0x1b7: {  	[tilespmem:$0x1F9D0] =	vst v0;
	v0 =	vld.idx.msk [tilespmem:v16+s12+$0x0], $0xffff  }
0x1b8: {  	v6 =	vld.idx.msk [tilespmem:v18+s9+$0x0], $0xffff;
	_ =	sdelay $0x1  }
0x1b9: {  	v13 =	vadd.s32 v34, v10  }
0x1ba: {  	v16 =	vor.u32 v34, v12  }
0x1bb: {  	v18 =	vor.u32 v34, v11  }
0x1bc: {  	v52 =	vadd.f32 v6, v0  }
0x1bd: {  	v42 =	vld [tilespmem:$0x1FD00]  }
0x1be: {  	[tilespmem:v13+s15+$0x0] =	vst.idx.msk $0xffff, v52  }
0x1bf: {  	v37 =	vld.idx.msk [tilespmem:v16+s12+$0x0], $0xffff  }
0x1c0: {  	v6 =	vld.idx.msk [tilespmem:v18+s9+$0x0], $0xffff;
	_ =	sdelay $0x1  }
0x1c1: {  	v13 =	vadd.s32 v42, v10  }
0x1c2: {  	v16 =	vor.u32 v42, v12  }
0x1c3: {  	v18 =	vor.u32 v42, v11  }
0x1c4: {  	v49 =	vadd.f32 v6, v37  }
0x1c5: {  	v44 =	vld [tilespmem:$0x1FD10]  }
0x1c6: {  	[tilespmem:v13+s15+$0x0] =	vst.idx.msk $0xffff, v49  }
0x1c7: {  	v43 =	vld.idx.msk [tilespmem:v16+s12+$0x0], $0xffff  }
0x1c8: {  	v6 =	vld.idx.msk [tilespmem:v18+s9+$0x0], $0xffff;
	_ =	sdelay $0x1  }
0x1c9: {  	v13 =	vadd.s32 v44, v10  }
0x1ca: {  	v16 =	vor.u32 v44, v12  }
0x1cb: {  	v18 =	vor.u32 v44, v11  }
0x1cc: {  	v53 =	vadd.f32 v6, v43  }
0x1cd: {  	v46 =	vld [tilespmem:$0x1FD20]  }
0x1ce: {  	[tilespmem:v13+s15+$0x0] =	vst.idx.msk $0xffff, v53  }
0x1cf: {  	v45 =	vld.idx.msk [tilespmem:v16+s12+$0x0], $0xffff  }
0x1d0: {  	v6 =	vld.idx.msk [tilespmem:v18+s9+$0x0], $0xffff;
	_ =	sdelay $0x1  }
0x1d1: {  	v13 =	vadd.s32 v46, v10  }
0x1d2: {  	v16 =	vor.u32 v46, v12  }
0x1d3: {  	v18 =	vor.u32 v46, v11  }
0x1d4: {  	v0 =	vadd.f32 v6, v45  }
0x1d5: {  	v47 =	vld [tilespmem:$0x1FD30]  }
0x1d6: {  	[tilespmem:v13+s15+$0x0] =	vst.idx.msk $0xffff, v0  }
0x1d7: {  	[tilespmem:$0x1F9E0] =	vst v0;
	v0 =	vld.idx.msk [tilespmem:v16+s12+$0x0], $0xffff  }
0x1d8: {  	v6 =	vld.idx.msk [tilespmem:v18+s9+$0x0], $0xffff;
	_ =	sdelay $0x1  }
0x1d9: {  	v13 =	vadd.s32 v47, v10  }
0x1da: {  	v16 =	vor.u32 v47, v12  }
0x1db: {  	v18 =	vor.u32 v47, v11  }
0x1dc: {  	v37 =	vadd.f32 v6, v0  }
0x1dd: {  	v50 =	vld [tilespmem:$0x1FD40]  }
0x1de: {  	[tilespmem:v13+s15+$0x0] =	vst.idx.msk $0xffff, v37  }
0x1df: {  	v48 =	vld.idx.msk [tilespmem:v16+s12+$0x0], $0xffff  }
0x1e0: {  	v6 =	vld.idx.msk [tilespmem:v18+s9+$0x0], $0xffff;
	_ =	sdelay $0x1  }
0x1e1: {  	v13 =	vadd.s32 v50, v10  }
0x1e2: {  	v16 =	vor.u32 v50, v12  }
0x1e3: {  	v18 =	vor.u32 v50, v11  }
0x1e4: {  	v0 =	vadd.f32 v6, v48  }
0x1e5: {  	v56 =	vld [tilespmem:$0x1FD50]  }
0x1e6: {  	v27 =	vld [tilespmem:$0x1FB00];
	[tilespmem:v13+s15+$0x0] =	vst.idx.msk $0xffff, v0  }
0x1e7: {  	[tilespmem:$0x1F9F0] =	vst v0;
	v0 =	vld.idx.msk [tilespmem:v16+s12+$0x0], $0xffff  }
0x1e8: {  	v6 =	vld.idx.msk [tilespmem:v18+s9+$0x0], $0xffff;
	_ =	sdelay $0x1  }
0x1e9: {  	v13 =	vadd.s32 v56, v10  }
0x1ea: {  	v16 =	vor.u32 v27, v12  }
0x1eb: {  	v18 =	vor.u32 v27, v11  }
0x1ec: {  	v20 =	vld [tilespmem:$0x1FD90];
	v0 =	vadd.f32 v6, v0  }
0x1ed: {  	v57 =	vld [tilespmem:$0x1FD70]  }
0x1ee: {  	[tilespmem:v13+s15+$0x0] =	vst.idx.msk $0xffff, v0  }
0x1ef: {  	[tilespmem:$0x1FA00] =	vst v0;
	v0 =	vld.idx.msk [tilespmem:v16+s12+$0x0], $0xffff  }
0x1f0: {  	v6 =	vld.idx.msk [tilespmem:v18+s9+$0x0], $0xffff  }
0x1f1: {  	v2 =	vld [tilespmem:$0x1FB30];
	v58 =	vcombine.low v38, v20  }
0x1f2: {  	v59 =	vld [tilespmem:$0x1FF10];
	v13 =	vadd.s32 v57, v10  }
0x1f3: {  	v61 =	vld [tilespmem:$0x1FF20];
	v16 =	vor.u32 v58, v12  }
0x1f4: {  	v60 =	vld [tilespmem:$0x1FB20];
	v18 =	vor.u32 v58, v11  }
0x1f5: {  	v4 =	vadd.f32 v6, v0;
	_ =	sdelay $0x1  }
0x1f6: {  	[tilespmem:v13+s15+$0x0] =	vst.idx.msk $0xffff, v4  }
0x1f7: {  	v38 =	vsel vm0, v59, v2;
	v6 =	vld.idx.msk [tilespmem:v16+s12+$0x0], $0xffff  }
0x1f8: {  	v3 =	vcombine.low v60, v38;
	v13 =	vld.idx.msk [tilespmem:v18+s9+$0x0], $0xffff;
	v18 =	vsel vm0, v61, v2  }
0x1f9: {  	v33 =	vcombine.low v60, v18  }
0x1fa: {  	v1 =	vld [tilespmem:$0x1FBF0];
	v16 =	vadd.s32 v3, v10  }
0x1fb: {  	v43 =	vld [tilespmem:$0x1FC20];
	v31 =	vor.u32 v33, v12  }
0x1fc: {  	v44 =	vld [tilespmem:$0x1FB50];
	v63 =	vor.u32 v33, v11  }
0x1fd: {  	v34 =	vadd.f32 v13, v6;
	_ =	sdelay $0x1  }
0x1fe: {  	v45 =	vld [tilespmem:$0x1FF30];
	[tilespmem:v16+s15+$0x0] =	vst.idx.msk $0xffff, v34  }
0x1ff: {  	v6 =	vld.idx.msk [tilespmem:v31+s12+$0x0], $0xffff;
	v31 =	vsel vm0, v43, v1  }
0x200: {  	v13 =	vld.idx.msk [tilespmem:v63+s9+$0x0], $0xffff;
	v0 =	vcombine.low v44, v31;
	_ =	sdelay $0x1  }
0x201: {  	v48 =	vld [tilespmem:$0x1FF40];
	v16 =	vadd.s32 v0, v10  }
0x202: {  	[tilespmem:$0x1F840] =	vst v3;
	v19 =	vor.u32 v45, v12;
	v3 =	vld [tilespmem:$0x1FB60]  }
0x203: {  	v46 =	vor.u32 v45, v11  }
0x204: {  	v47 =	vadd.f32 v13, v6;
	_ =	sdelay $0x1  }
0x205: {  	[tilespmem:v16+s15+$0x0] =	vst.idx.msk $0xffff, v47  }
0x206: {  	v13 =	vsel vm0, v3, v48;
	v16 =	vsel vm0, v54, v39;
	v6 =	vld.idx.msk [tilespmem:v19+s12+$0x0], $0xffff  }
0x207: {  	[tilespmem:$0x1F850] =	vst v0;
	v19 =	vld.idx.msk [tilespmem:v46+s9+$0x0], $0xffff;
	v0 =	vcombine.low v16, v13;
	v13 =	vsel vm0, v3, v40  }
0x208: {  	v56 =	vld [tilespmem:$0x1FEF0];
	v43 =	vcombine.low v16, v13  }
0x209: {  	v57 =	vld [tilespmem:$0x1FD80];
	v13 =	vadd.s32 v0, v10  }
0x20a: {  	v3 =	vld [tilespmem:$0x1FB70];
	v16 =	vor.u32 v43, v12  }
0x20b: {  	v59 =	vld [tilespmem:$0x1FF00];
	v50 =	vor.u32 v43, v11  }
0x20c: {  	v54 =	vadd.f32 v19, v6;
	_ =	sdelay $0x1  }
0x20d: {  	[tilespmem:v13+s15+$0x0] =	vst.idx.msk $0xffff, v54  }
0x20e: {  	v13 =	vsel vm0, v3, v56;
	v6 =	vld.idx.msk [tilespmem:v16+s12+$0x0], $0xffff;
	v16 =	vsel vm0, v57, v36  }
0x20f: {  	v19 =	vld.idx.msk [tilespmem:v50+s9+$0x0], $0xffff;
	v21 =	vcombine.low v16, v13;
	v13 =	vsel vm0, v3, v59  }
0x210: {  	[tilespmem:$0x1FA10] =	vst v34;
	v34 =	vld [tilespmem:$0x1FB10];
	v48 =	vcombine.low v16, v13  }
0x211: {  	v63 =	vld [tilespmem:$0x1FF10];
	v13 =	vadd.s32 v21, v10  }
0x212: {  	v3 =	vld [tilespmem:$0x1FB80];
	v16 =	vor.u32 v48, v12  }
0x213: {  	v36 =	vld [tilespmem:$0x1FF20];
	v60 =	vor.u32 v48, v11  }
0x214: {  	v61 =	vadd.f32 v19, v6;
	_ =	sdelay $0x1  }
0x215: {  	[tilespmem:v13+s15+$0x0] =	vst.idx.msk $0xffff, v61  }
0x216: {  	v13 =	vsel vm0, v3, v63;
	v6 =	vld.idx.msk [tilespmem:v16+s12+$0x0], $0xffff;
	v16 =	vsel vm0, v2, v34  }
0x217: {  	v19 =	vld.idx.msk [tilespmem:v60+s9+$0x0], $0xffff;
	v2 =	vcombine.low v16, v13;
	v13 =	vsel vm0, v3, v36  }
0x218: {  	[tilespmem:$0x1FA20] =	vst v47;
	v47 =	vcombine.low v16, v13  }
0x219: {  	v13 =	vadd.s32 v2, v10  }
0x21a: {  	v44 =	vld [tilespmem:$0x1FB40];
	v16 =	vor.u32 v47, v12  }
0x21b: {  	v45 =	vld [tilespmem:$0x1FB90];
	v39 =	vor.u32 v47, v11  }
0x21c: {  	v46 =	vld [tilespmem:$0x1FBA0];
	v6 =	vadd.f32 v19, v6;
	_ =	sdelay $0x1  }
0x21d: {  	[tilespmem:v13+s15+$0x0] =	vst.idx.msk $0xffff, v6  }
0x21e: {  	v13 =	vld.idx.msk [tilespmem:v16+s12+$0x0], $0xffff;
	v16 =	vsel vm0, v1, v44  }
0x21f: {  	v19 =	vld.idx.msk [tilespmem:v39+s9+$0x0], $0xffff;
	v44 =	vcombine.low v16, v45  }
0x220: {  	v45 =	vcombine.low v16, v46  }
0x221: {  	[tilespmem:$0x1FA40] =	vst v61;
	v61 =	vld [tilespmem:$0x1FF40];
	v16 =	vadd.s32 v44, v10  }
0x222: {  	v60 =	vld [tilespmem:$0x1FEB0];
	v50 =	vor.u32 v45, v12  }
0x223: {  	v34 =	vld [tilespmem:$0x1FBB0];
	v56 =	vor.u32 v45, v11  }
0x224: {  	v36 =	vld [tilespmem:$0x1FAF0];
	v13 =	vadd.f32 v19, v13;
	_ =	sdelay $0x1  }
0x225: {  	[tilespmem:v16+s15+$0x0] =	vst.idx.msk $0xffff, v13  }
0x226: {  	v19 =	vsel vm0, v61, v60;
	v16 =	vld.idx.msk [tilespmem:v50+s12+$0x0], $0xffff  }
0x227: {  	v63 =	vld.idx.msk [tilespmem:v56+s9+$0x0], $0xffff;
	v50 =	vcombine.low v19, v34  }
0x228: {  	v59 =	vcombine.low v36, v34  }
0x229: {  	v40 =	vld [tilespmem:$0x1F8C0];
	v39 =	vadd.s32 v50, v10  }
0x22a: {  	v57 =	vld [tilespmem:$0x1FD60];
	v46 =	vor.u32 v59, v12  }
0x22b: {  	v19 =	vor.u32 v59, v11;
	v56 =	vld [tilespmem:$0x1FBC0]  }
0x22c: {  	[tilespmem:$0x1FA30] =	vst v54;
	v34 =	vld [tilespmem:$0x1F8A0];
	v54 =	vadd.f32 v63, v16  }
0x22d: {  	v63 =	vld [tilespmem:$0x1F890]  }
0x22e: {  	[tilespmem:v39+s15+$0x0] =	vst.idx.msk $0xffff, v54;
	v39 =	vld [tilespmem:$0x1F8B0]  }
0x22f: {  	v16 =	vld.idx.msk [tilespmem:v46+s12+$0x0], $0xffff  }
0x230: {  	v27 =	vcombine.low v57, v56;
	v19 =	vld.idx.msk [tilespmem:v19+s9+$0x0], $0xffff  }
0x231: {  	v46 =	vld [tilespmem:$0x1F8E0]  }
0x232: {  	v57 =	vld [tilespmem:$0x1F8F0];
	v60 =	vadd.s32 v27, v10;
	_ =	sdelay $0x1  }
0x233: {  	[tilespmem:$0x1F860] =	vst v0;
	v0 =	vmul.f32 v40, v40;
	v36 =	vcombine.low v20, v56  }
0x234: {  	v42 =	vld [tilespmem:$0x1F8D0];
	[tilespmem:$0x1F870] =	vst v21;
	v21 =	vmul.f32 v34, v34;
	v16 =	vadd.f32 v19, v16;
	v19 =	vmul.f32 v63, v63  }
0x235: {  	[tilespmem:$0x1F880] =	vst v2;
	v20 =	vor.u32 v36, v12;
	v3 =	vmul.f32 v39, v39;
	v1 =	vmul.f32 v46, v46;
	v46 =	vld [tilespmem:$0x1FBD0]  }
0x236: {  	[tilespmem:v60+s15+$0x0] =	vst.idx.msk $0xffff, v16;
	v2 =	vadd.f32 v0, v19;
	v19 =	vmul.f32 v57, v57;
	v60 =	vld [tilespmem:$0x1F900]  }
0x237: {  	v61 =	vor.u32 v36, v11;
	v1 =	vadd.f32 v1, v21;
	v21 =	vld [tilespmem:$0x1F910]  }
0x238: {  	v3 =	vadd.f32 v19, v3;
	v19 =	vld [tilespmem:$0x1F920];
	_ =	sdelay $0x2  }
0x239: {  	v14 =	vmul.f32 v14, v14;
	v42 =	vmul.f32 v42, v42;
	v20 =	vld.idx.msk [tilespmem:v20+s12+$0x0], $0xffff  }
0x23a: {  	v56 =	vld.idx.msk [tilespmem:v61+s9+$0x0], $0xffff;
	v39 =	vcombine.low v38, v46;
	v0 =	vmul.f32 v60, v60  }
0x23b: {  	v21 =	vmul.f32 v21, v21;
	v61 =	vmul.f32 v19, v19  }
0x23c: {  	v19 =	vcombine.low v18, v46;
	v0 =	vadd.f32 v0, v42;
	v18 =	vadd.s32 v39, v10;
	_ =	sdelay $0x1  }
0x23d: {  	v2 =	vadd.f32 v21, v2;
	v0 =	vadd.f32 v14, v0;
	v14 =	vld [tilespmem:$0x1F940]  }
0x23e: {  	v21 =	vadd.f32 v61, v1;
	v1 =	vadd.f32 v56, v20  }
0x23f: {  	v42 =	vor.u32 v19, v11;
	v20 =	vld [tilespmem:$0x1F930]  }
0x240: {  	v40 =	vmul.f32 v9, v9;
	[tilespmem:v18+s15+$0x0] =	vst.idx.msk $0xffff, v1;
	v18 =	vld [tilespmem:$0x1FBE0]  }
0x241: {  	v15 =	vmul.f32 v15, v15;
	v8 =	vmul.f32 v8, v8  }
0x242: {  	v3 =	vadd.f32 v40, v3;
	v9 =	vor.u32 v19, v12;
	v14 =	vmul.f32 v14, v14  }
0x243: {  	v0 =	vadd.f32 v8, v0;
	v8 =	vld [tilespmem:$0x1F950]  }
0x244: {  	v7 =	vmul.f32 v7, v7;
	v2 =	vadd.f32 v15, v2;
	v3 =	vadd.f32 v14, v3;
	v14 =	vld.idx.msk [tilespmem:v42+s9+$0x0], $0xffff  }
0x245: {  	v20 =	vmul.f32 v20, v20;
	v42 =	vcombine.low v31, v18;
	v18 =	vld [tilespmem:$0x1FC00]  }
0x246: {  	v2 =	vadd.f32 v7, v2;
	v7 =	vmul.f32 v41, v41  }
0x247: {  	v5 =	vmul.f32 v5, v5;
	v9 =	vld.idx.msk [tilespmem:v9+s12+$0x0], $0xffff;
	v15 =	vadd.f32 v20, v21  }
0x248: {  	v0 =	vadd.f32 v7, v0;
	v8 =	vmul.f32 v8, v8  }
0x249: {  	v7 =	vmul.f32 v17, v17;
	v5 =	vadd.f32 v5, v15;
	v15 =	vadd.s32 v42, v10  }
0x24a: {  	v3 =	vadd.f32 v8, v3;
	v8 =	vmul.f32 v24, v24;
	v17 =	vor.u32 v18, v12  }
0x24b: {  	v18 =	vor.u32 v18, v11  }
0x24c: {  	v2 =	vadd.f32 v8, v2;
	v8 =	vmul.f32 v28, v28;
	v14 =	vadd.f32 v14, v9  }
0x24d: {  	v63 =	vld [tilespmem:$0x1FF40];
	v5 =	vadd.f32 v7, v5;
	v7 =	vmul.f32 v29, v29;
	v9 =	vmul.f32 v32, v32  }
0x24e: {  	v56 =	vld [tilespmem:$0x1FEC0];
	v3 =	vadd.f32 v8, v3;
	v8 =	vmul.f32 v30, v30;
	[tilespmem:v15+s15+$0x0] =	vst.idx.msk $0xffff, v14  }
0x24f: {  	v0 =	vadd.f32 v7, v0;
	v7 =	vld.idx.msk [tilespmem:v17+s12+$0x0], $0xffff  }
0x250: {  	v2 =	vadd.f32 v8, v2;
	v8 =	vadd.f32 v9, v5;
	v9 =	vld.idx.msk [tilespmem:v18+s9+$0x0], $0xffff  }
0x251: {  	v18 =	vld [tilespmem:$0x1FC10]  }
0x252: {  	v17 =	vld [tilespmem:$0x1FF50]  }
0x253: {  	v20 =	vld [tilespmem:$0x1FF50]  }
0x254: {  	v15 =	vmul.f32 v35, v35;
	_ =	sdelay $0x1  }
0x255: {  	v3 =	vadd.f32 v15, v3;
	v15 =	vld [tilespmem:$0x1F960];
	v5 =	vsel vm1, v18, v63  }
0x256: {  	v35 =	vsel vm2, v17, v5;
	v5 =	vsel vm1, v18, v56  }
0x257: {  	v31 =	vsel vm2, v20, v5;
	v5 =	vld [tilespmem:$0x1F970];
	_ =	sdelay $0x2  }
0x258: {  	v15 =	vmul.f32 v15, v15;
	_ =	sdelay $0x1  }
0x259: {  	v0 =	vadd.f32 v15, v0;
	v15 =	vmul.f32 v5, v5;
	v5 =	vld [tilespmem:$0x1F980];
	_ =	sdelay $0x2  }
0x25a: {  	v17 =	vmul.f32 v62, v62;
	_ =	sdelay $0x1  }
0x25b: {  	v2 =	vadd.f32 v17, v2;
	v17 =	vmul.f32 v5, v5;
	v5 =	vld [tilespmem:$0x1F990];
	_ =	sdelay $0x1  }
0x25c: {  	v18 =	vadd.s32 v35, v10  }
0x25d: {  	v20 =	vor.u32 v31, v12  }
0x25e: {  	v21 =	vor.u32 v31, v11  }
0x25f: {  	v8 =	vadd.f32 v15, v8;
	v15 =	vadd.f32 v9, v7;
	v7 =	vmul.f32 v5, v5;
	v5 =	vld [tilespmem:$0x1F9A0]  }
0x260: {  	v9 =	vmul.f32 v51, v51  }
0x261: {  	[tilespmem:v18+s15+$0x0] =	vst.idx.msk $0xffff, v15;
	v3 =	vadd.f32 v17, v3;
	v17 =	vmul.f32 v55, v55  }
0x262: {  	v2 =	vadd.f32 v9, v2;
	v9 =	vld.idx.msk [tilespmem:v20+s12+$0x0], $0xffff  }
0x263: {  	v8 =	vadd.f32 v17, v8;
	v17 =	vld.idx.msk [tilespmem:v21+s9+$0x0], $0xffff  }
0x264: {  	v20 =	vmul.f32 v5, v5;
	v5 =	vld [tilespmem:$0x1F9B0]  }
0x265: {  	v57 =	vld [tilespmem:$0x1FEF0]  }
0x266: {  	v63 =	vld [tilespmem:$0x1FF60]  }
0x267: {  	v61 =	vld [tilespmem:$0x1FF80]  }
0x268: {  	v32 =	vld [tilespmem:$0x1FF00];
	v18 =	vmul.f32 v26, v26  }
0x269: {  	v17 =	vadd.f32 v17, v9;
	v9 =	vmul.f32 v5, v5;
	v5 =	vld [tilespmem:$0x1F9C0]  }
0x26a: {  	v3 =	vadd.f32 v18, v3;
	v18 =	vmul.f32 v25, v25;
	v0 =	vadd.f32 v7, v0  }
0x26b: {  	v7 =	vsel vm1, v63, v57  }
0x26c: {  	v40 =	vmovc v56;
	v56 =	vsel vm2, v61, v7;
	v0 =	vadd.f32 v18, v0;
	v18 =	vmul.f32 v22, v22  }
0x26d: {  	v7 =	vsel vm1, v63, v32;
	v21 =	vadd.s32 v56, v10  }
0x26e: {  	v7 =	vsel vm2, v61, v7;
	v8 =	vadd.f32 v18, v8;
	v18 =	vmul.f32 v5, v5;
	v5 =	vld [tilespmem:$0x1F9D0]  }
0x26f: {  	v22 =	vor.u32 v7, v12  }
0x270: {  	v2 =	vadd.f32 v20, v2;
	v20 =	vmul.f32 v23, v23;
	v23 =	vor.u32 v7, v11;
	_ =	sdelay $0x2  }
0x271: {  	v3 =	vadd.f32 v20, v3;
	[tilespmem:v21+s15+$0x0] =	vst.idx.msk $0xffff, v17;
	v20 =	vmul.f32 v5, v5  }
0x272: {  	v2 =	vadd.f32 v18, v2;
	v18 =	vld.idx.msk [tilespmem:v22+s12+$0x0], $0xffff  }
0x273: {  	v8 =	vadd.f32 v20, v8;
	v20 =	vld.idx.msk [tilespmem:v23+s9+$0x0], $0xffff;
	_ =	sdelay $0x4  }
0x274: {  	v21 =	vmul.f32 v52, v52;
	v18 =	vadd.f32 v20, v18;
	v20 =	vld [tilespmem:$0x1F9F0]  }
0x275: {  	v34 =	vld [tilespmem:$0x1FF10]  }
0x276: {  	v38 =	vld [tilespmem:$0x1FF20];
	v3 =	vadd.f32 v21, v3;
	v21 =	vmul.f32 v49, v49;
	v0 =	vadd.f32 v9, v0  }
0x277: {  	v57 =	vld [tilespmem:$0x1FF90]  }
0x278: {  	v0 =	vadd.f32 v21, v0;
	v21 =	vld [tilespmem:$0x1F9E0]  }
0x279: {  	v60 =	vld [tilespmem:$0x1FFA0];
	v20 =	vmul.f32 v20, v20  }
0x27a: {  	v22 =	vmul.f32 v53, v53  }
0x27b: {  	v0 =	vadd.f32 v20, v0;
	v20 =	vld [tilespmem:$0x1FA20]  }
0x27c: {  	v2 =	vadd.f32 v22, v2;
	v22 =	vmul.f32 v37, v37  }
0x27d: {  	v4 =	vmul.f32 v4, v4;
	v9 =	vsel vm1, v57, v34;
	v21 =	vmul.f32 v21, v21  }
0x27e: {  	v5 =	vsel vm2, v60, v9;
	v9 =	vsel vm1, v57, v38;
	v3 =	vadd.f32 v22, v3;
	v22 =	vld [tilespmem:$0x1FA10]  }
0x27f: {  	v9 =	vsel vm2, v60, v9;
	v23 =	vadd.s32 v5, v10;
	v8 =	vadd.f32 v21, v8;
	v21 =	vld [tilespmem:$0x1FA00]  }
0x280: {  	v12 =	vor.u32 v9, v12;
	v20 =	vmul.f32 v20, v20  }
0x281: {  	v11 =	vor.u32 v9, v11;
	v4 =	vadd.f32 v4, v8;
	v8 =	vld [tilespmem:$0x1FA30]  }
0x282: {  	v0 =	vadd.f32 v20, v0;
	v20 =	vld [tilespmem:$0x1FA40]  }
0x283: {  	v22 =	vmul.f32 v22, v22  }
0x284: {  	v21 =	vmul.f32 v21, v21;
	[tilespmem:v23+s15+$0x0] =	vst.idx.msk $0xffff, v18  }
0x285: {  	v6 =	vmul.f32 v6, v6;
	v3 =	vadd.f32 v22, v3;
	v12 =	vld.idx.msk [tilespmem:v12+s12+$0x0], $0xffff  }
0x286: {  	v11 =	vld.idx.msk [tilespmem:v11+s9+$0x0], $0xffff;
	v2 =	vadd.f32 v21, v2;
	v8 =	vmul.f32 v8, v8  }
0x287: {  	v1 =	vmul.f32 v1, v1;
	v3 =	vadd.f32 v6, v3;
	v20 =	vmul.f32 v20, v20  }
0x288: {  	v2 =	vadd.f32 v8, v2;
	v8 =	vmul.f32 v13, v13  }
0x289: {  	v6 =	vmul.f32 v16, v16;
	v1 =	vadd.f32 v1, v3;
	v4 =	vadd.f32 v20, v4  }
0x28a: {  	v13 =	vmul.f32 v54, v54;
	v0 =	vadd.f32 v8, v0;
	v8 =	vmul.f32 v14, v14  }
0x28b: {  	v3 =	vmul.f32 v15, v15;
	v4 =	vadd.f32 v6, v4;
	v6 =	vadd.f32 v11, v12  }
0x28c: {  	v2 =	vadd.f32 v13, v2;
	v0 =	vadd.f32 v8, v0;
	v8 =	vmul.f32 v18, v18  }
0x28d: {  	v11 =	vmul.f32 v17, v17;
	v12 =	vmul.f32 v6, v6  }
0x28e: {  	v2 =	vadd.f32 v3, v2;
	v1 =	vadd.f32 v8, v1  }
0x28f: {  	v3 =	vadd.f32 v11, v4;
	v0 =	vadd.f32 v12, v0;
	_ =	sdelay $0x1  }
0x290: {  	v2 =	vadd.f32 v3, v2;
	v0 =	vadd.f32 v0, v1;
	_ =	sdelay $0x1  }
0x291: {  	v0 =	vadd.f32 v0, v2;
	_ =	sdelay $0x1  }
0x292: {  	v0 =	vadd.f32 $1.000000000e+00, v0;
	_ =	sdelay $0x1  }
0x293: {  	v62 =	vshrl.u32 v0, $0x1;
	v63 =	vmul.f32 $5.000000000e-01, v0  }
0x294: {  	v1 =	vsub.s32 $0x5F3759DF, v62  }
0x295: {  	v3 =	vmul.f32 v1, v63  }
0x296: {  	v24 =	vld [tilespmem:$0x1FE40]  }
0x297: {  	v28 =	vld [tilespmem:$0x1FE70];
	v3 =	vmul.f32 v1, v3  }
0x298: {  	v29 =	vld [tilespmem:$0x1FE80]  }
0x299: {  	v30 =	vld [tilespmem:$0x1FE90];
	v3 =	vsub.f32 $1.500000000e+00, v3  }
0x29a: {  	v51 =	vld [tilespmem:$0x1FFE0]  }
0x29b: {  	v26 =	vld [tilespmem:$0x1FE60];
	v1 =	vmul.f32 v1, v3  }
0x29c: {  	v55 =	vld [tilespmem:$0x1FFF0]  }
0x29d: {  	v25 =	vld [tilespmem:$0x1FE50];
	v3 =	vmul.f32 v1, v63  }
0x29e: {  	v52 =	vld [tilespmem:$0x1FFC0]  }
0x29f: {  	v49 =	vld [tilespmem:$0x1FFB0];
	v3 =	vmul.f32 v3, v1  }
0x2a0: {  	v53 =	vld [tilespmem:$0x1FFD0]  }
0x2a1: {  	v37 =	vld [tilespmem:$0x1FED0];
	v3 =	vsub.f32 $1.500000000e+00, v3  }
0x2a2: {  	v38 =	vld [tilespmem:$0x1FEE0]  }
0x2a3: {  	v22 =	vld [tilespmem:$0x1FE30];
	v1 =	vmul.f32 v3, v1  }
0x2a4: {  	v11 =	vld [tilespmem:$0x1FF70]  }
0x2a5: {  	v23 =	vld [tilespmem:$0x1FEA0];
	v2 =	vmul.f32 v1, v63  }
0x2a6: {  	v16 =	vld [tilespmem:$0x1FDE0]  }
0x2a7: {  	v21 =	vld [tilespmem:$0x1FE20];
	v2 =	vmul.f32 v2, v1  }
0x2a8: {  	v15 =	vld [tilespmem:$0x1FDD0]  }
0x2a9: {  	v54 =	vld [tilespmem:$0x1FEB0];
	v3 =	vadd.s32 v11, v10;
	v2 =	vsub.f32 $1.500000000e+00, v2  }
0x2aa: {  	p1 =	sne.s32 s25, $0x70;
	v13 =	vld [tilespmem:$0x1FDB0]  }
.Ltmp0:
0x2ab: {  	v14 =	vld [tilespmem:$0x1FDC0];
	v1 =	vmul.f32 v2, v1;
	(pc) =	sbr.rel @p1 .LBB2_3-.Ltmp0, $4  }
0x2ac: {  	v18 =	vld [tilespmem:$0x1FE00]  }
0x2ad: {  	v8 =	vld [tilespmem:$0x1FDA0];
	v0 =	vmul.f32 v1, v0  }
0x2ae: {  	v20 =	vld [tilespmem:$0x1FE10];
	[tilespmem:v3+s15+$0x0] =	vst.idx.msk $0xffff, v6  }
0x2af: {  	s25 =	sadd.s32 $0x10, s25;
	v17 =	vld [tilespmem:$0x1FDF0];
	v6 =	vlaneseq.u32;
	[tilespmem:v10+s15+$0x0] =	vst.idx.msk $0xffff, v0  }
0x2b0: {  	p1 =	sne.s32 s21, $0x63  }
.Ltmp1:
0x2b1: {  	_ = 	snop;
	(pc) =	sbr.rel @p1 .LBB2_6-.Ltmp1, $3  }
0x2b2: {  	s24 =	smul.u32 $0x9, s24;
	_ =	sdelay $0x1  }
0x2b3: {  	s24 =	sadd.s32 s6, s24  }
0x2b4: {  	v4 =	vmovc v9;
	v3 =	vmov v5;
	v2 =	vmov v7;
	v0 =	vmov v27;
	[hbm4b:s24+s3] =	stream.linear.scatter [tilespmem:s15], [sflag:$0x3], $0x2400, $0x38;
	[tilespmem:$0x12C00] =	vst v63  }
.Ltmp2:
0x2b5: {  	(pc) =	sbr.rel .LBB2_7-.Ltmp2, $4  }
0x2b6: {  	_ = 	snop  }
0x2b7: {  	_ =	swait.ge [sflag:s16], $0x2000  }
0x2b8: {  	[sflag:s16] =	ssyncset.done $0x0  }
0x2b9: {  	v54 =	vld [tilespmem:$0x1FF30];
	[sflag:s16] =	ssyncadd.s32 $0xFFFFE000  }
.LBB2_6:
0x2ba: {  	s23 =	sand.u32 $0x3FFFFF00, s23  }
.Ltmp3:
0x2bb: {  	s23 =	sadd.s32 $0x100, s23;
	(pc) =	sbr.rel @p0 .LBB2_8-.Ltmp3, $4  }
0x2bc: {  	[tilespmem:s12], [sflag:$0x1] =	stream.indirect.gather [hbm4b:s4+s11], $0x40, s23, s11, $0xb8;
	[tilespmem:$0x12C00] =	vst v63  }
0x2bd: {  	_ =	swait.ge [sflag:s16], $0x2000  }
0x2be: {  	[sflag:s16] =	ssyncset.done $0x0  }
0x2bf: {  	v54 =	vld [tilespmem:$0x1FF30];
	[sflag:s16] =	ssyncadd.s32 $0xFFFFE000  }
.LBB2_7:
0x2c0: {  	_ =	swait.ge [sflag:s17], $0x2400  }
0x2c1: {  	[sflag:s17] =	ssyncset.done $0x0  }
0x2c2: {  	[sflag:s17] =	ssyncadd.s32 $0xFFFFDC00  }
.LBB2_8:
0x2c3: {  	[tilespmem:$0x1F700] =	vst v58  }
0x2c4: {  	[tilespmem:$0x1F710] =	vst v33  }
0x2c5: {  	[tilespmem:$0x1F720] =	vst v43  }
0x2c6: {  	[tilespmem:$0x1F730] =	vst v48  }
0x2c7: {  	[tilespmem:$0x1F740] =	vst v47  }
0x2c8: {  	[tilespmem:$0x1F750] =	vst v44  }
0x2c9: {  	[tilespmem:$0x1F760] =	vst v45  }
0x2ca: {  	[tilespmem:$0x1F770] =	vst v50  }
0x2cb: {  	[tilespmem:$0x1F780] =	vst v59  }
0x2cc: {  	[tilespmem:$0x1F790] =	vst v0  }
0x2cd: {  	[tilespmem:$0x1F7A0] =	vst v36  }
0x2ce: {  	[tilespmem:$0x1F7B0] =	vst v39  }
0x2cf: {  	[tilespmem:$0x1F7C0] =	vst v19  }
0x2d0: {  	[tilespmem:$0x1F7D0] =	vst v42  }
0x2d1: {  	[tilespmem:$0x1F7E0] =	vst v35  }
0x2d2: {  	[tilespmem:$0x1F7F0] =	vst v31  }
0x2d3: {  	[tilespmem:$0x1F800] =	vst v56  }
0x2d4: {  	[tilespmem:$0x1F810] =	vst v2  }
0x2d5: {  	s22 =	sadd.s32 s2, s22;
	[tilespmem:$0x1F820] =	vst v3  }
0x2d6: {  	[tilespmem:$0x1F830] =	vst v4;
	v5 =	vmov s22  }
0x2d7: {  	s23 =	simm.s32 $0x0;
	[tilespmem:$0x1F6F0] =	vst v5  }
.LBB2_9:
0x2d8: {  	v1 =	vld [tilespmem:$0x1F6F0];
	_ =	sdelay $0x3  }
0x2d9: {  	v0 =	vor.u32 s23, v6  }
0x2da: {  	v1 =	vor.u32 v1, v0  }
0x2db: {  	v2 =	vmulhi.u32 $0x51EB851F, v1;
	_ =	sdelay $0x1  }
0x2dc: {  	v2 =	vshrl.u32 v2, $0x6  }
0x2dd: {  	v2 =	vmul.u32 $0xC8, v2;
	_ =	sdelay $0x1  }
0x2de: {  	v12 =	vshll.u32 v0, $0x6;
	v1 =	vsub.s32 v1, v2  }
0x2df: {  	v32 =	vor.u32 v6, v12;
	v11 =	vshll.u32 v1, $0x6  }
0x2e0: {  	v1 =	vor.u32 v6, v11;
	_ =	sdelay $0x3  }
0x2e1: {  	v2 =	vld.idx.msk [tilespmem:v32+s13+$0x0], $0xffff  }
0x2e2: {  	v10 =	vmul.u32 $0x48, v0;
	v1 =	vld.idx.msk [tilespmem:v1+s9+$0x0], $0xffff;
	_ =	sdelay $0x1  }
0x2e3: {  	v0 =	vadd.s32 v8, v10  }
0x2e4: {  	v3 =	vor.u32 v8, v12  }
0x2e5: {  	v4 =	vor.u32 v8, v11  }
0x2e6: {  	v31 =	vadd.f32 v1, v2;
	_ =	sdelay $0x1  }
0x2e7: {  	[tilespmem:v0+s18+$0x0] =	vst.idx.msk $0xffff, v31  }
0x2e8: {  	v0 =	vld.idx.msk [tilespmem:v3+s13+$0x0], $0xffff  }
0x2e9: {  	v33 =	vld.idx.msk [tilespmem:v4+s9+$0x0], $0xffff;
	_ =	sdelay $0x1  }
0x2ea: {  	v34 =	vadd.s32 v13, v10  }
0x2eb: {  	v35 =	vor.u32 v13, v12  }
0x2ec: {  	v4 =	vor.u32 v13, v11  }
0x2ed: {  	v0 =	vadd.f32 v33, v0;
	_ =	sdelay $0x1  }
0x2ee: {  	[tilespmem:v34+s18+$0x0] =	vst.idx.msk $0xffff, v0  }
0x2ef: {  	[tilespmem:$0x1F680] =	vst v0;
	v0 =	vld.idx.msk [tilespmem:v35+s13+$0x0], $0xffff  }
0x2f0: {  	v36 =	vld.idx.msk [tilespmem:v4+s9+$0x0], $0xffff;
	_ =	sdelay $0x1  }
0x2f1: {  	v37 =	vadd.s32 v14, v10  }
0x2f2: {  	v38 =	vor.u32 v14, v12  }
0x2f3: {  	v4 =	vor.u32 v14, v11  }
0x2f4: {  	v0 =	vadd.f32 v36, v0;
	_ =	sdelay $0x1  }
0x2f5: {  	[tilespmem:v37+s18+$0x0] =	vst.idx.msk $0xffff, v0  }
0x2f6: {  	[tilespmem:$0x1F690] =	vst v0;
	v0 =	vld.idx.msk [tilespmem:v38+s13+$0x0], $0xffff  }
0x2f7: {  	v39 =	vld.idx.msk [tilespmem:v4+s9+$0x0], $0xffff;
	_ =	sdelay $0x1  }
0x2f8: {  	v40 =	vadd.s32 v15, v10  }
0x2f9: {  	v41 =	vor.u32 v15, v12  }
0x2fa: {  	v4 =	vor.u32 v15, v11  }
0x2fb: {  	v0 =	vadd.f32 v39, v0;
	_ =	sdelay $0x1  }
0x2fc: {  	[tilespmem:v40+s18+$0x0] =	vst.idx.msk $0xffff, v0  }
0x2fd: {  	[tilespmem:$0x1F6B0] =	vst v0;
	v0 =	vld.idx.msk [tilespmem:v41+s13+$0x0], $0xffff  }
0x2fe: {  	v42 =	vld.idx.msk [tilespmem:v4+s9+$0x0], $0xffff;
	_ =	sdelay $0x1  }
0x2ff: {  	v43 =	vadd.s32 v16, v10  }
0x300: {  	v44 =	vor.u32 v16, v12  }
0x301: {  	v4 =	vor.u32 v16, v11  }
0x302: {  	v0 =	vadd.f32 v42, v0;
	_ =	sdelay $0x1  }
0x303: {  	[tilespmem:v43+s18+$0x0] =	vst.idx.msk $0xffff, v0  }
0x304: {  	[tilespmem:$0x1F670] =	vst v0;
	v0 =	vld.idx.msk [tilespmem:v44+s13+$0x0], $0xffff  }
0x305: {  	v45 =	vld.idx.msk [tilespmem:v4+s9+$0x0], $0xffff;
	_ =	sdelay $0x1  }
0x306: {  	v46 =	vadd.s32 v17, v10  }
0x307: {  	v47 =	vor.u32 v17, v12  }
0x308: {  	v4 =	vor.u32 v17, v11  }
0x309: {  	v0 =	vadd.f32 v45, v0;
	_ =	sdelay $0x1  }
0x30a: {  	[tilespmem:v46+s18+$0x0] =	vst.idx.msk $0xffff, v0  }
0x30b: {  	[tilespmem:$0x1F6A0] =	vst v0;
	v0 =	vld.idx.msk [tilespmem:v47+s13+$0x0], $0xffff  }
0x30c: {  	v48 =	vld.idx.msk [tilespmem:v4+s9+$0x0], $0xffff;
	_ =	sdelay $0x1  }
0x30d: {  	v50 =	vadd.s32 v18, v10  }
0x30e: {  	v51 =	vor.u32 v18, v12  }
0x30f: {  	v4 =	vor.u32 v18, v11  }
0x310: {  	v0 =	vadd.f32 v48, v0  }
0x311: {  	v56 =	vld [tilespmem:$0x1FA60]  }
0x312: {  	[tilespmem:v50+s18+$0x0] =	vst.idx.msk $0xffff, v0  }
0x313: {  	[tilespmem:$0x1F6C0] =	vst v0;
	v0 =	vld.idx.msk [tilespmem:v51+s13+$0x0], $0xffff  }
0x314: {  	v55 =	vld.idx.msk [tilespmem:v4+s9+$0x0], $0xffff;
	_ =	sdelay $0x1  }
0x315: {  	v57 =	vadd.s32 v56, v10  }
0x316: {  	v4 =	vor.u32 v56, v12  }
0x317: {  	v6 =	vor.u32 v56, v11  }
0x318: {  	v0 =	vadd.f32 v55, v0;
	_ =	sdelay $0x1  }
0x319: {  	[tilespmem:v57+s18+$0x0] =	vst.idx.msk $0xffff, v0  }
0x31a: {  	[tilespmem:$0x1F6D0] =	vst v0;
	v0 =	vld.idx.msk [tilespmem:v4+s13+$0x0], $0xffff  }
0x31b: {  	v58 =	vld.idx.msk [tilespmem:v6+s9+$0x0], $0xffff;
	_ =	sdelay $0x1  }
0x31c: {  	v59 =	vadd.s32 v20, v10  }
0x31d: {  	v4 =	vor.u32 v20, v12  }
0x31e: {  	v6 =	vor.u32 v20, v11  }
0x31f: {  	v0 =	vadd.f32 v58, v0;
	_ =	sdelay $0x1  }
0x320: {  	[tilespmem:v59+s18+$0x0] =	vst.idx.msk $0xffff, v0  }
0x321: {  	[tilespmem:$0x1F6E0] =	vst v0;
	v0 =	vld.idx.msk [tilespmem:v4+s13+$0x0], $0xffff  }
0x322: {  	v60 =	vld.idx.msk [tilespmem:v6+s9+$0x0], $0xffff;
	_ =	sdelay $0x1  }
0x323: {  	v61 =	vadd.s32 v21, v10  }
0x324: {  	v4 =	vor.u32 v21, v12  }
0x325: {  	v6 =	vor.u32 v21, v11  }
0x326: {  	v7 =	vadd.f32 v60, v0;
	_ =	sdelay $0x1  }
0x327: {  	[tilespmem:v61+s18+$0x0] =	vst.idx.msk $0xffff, v7  }
0x328: {  	v62 =	vld.idx.msk [tilespmem:v4+s13+$0x0], $0xffff  }
0x329: {  	v63 =	vld.idx.msk [tilespmem:v6+s9+$0x0], $0xffff;
	_ =	sdelay $0x1  }
0x32a: {  	v32 =	vadd.s32 v22, v10  }
0x32b: {  	v4 =	vor.u32 v22, v12  }
0x32c: {  	v6 =	vor.u32 v22, v11  }
0x32d: {  	v23 =	vadd.f32 v63, v62;
	_ =	sdelay $0x1  }
0x32e: {  	[tilespmem:v32+s18+$0x0] =	vst.idx.msk $0xffff, v23  }
0x32f: {  	v33 =	vld.idx.msk [tilespmem:v4+s13+$0x0], $0xffff  }
0x330: {  	v34 =	vld.idx.msk [tilespmem:v6+s9+$0x0], $0xffff;
	_ =	sdelay $0x1  }
0x331: {  	v35 =	vadd.s32 v24, v10  }
0x332: {  	v4 =	vor.u32 v24, v12  }
0x333: {  	v6 =	vor.u32 v24, v11  }
0x334: {  	v22 =	vadd.f32 v34, v33;
	_ =	sdelay $0x1  }
0x335: {  	[tilespmem:v35+s18+$0x0] =	vst.idx.msk $0xffff, v22  }
0x336: {  	v36 =	vld.idx.msk [tilespmem:v4+s13+$0x0], $0xffff  }
0x337: {  	v37 =	vld.idx.msk [tilespmem:v6+s9+$0x0], $0xffff;
	_ =	sdelay $0x1  }
0x338: {  	v38 =	vadd.s32 v25, v10  }
0x339: {  	v4 =	vor.u32 v25, v12  }
0x33a: {  	v6 =	vor.u32 v25, v11  }
0x33b: {  	v20 =	vadd.f32 v37, v36;
	_ =	sdelay $0x1  }
0x33c: {  	[tilespmem:v38+s18+$0x0] =	vst.idx.msk $0xffff, v20  }
0x33d: {  	v39 =	vld.idx.msk [tilespmem:v4+s13+$0x0], $0xffff  }
0x33e: {  	v40 =	vld.idx.msk [tilespmem:v6+s9+$0x0], $0xffff;
	_ =	sdelay $0x1  }
0x33f: {  	v41 =	vadd.s32 v26, v10  }
0x340: {  	v4 =	vor.u32 v26, v12  }
0x341: {  	v6 =	vor.u32 v26, v11  }
0x342: {  	v13 =	vadd.f32 v40, v39;
	_ =	sdelay $0x1  }
0x343: {  	[tilespmem:v41+s18+$0x0] =	vst.idx.msk $0xffff, v13  }
0x344: {  	v42 =	vld.idx.msk [tilespmem:v4+s13+$0x0], $0xffff  }
0x345: {  	v43 =	vld.idx.msk [tilespmem:v6+s9+$0x0], $0xffff;
	_ =	sdelay $0x1  }
0x346: {  	v44 =	vadd.s32 v28, v10  }
0x347: {  	v4 =	vor.u32 v28, v12  }
0x348: {  	v6 =	vor.u32 v28, v11  }
0x349: {  	v2 =	vadd.f32 v43, v42;
	_ =	sdelay $0x1  }
0x34a: {  	[tilespmem:v44+s18+$0x0] =	vst.idx.msk $0xffff, v2  }
0x34b: {  	v45 =	vld.idx.msk [tilespmem:v4+s13+$0x0], $0xffff  }
0x34c: {  	v46 =	vld.idx.msk [tilespmem:v6+s9+$0x0], $0xffff;
	_ =	sdelay $0x1  }
0x34d: {  	v47 =	vadd.s32 v29, v10  }
0x34e: {  	v4 =	vor.u32 v29, v12  }
0x34f: {  	v6 =	vor.u32 v29, v11  }
0x350: {  	v29 =	vadd.f32 v46, v45;
	_ =	sdelay $0x1  }
0x351: {  	[tilespmem:v47+s18+$0x0] =	vst.idx.msk $0xffff, v29  }
0x352: {  	v48 =	vld.idx.msk [tilespmem:v4+s13+$0x0], $0xffff  }
0x353: {  	v50 =	vld.idx.msk [tilespmem:v6+s9+$0x0], $0xffff;
	_ =	sdelay $0x1  }
0x354: {  	v51 =	vadd.s32 v30, v10  }
0x355: {  	v4 =	vor.u32 v30, v12  }
0x356: {  	v6 =	vor.u32 v30, v11  }
0x357: {  	v32 =	vadd.f32 v50, v48  }
0x358: {  	v5 =	vld [tilespmem:$0x1FA70]  }
0x359: {  	[tilespmem:v51+s18+$0x0] =	vst.idx.msk $0xffff, v32  }
0x35a: {  	v55 =	vld.idx.msk [tilespmem:v4+s13+$0x0], $0xffff  }
0x35b: {  	v56 =	vld.idx.msk [tilespmem:v6+s9+$0x0], $0xffff;
	_ =	sdelay $0x1  }
0x35c: {  	v57 =	vadd.s32 v5, v10  }
0x35d: {  	v4 =	vor.u32 v5, v12  }
0x35e: {  	v6 =	vor.u32 v5, v11  }
0x35f: {  	v33 =	vadd.f32 v56, v55  }
0x360: {  	v5 =	vld [tilespmem:$0x1FA80]  }
0x361: {  	[tilespmem:v57+s18+$0x0] =	vst.idx.msk $0xffff, v33  }
0x362: {  	v58 =	vld.idx.msk [tilespmem:v4+s13+$0x0], $0xffff  }
0x363: {  	v59 =	vld.idx.msk [tilespmem:v6+s9+$0x0], $0xffff;
	_ =	sdelay $0x1  }
0x364: {  	v60 =	vadd.s32 v5, v10  }
0x365: {  	v4 =	vor.u32 v5, v12  }
0x366: {  	v6 =	vor.u32 v5, v11  }
0x367: {  	v34 =	vadd.f32 v59, v58  }
0x368: {  	v5 =	vld [tilespmem:$0x1FA90]  }
0x369: {  	[tilespmem:v60+s18+$0x0] =	vst.idx.msk $0xffff, v34  }
0x36a: {  	v61 =	vld.idx.msk [tilespmem:v4+s13+$0x0], $0xffff  }
0x36b: {  	v62 =	vld.idx.msk [tilespmem:v6+s9+$0x0], $0xffff;
	_ =	sdelay $0x1  }
0x36c: {  	v63 =	vadd.s32 v5, v10  }
0x36d: {  	v4 =	vor.u32 v5, v12  }
0x36e: {  	v6 =	vor.u32 v5, v11  }
0x36f: {  	v40 =	vadd.f32 v62, v61  }
0x370: {  	v5 =	vld [tilespmem:$0x1FAA0]  }
0x371: {  	[tilespmem:v63+s18+$0x0] =	vst.idx.msk $0xffff, v40  }
0x372: {  	v35 =	vld.idx.msk [tilespmem:v4+s13+$0x0], $0xffff  }
0x373: {  	v36 =	vld.idx.msk [tilespmem:v6+s9+$0x0], $0xffff;
	_ =	sdelay $0x1  }
0x374: {  	v37 =	vadd.s32 v5, v10  }
0x375: {  	v4 =	vor.u32 v5, v12  }
0x376: {  	v6 =	vor.u32 v5, v11  }
0x377: {  	v43 =	vadd.f32 v36, v35  }
0x378: {  	v5 =	vld [tilespmem:$0x1FAB0]  }
0x379: {  	[tilespmem:v37+s18+$0x0] =	vst.idx.msk $0xffff, v43  }
0x37a: {  	v38 =	vld.idx.msk [tilespmem:v4+s13+$0x0], $0xffff  }
0x37b: {  	v39 =	vld.idx.msk [tilespmem:v6+s9+$0x0], $0xffff;
	_ =	sdelay $0x1  }
0x37c: {  	v41 =	vadd.s32 v5, v10  }
0x37d: {  	v4 =	vor.u32 v5, v12  }
0x37e: {  	v6 =	vor.u32 v5, v11  }
0x37f: {  	v44 =	vadd.f32 v39, v38  }
0x380: {  	v5 =	vld [tilespmem:$0x1FAC0]  }
0x381: {  	[tilespmem:v41+s18+$0x0] =	vst.idx.msk $0xffff, v44  }
0x382: {  	v45 =	vld.idx.msk [tilespmem:v4+s13+$0x0], $0xffff  }
0x383: {  	v46 =	vld.idx.msk [tilespmem:v6+s9+$0x0], $0xffff;
	_ =	sdelay $0x1  }
0x384: {  	v47 =	vadd.s32 v5, v10  }
0x385: {  	v4 =	vor.u32 v5, v12  }
0x386: {  	v6 =	vor.u32 v5, v11  }
0x387: {  	v50 =	vadd.f32 v46, v45  }
0x388: {  	v9 =	vld [tilespmem:$0x1FAD0]  }
0x389: {  	[tilespmem:v47+s18+$0x0] =	vst.idx.msk $0xffff, v50  }
0x38a: {  	v55 =	vld.idx.msk [tilespmem:v4+s13+$0x0], $0xffff  }
0x38b: {  	v56 =	vld.idx.msk [tilespmem:v6+s9+$0x0], $0xffff;
	_ =	sdelay $0x1  }
0x38c: {  	v57 =	vadd.s32 v9, v10  }
0x38d: {  	v4 =	vor.u32 v9, v12  }
0x38e: {  	v6 =	vor.u32 v9, v11  }
0x38f: {  	v51 =	vadd.f32 v56, v55  }
0x390: {  	v5 =	vld [tilespmem:$0x1FAE0]  }
0x391: {  	[tilespmem:v57+s18+$0x0] =	vst.idx.msk $0xffff, v51  }
0x392: {  	v58 =	vld.idx.msk [tilespmem:v4+s13+$0x0], $0xffff  }
0x393: {  	v59 =	vld.idx.msk [tilespmem:v6+s9+$0x0], $0xffff;
	_ =	sdelay $0x1  }
0x394: {  	v60 =	vadd.s32 v5, v10  }
0x395: {  	v4 =	vor.u32 v5, v12  }
0x396: {  	v6 =	vor.u32 v5, v11  }
0x397: {  	v55 =	vadd.f32 v59, v58;
	_ =	sdelay $0x1  }
0x398: {  	[tilespmem:v60+s18+$0x0] =	vst.idx.msk $0xffff, v55  }
0x399: {  	v61 =	vld.idx.msk [tilespmem:v4+s13+$0x0], $0xffff  }
0x39a: {  	v62 =	vld.idx.msk [tilespmem:v6+s9+$0x0], $0xffff;
	_ =	sdelay $0x1  }
0x39b: {  	v63 =	vadd.s32 v49, v10  }
0x39c: {  	v4 =	vor.u32 v49, v12  }
0x39d: {  	v6 =	vor.u32 v49, v11  }
0x39e: {  	v25 =	vadd.f32 v62, v61;
	_ =	sdelay $0x1  }
0x39f: {  	[tilespmem:v63+s18+$0x0] =	vst.idx.msk $0xffff, v25  }
0x3a0: {  	v35 =	vld.idx.msk [tilespmem:v4+s13+$0x0], $0xffff  }
0x3a1: {  	v36 =	vld.idx.msk [tilespmem:v6+s9+$0x0], $0xffff;
	_ =	sdelay $0x1  }
0x3a2: {  	v37 =	vadd.s32 v52, v10  }
0x3a3: {  	v4 =	vor.u32 v52, v12  }
0x3a4: {  	v6 =	vor.u32 v52, v11  }
0x3a5: {  	v26 =	vadd.f32 v36, v35;
	_ =	sdelay $0x1  }
0x3a6: {  	[tilespmem:v37+s18+$0x0] =	vst.idx.msk $0xffff, v26  }
0x3a7: {  	v38 =	vld.idx.msk [tilespmem:v4+s13+$0x0], $0xffff  }
0x3a8: {  	v39 =	vld.idx.msk [tilespmem:v6+s9+$0x0], $0xffff;
	_ =	sdelay $0x1  }
0x3a9: {  	v41 =	vadd.s32 v53, v10  }
0x3aa: {  	v4 =	vor.u32 v53, v12  }
0x3ab: {  	v6 =	vor.u32 v53, v11  }
0x3ac: {  	v35 =	vadd.f32 v39, v38  }
0x3ad: {  	v5 =	vld [tilespmem:$0x1FC30]  }
0x3ae: {  	[tilespmem:v41+s18+$0x0] =	vst.idx.msk $0xffff, v35  }
0x3af: {  	v42 =	vld.idx.msk [tilespmem:v4+s13+$0x0], $0xffff  }
0x3b0: {  	v45 =	vld.idx.msk [tilespmem:v6+s9+$0x0], $0xffff;
	_ =	sdelay $0x1  }
0x3b1: {  	v46 =	vadd.s32 v5, v10  }
0x3b2: {  	v4 =	vor.u32 v5, v12  }
0x3b3: {  	v6 =	vor.u32 v5, v11  }
0x3b4: {  	v36 =	vadd.f32 v45, v42  }
0x3b5: {  	v5 =	vld [tilespmem:$0x1FC40]  }
0x3b6: {  	[tilespmem:v46+s18+$0x0] =	vst.idx.msk $0xffff, v36  }
0x3b7: {  	v47 =	vld.idx.msk [tilespmem:v4+s13+$0x0], $0xffff  }
0x3b8: {  	v48 =	vld.idx.msk [tilespmem:v6+s9+$0x0], $0xffff;
	_ =	sdelay $0x1  }
0x3b9: {  	v49 =	vadd.s32 v5, v10  }
0x3ba: {  	v4 =	vor.u32 v5, v12  }
0x3bb: {  	v6 =	vor.u32 v5, v11  }
0x3bc: {  	v37 =	vadd.f32 v48, v47  }
0x3bd: {  	v5 =	vld [tilespmem:$0x1FC50]  }
0x3be: {  	[tilespmem:v49+s18+$0x0] =	vst.idx.msk $0xffff, v37  }
0x3bf: {  	v52 =	vld.idx.msk [tilespmem:v4+s13+$0x0], $0xffff  }
0x3c0: {  	v53 =	vld.idx.msk [tilespmem:v6+s9+$0x0], $0xffff;
	_ =	sdelay $0x1  }
0x3c1: {  	v56 =	vadd.s32 v5, v10  }
0x3c2: {  	v4 =	vor.u32 v5, v12  }
0x3c3: {  	v6 =	vor.u32 v5, v11  }
0x3c4: {  	v41 =	vadd.f32 v53, v52  }
0x3c5: {  	v5 =	vld [tilespmem:$0x1FC60]  }
0x3c6: {  	[tilespmem:v56+s18+$0x0] =	vst.idx.msk $0xffff, v41  }
0x3c7: {  	v57 =	vld.idx.msk [tilespmem:v4+s13+$0x0], $0xffff  }
0x3c8: {  	v58 =	vld.idx.msk [tilespmem:v6+s9+$0x0], $0xffff;
	_ =	sdelay $0x1  }
0x3c9: {  	v59 =	vadd.s32 v5, v10  }
0x3ca: {  	v4 =	vor.u32 v5, v12  }
0x3cb: {  	v6 =	vor.u32 v5, v11  }
0x3cc: {  	v9 =	vadd.f32 v58, v57  }
0x3cd: {  	v5 =	vld [tilespmem:$0x1FFE0]  }
0x3ce: {  	[tilespmem:v59+s18+$0x0] =	vst.idx.msk $0xffff, v9  }
0x3cf: {  	v60 =	vld.idx.msk [tilespmem:v4+s13+$0x0], $0xffff  }
0x3d0: {  	v61 =	vld.idx.msk [tilespmem:v6+s9+$0x0], $0xffff;
	_ =	sdelay $0x1  }
0x3d1: {  	v62 =	vadd.s32 v5, v10  }
0x3d2: {  	v4 =	vor.u32 v5, v12  }
0x3d3: {  	v6 =	vor.u32 v5, v11  }
0x3d4: {  	v48 =	vadd.f32 v61, v60  }
0x3d5: {  	v5 =	vld [tilespmem:$0x1FFF0]  }
0x3d6: {  	[tilespmem:v62+s18+$0x0] =	vst.idx.msk $0xffff, v48  }
0x3d7: {  	v63 =	vld.idx.msk [tilespmem:v4+s13+$0x0], $0xffff  }
0x3d8: {  	v38 =	vld.idx.msk [tilespmem:v6+s9+$0x0], $0xffff;
	_ =	sdelay $0x1  }
0x3d9: {  	v39 =	vadd.s32 v5, v10  }
0x3da: {  	v4 =	vor.u32 v5, v12  }
0x3db: {  	v6 =	vor.u32 v5, v11  }
0x3dc: {  	v49 =	vadd.f32 v38, v63  }
0x3dd: {  	v5 =	vld [tilespmem:$0x1FC70]  }
0x3de: {  	[tilespmem:v39+s18+$0x0] =	vst.idx.msk $0xffff, v49  }
0x3df: {  	v42 =	vld.idx.msk [tilespmem:v4+s13+$0x0], $0xffff  }
0x3e0: {  	v45 =	vld.idx.msk [tilespmem:v6+s9+$0x0], $0xffff;
	_ =	sdelay $0x1  }
0x3e1: {  	v46 =	vadd.s32 v5, v10  }
0x3e2: {  	v4 =	vor.u32 v5, v12  }
0x3e3: {  	v6 =	vor.u32 v5, v11  }
0x3e4: {  	v52 =	vadd.f32 v45, v42  }
0x3e5: {  	v5 =	vld [tilespmem:$0x1FC80]  }
0x3e6: {  	[tilespmem:v46+s18+$0x0] =	vst.idx.msk $0xffff, v52  }
0x3e7: {  	v47 =	vld.idx.msk [tilespmem:v4+s13+$0x0], $0xffff  }
0x3e8: {  	v53 =	vld.idx.msk [tilespmem:v6+s9+$0x0], $0xffff;
	_ =	sdelay $0x1  }
0x3e9: {  	v56 =	vadd.s32 v5, v10  }
0x3ea: {  	v4 =	vor.u32 v5, v12  }
0x3eb: {  	v6 =	vor.u32 v5, v11  }
0x3ec: {  	v53 =	vadd.f32 v53, v47  }
0x3ed: {  	v5 =	vld [tilespmem:$0x1FC90]  }
0x3ee: {  	[tilespmem:v56+s18+$0x0] =	vst.idx.msk $0xffff, v53  }
0x3ef: {  	v57 =	vld.idx.msk [tilespmem:v4+s13+$0x0], $0xffff  }
0x3f0: {  	v58 =	vld.idx.msk [tilespmem:v6+s9+$0x0], $0xffff;
	_ =	sdelay $0x1  }
0x3f1: {  	v59 =	vadd.s32 v5, v10  }
0x3f2: {  	v4 =	vor.u32 v5, v12  }
0x3f3: {  	v6 =	vor.u32 v5, v11  }
0x3f4: {  	v60 =	vadd.f32 v58, v57  }
0x3f5: {  	v5 =	vld [tilespmem:$0x1FCA0]  }
0x3f6: {  	[tilespmem:v59+s18+$0x0] =	vst.idx.msk $0xffff, v60  }
0x3f7: {  	v62 =	vld.idx.msk [tilespmem:v4+s13+$0x0], $0xffff  }
0x3f8: {  	v63 =	vld.idx.msk [tilespmem:v6+s9+$0x0], $0xffff;
	_ =	sdelay $0x1  }
0x3f9: {  	v38 =	vadd.s32 v5, v10  }
0x3fa: {  	v4 =	vor.u32 v5, v12  }
0x3fb: {  	v6 =	vor.u32 v5, v11  }
0x3fc: {  	v62 =	vadd.f32 v63, v62  }
0x3fd: {  	v5 =	vld [tilespmem:$0x1FCB0]  }
0x3fe: {  	[tilespmem:v38+s18+$0x0] =	vst.idx.msk $0xffff, v62  }
0x3ff: {  	v39 =	vld.idx.msk [tilespmem:v4+s13+$0x0], $0xffff  }
0x400: {  	v42 =	vld.idx.msk [tilespmem:v6+s9+$0x0], $0xffff;
	_ =	sdelay $0x1  }
0x401: {  	v45 =	vadd.s32 v5, v10  }
0x402: {  	v4 =	vor.u32 v5, v12  }
0x403: {  	v6 =	vor.u32 v5, v11  }
0x404: {  	v57 =	vadd.f32 v42, v39  }
0x405: {  	v5 =	vld [tilespmem:$0x1FCC0]  }
0x406: {  	[tilespmem:v45+s18+$0x0] =	vst.idx.msk $0xffff, v57  }
0x407: {  	v46 =	vld.idx.msk [tilespmem:v4+s13+$0x0], $0xffff  }
0x408: {  	v47 =	vld.idx.msk [tilespmem:v6+s9+$0x0], $0xffff;
	_ =	sdelay $0x1  }
0x409: {  	v56 =	vadd.s32 v5, v10  }
0x40a: {  	v4 =	vor.u32 v5, v12  }
0x40b: {  	v6 =	vor.u32 v5, v11  }
0x40c: {  	v0 =	vadd.f32 v47, v46  }
0x40d: {  	v5 =	vld [tilespmem:$0x1FCD0]  }
0x40e: {  	[tilespmem:v56+s18+$0x0] =	vst.idx.msk $0xffff, v0  }
0x40f: {  	v58 =	vld.idx.msk [tilespmem:v4+s13+$0x0], $0xffff  }
0x410: {  	v3 =	vld.idx.msk [tilespmem:v6+s9+$0x0], $0xffff;
	_ =	sdelay $0x1  }
0x411: {  	v4 =	vadd.s32 v5, v10  }
0x412: {  	v6 =	vor.u32 v5, v12  }
0x413: {  	v8 =	vor.u32 v5, v11  }
0x414: {  	v63 =	vadd.f32 v3, v58  }
0x415: {  	v5 =	vld [tilespmem:$0x1FCE0]  }
0x416: {  	[tilespmem:v4+s18+$0x0] =	vst.idx.msk $0xffff, v63  }
0x417: {  	v59 =	vld.idx.msk [tilespmem:v6+s13+$0x0], $0xffff  }
0x418: {  	v61 =	vld.idx.msk [tilespmem:v8+s9+$0x0], $0xffff;
	_ =	sdelay $0x1  }
0x419: {  	v4 =	vadd.s32 v5, v10  }
0x41a: {  	v6 =	vor.u32 v5, v12  }
0x41b: {  	v8 =	vor.u32 v5, v11  }
0x41c: {  	v39 =	vadd.f32 v61, v59  }
0x41d: {  	v5 =	vld [tilespmem:$0x1FCF0]  }
0x41e: {  	[tilespmem:v4+s18+$0x0] =	vst.idx.msk $0xffff, v39  }
0x41f: {  	v38 =	vld.idx.msk [tilespmem:v6+s13+$0x0], $0xffff  }
0x420: {  	v42 =	vld.idx.msk [tilespmem:v8+s9+$0x0], $0xffff;
	_ =	sdelay $0x1  }
0x421: {  	v4 =	vadd.s32 v5, v10  }
0x422: {  	v6 =	vor.u32 v5, v12  }
0x423: {  	v8 =	vor.u32 v5, v11  }
0x424: {  	v47 =	vadd.f32 v42, v38  }
0x425: {  	v5 =	vld [tilespmem:$0x1FD00]  }
0x426: {  	[tilespmem:v4+s18+$0x0] =	vst.idx.msk $0xffff, v47  }
0x427: {  	v45 =	vld.idx.msk [tilespmem:v6+s13+$0x0], $0xffff  }
0x428: {  	v46 =	vld.idx.msk [tilespmem:v8+s9+$0x0], $0xffff;
	_ =	sdelay $0x1  }
0x429: {  	v4 =	vadd.s32 v5, v10  }
0x42a: {  	v6 =	vor.u32 v5, v12  }
0x42b: {  	v8 =	vor.u32 v5, v11  }
0x42c: {  	v45 =	vadd.f32 v46, v45  }
0x42d: {  	v5 =	vld [tilespmem:$0x1FD10]  }
0x42e: {  	[tilespmem:v4+s18+$0x0] =	vst.idx.msk $0xffff, v45  }
0x42f: {  	v56 =	vld.idx.msk [tilespmem:v6+s13+$0x0], $0xffff  }
0x430: {  	v58 =	vld.idx.msk [tilespmem:v8+s9+$0x0], $0xffff;
	_ =	sdelay $0x1  }
0x431: {  	v4 =	vadd.s32 v5, v10  }
0x432: {  	v6 =	vor.u32 v5, v12  }
0x433: {  	v8 =	vor.u32 v5, v11  }
0x434: {  	v1 =	vadd.f32 v58, v56  }
0x435: {  	v5 =	vld [tilespmem:$0x1FD20]  }
0x436: {  	[tilespmem:v4+s18+$0x0] =	vst.idx.msk $0xffff, v1  }
0x437: {  	v59 =	vld.idx.msk [tilespmem:v6+s13+$0x0], $0xffff  }
0x438: {  	v4 =	vld.idx.msk [tilespmem:v8+s9+$0x0], $0xffff;
	_ =	sdelay $0x1  }
0x439: {  	v6 =	vadd.s32 v5, v10  }
0x43a: {  	v8 =	vor.u32 v5, v12  }
0x43b: {  	v14 =	vor.u32 v5, v11  }
0x43c: {  	v3 =	vadd.f32 v4, v59  }
0x43d: {  	v5 =	vld [tilespmem:$0x1FD30]  }
0x43e: {  	[tilespmem:v6+s18+$0x0] =	vst.idx.msk $0xffff, v3  }
0x43f: {  	v4 =	vld.idx.msk [tilespmem:v8+s13+$0x0], $0xffff  }
0x440: {  	v6 =	vld.idx.msk [tilespmem:v14+s9+$0x0], $0xffff;
	_ =	sdelay $0x1  }
0x441: {  	v8 =	vadd.s32 v5, v10  }
0x442: {  	v14 =	vor.u32 v5, v12  }
0x443: {  	v15 =	vor.u32 v5, v11  }
0x444: {  	v4 =	vadd.f32 v6, v4  }
0x445: {  	v5 =	vld [tilespmem:$0x1FD40]  }
0x446: {  	[tilespmem:v8+s18+$0x0] =	vst.idx.msk $0xffff, v4  }
0x447: {  	v6 =	vld.idx.msk [tilespmem:v14+s13+$0x0], $0xffff  }
0x448: {  	v8 =	vld.idx.msk [tilespmem:v15+s9+$0x0], $0xffff;
	_ =	sdelay $0x1  }
0x449: {  	v16 =	vor.u32 v5, v11;
	v14 =	vadd.s32 v5, v10;
	v15 =	vor.u32 v5, v12;
	v5 =	vld [tilespmem:$0x1FD50];
	_ =	sdelay $0x2  }
0x44a: {  	v59 =	vadd.f32 v8, v6;
	_ =	sdelay $0x1  }
0x44b: {  	[tilespmem:v14+s18+$0x0] =	vst.idx.msk $0xffff, v59;
	v14 =	vadd.s32 v5, v10;
	v5 =	vld [tilespmem:$0x1FB00]  }
0x44c: {  	v6 =	vld.idx.msk [tilespmem:v15+s13+$0x0], $0xffff  }
0x44d: {  	v8 =	vld.idx.msk [tilespmem:v16+s9+$0x0], $0xffff;
	_ =	sdelay $0x2  }
0x44e: {  	v15 =	vor.u32 v5, v12  }
0x44f: {  	v16 =	vor.u32 v5, v11;
	v5 =	vld [tilespmem:$0x1FD70]  }
0x450: {  	v8 =	vadd.f32 v8, v6;
	_ =	sdelay $0x1  }
0x451: {  	[tilespmem:v14+s18+$0x0] =	vst.idx.msk $0xffff, v8  }
0x452: {  	v6 =	vld.idx.msk [tilespmem:v15+s13+$0x0], $0xffff  }
0x453: {  	v15 =	vadd.s32 v5, v10;
	v5 =	vld [tilespmem:$0x1F700];
	_ =	sdelay $0x1  }
0x454: {  	v14 =	vld.idx.msk [tilespmem:v16+s9+$0x0], $0xffff;
	_ =	sdelay $0x2  }
0x455: {  	v16 =	vor.u32 v5, v12  }
0x456: {  	v17 =	vor.u32 v5, v11;
	v5 =	vld [tilespmem:$0x1F840]  }
0x457: {  	v6 =	vadd.f32 v14, v6;
	_ =	sdelay $0x1  }
0x458: {  	[tilespmem:v15+s18+$0x0] =	vst.idx.msk $0xffff, v6  }
0x459: {  	v14 =	vld.idx.msk [tilespmem:v16+s13+$0x0], $0xffff  }
0x45a: {  	v16 =	vadd.s32 v5, v10;
	v5 =	vld [tilespmem:$0x1F710];
	_ =	sdelay $0x1  }
0x45b: {  	v15 =	vld.idx.msk [tilespmem:v17+s9+$0x0], $0xffff;
	_ =	sdelay $0x2  }
0x45c: {  	v17 =	vor.u32 v5, v12  }
0x45d: {  	v18 =	vor.u32 v5, v11  }
0x45e: {  	v27 =	vadd.f32 v15, v14  }
0x45f: {  	v5 =	vld [tilespmem:$0x1F850]  }
0x460: {  	[tilespmem:v16+s18+$0x0] =	vst.idx.msk $0xffff, v27  }
0x461: {  	v14 =	vld.idx.msk [tilespmem:v17+s13+$0x0], $0xffff  }
0x462: {  	v15 =	vld.idx.msk [tilespmem:v18+s9+$0x0], $0xffff;
	_ =	sdelay $0x1  }
0x463: {  	v16 =	vadd.s32 v5, v10  }
0x464: {  	v17 =	vor.u32 v54, v12  }
0x465: {  	v5 =	vld [tilespmem:$0x1F860]  }
0x466: {  	v14 =	vadd.f32 v15, v14;
	_ =	sdelay $0x1  }
0x467: {  	v18 =	vor.u32 v54, v11;
	[tilespmem:v16+s18+$0x0] =	vst.idx.msk $0xffff, v14  }
0x468: {  	v15 =	vld.idx.msk [tilespmem:v17+s13+$0x0], $0xffff  }
0x469: {  	v17 =	vadd.s32 v5, v10;
	v5 =	vld [tilespmem:$0x1F720];
	_ =	sdelay $0x2  }
0x46a: {  	v16 =	vld.idx.msk [tilespmem:v18+s9+$0x0], $0xffff;
	_ =	sdelay $0x1  }
0x46b: {  	v18 =	vor.u32 v5, v12;
	v21 =	vor.u32 v5, v11;
	v5 =	vld [tilespmem:$0x1F870];
	_ =	sdelay $0x2  }
0x46c: {  	v54 =	vadd.f32 v16, v15;
	_ =	sdelay $0x1  }
0x46d: {  	[tilespmem:v17+s18+$0x0] =	vst.idx.msk $0xffff, v54;
	v17 =	vadd.s32 v5, v10;
	v5 =	vld [tilespmem:$0x1F730]  }
0x46e: {  	v15 =	vld.idx.msk [tilespmem:v18+s13+$0x0], $0xffff  }
0x46f: {  	v16 =	vld.idx.msk [tilespmem:v21+s9+$0x0], $0xffff;
	_ =	sdelay $0x2  }
0x470: {  	v18 =	vor.u32 v5, v12  }
0x471: {  	v21 =	vor.u32 v5, v11;
	v5 =	vld [tilespmem:$0x1F880]  }
0x472: {  	v15 =	vadd.f32 v16, v15;
	_ =	sdelay $0x1  }
0x473: {  	[tilespmem:v17+s18+$0x0] =	vst.idx.msk $0xffff, v15  }
0x474: {  	v16 =	vld.idx.msk [tilespmem:v18+s13+$0x0], $0xffff  }
0x475: {  	v18 =	vadd.s32 v5, v10;
	v5 =	vld [tilespmem:$0x1F740];
	_ =	sdelay $0x1  }
0x476: {  	v17 =	vld.idx.msk [tilespmem:v21+s9+$0x0], $0xffff;
	_ =	sdelay $0x2  }
0x477: {  	v21 =	vor.u32 v5, v12  }
0x478: {  	v38 =	vor.u32 v5, v11;
	v5 =	vld [tilespmem:$0x1F750]  }
0x479: {  	v16 =	vadd.f32 v17, v16;
	_ =	sdelay $0x1  }
0x47a: {  	[tilespmem:v18+s18+$0x0] =	vst.idx.msk $0xffff, v16  }
0x47b: {  	v17 =	vld.idx.msk [tilespmem:v21+s13+$0x0], $0xffff  }
0x47c: {  	v21 =	vadd.s32 v5, v10;
	v5 =	vld [tilespmem:$0x1F760];
	_ =	sdelay $0x2  }
0x47d: {  	v18 =	vld.idx.msk [tilespmem:v38+s9+$0x0], $0xffff;
	_ =	sdelay $0x1  }
0x47e: {  	v61 =	vor.u32 v5, v12;
	v42 =	vor.u32 v5, v11;
	v5 =	vld [tilespmem:$0x1F770];
	_ =	sdelay $0x2  }
0x47f: {  	v58 =	vadd.f32 v18, v17;
	_ =	sdelay $0x1  }
0x480: {  	[tilespmem:v21+s18+$0x0] =	vst.idx.msk $0xffff, v58;
	v21 =	vadd.s32 v5, v10;
	v5 =	vld [tilespmem:$0x1F780]  }
0x481: {  	v17 =	vld.idx.msk [tilespmem:v61+s13+$0x0], $0xffff  }
0x482: {  	v18 =	vld.idx.msk [tilespmem:v42+s9+$0x0], $0xffff;
	_ =	sdelay $0x2  }
0x483: {  	v46 =	vor.u32 v5, v12  }
0x484: {  	v56 =	vor.u32 v5, v11;
	v5 =	vld [tilespmem:$0x1F790]  }
0x485: {  	v17 =	vadd.f32 v18, v17;
	_ =	sdelay $0x1  }
0x486: {  	v24 =	vld [tilespmem:$0x1F7C0];
	[tilespmem:v21+s18+$0x0] =	vst.idx.msk $0xffff, v17  }
0x487: {  	v18 =	vld.idx.msk [tilespmem:v46+s13+$0x0], $0xffff  }
0x488: {  	v61 =	vadd.s32 v5, v10;
	v5 =	vld [tilespmem:$0x1F7A0]  }
0x489: {  	v21 =	vld.idx.msk [tilespmem:v56+s9+$0x0], $0xffff;
	_ =	sdelay $0x1  }
0x48a: {  	v42 =	vor.u32 v24, v12;
	v46 =	vmul.f32 v31, v31;
	v31 =	vor.u32 v24, v11;
	v24 =	vld [tilespmem:$0x1F690];
	_ =	sdelay $0x1  }
0x48b: {  	v56 =	vor.u32 v5, v12  }
0x48c: {  	v19 =	vor.u32 v5, v11;
	v38 =	vadd.f32 v21, v18;
	_ =	sdelay $0x1  }
0x48d: {  	[tilespmem:v61+s18+$0x0] =	vst.idx.msk $0xffff, v38;
	v61 =	vmul.f32 v24, v24;
	v24 =	vld [tilespmem:$0x1F6A0];
	_ =	sdelay $0x1  }
0x48e: {  	v18 =	vld.idx.msk [tilespmem:v56+s13+$0x0], $0xffff  }
0x48f: {  	v19 =	vld.idx.msk [tilespmem:v19+s9+$0x0], $0xffff;
	_ =	sdelay $0x1  }
0x490: {  	v28 =	vmul.f32 v24, v24;
	v24 =	vld [tilespmem:$0x1F6C0]  }
0x491: {  	v5 =	vld [tilespmem:$0x1F7B0];
	_ =	sdelay $0x1  }
0x492: {  	v18 =	vadd.f32 v19, v18;
	v19 =	vld [tilespmem:$0x1F680];
	_ =	sdelay $0x1  }
0x493: {  	v30 =	vmul.f32 v24, v24;
	v24 =	vld [tilespmem:$0x1F6D0]  }
0x494: {  	v21 =	vadd.s32 v5, v10;
	_ =	sdelay $0x1  }
0x495: {  	v5 =	vld [tilespmem:$0x1F670];
	v19 =	vmul.f32 v19, v19;
	_ =	sdelay $0x1  }
0x496: {  	v19 =	vadd.f32 v28, v19;
	v28 =	vmul.f32 v24, v24;
	v24 =	vld [tilespmem:$0x1F6E0]  }
0x497: {  	[tilespmem:v21+s18+$0x0] =	vst.idx.msk $0xffff, v18;
	v21 =	vld [tilespmem:$0x1F6B0];
	_ =	sdelay $0x1  }
0x498: {  	v5 =	vmul.f32 v5, v5;
	_ =	sdelay $0x1  }
0x499: {  	v5 =	vadd.f32 v5, v46;
	v24 =	vmul.f32 v24, v24  }
0x49a: {  	v21 =	vmul.f32 v21, v21  }
0x49b: {  	v5 =	vadd.f32 v24, v5;
	v24 =	vld [tilespmem:$0x1F7D0]  }
0x49c: {  	v21 =	vadd.f32 v28, v21;
	v28 =	vld [tilespmem:$0x1FC00]  }
0x49d: {  	v42 =	vld.idx.msk [tilespmem:v42+s13+$0x0], $0xffff  }
0x49e: {  	v23 =	vmul.f32 v23, v23;
	v22 =	vmul.f32 v22, v22;
	v31 =	vld.idx.msk [tilespmem:v31+s9+$0x0], $0xffff  }
0x49f: {  	v20 =	vmul.f32 v20, v20;
	v13 =	vmul.f32 v13, v13  }
0x4a0: {  	v46 =	vmul.f32 v7, v7;
	v30 =	vadd.f32 v30, v61;
	v24 =	vadd.s32 v24, v10  }
0x4a1: {  	v2 =	vmul.f32 v2, v2;
	v21 =	vadd.f32 v22, v21;
	v22 =	vor.u32 v28, v12  }
0x4a2: {  	v23 =	vadd.f32 v23, v30;
	v19 =	vadd.f32 v46, v19;
	v28 =	vor.u32 v28, v11  }
0x4a3: {  	v29 =	vmul.f32 v29, v29;
	v5 =	vadd.f32 v20, v5;
	v20 =	vadd.f32 v31, v42  }
0x4a4: {  	v13 =	vadd.f32 v13, v19;
	v19 =	vmul.f32 v32, v32  }
0x4a5: {  	v2 =	vadd.f32 v2, v23;
	v21 =	vadd.f32 v29, v21;
	[tilespmem:v24+s18+$0x0] =	vst.idx.msk $0xffff, v20  }
0x4a6: {  	v5 =	vadd.f32 v19, v5;
	v19 =	vmul.f32 v34, v34;
	v24 =	vmul.f32 v40, v40;
	v22 =	vld.idx.msk [tilespmem:v22+s13+$0x0], $0xffff  }
0x4a7: {  	v23 =	vmul.f32 v33, v33;
	v28 =	vld.idx.msk [tilespmem:v28+s9+$0x0], $0xffff  }
0x4a8: {  	v2 =	vadd.f32 v19, v2;
	v19 =	vadd.f32 v24, v21;
	v21 =	vmul.f32 v50, v50  }
0x4a9: {  	v13 =	vadd.f32 v23, v13;
	v23 =	vmul.f32 v43, v43;
	v29 =	vmul.f32 v44, v44  }
0x4aa: {  	v2 =	vadd.f32 v21, v2;
	v21 =	vmul.f32 v51, v51  }
0x4ab: {  	v13 =	vadd.f32 v29, v13;
	v29 =	vmul.f32 v55, v55;
	v5 =	vadd.f32 v23, v5;
	v23 =	vld [tilespmem:$0x1F7E0]  }
0x4ac: {  	v30 =	vld [tilespmem:$0x1F7F0];
	v19 =	vadd.f32 v21, v19;
	v21 =	vadd.f32 v28, v22;
	v22 =	vmul.f32 v26, v26;
	_ =	sdelay $0x1  }
0x4ad: {  	v5 =	vadd.f32 v29, v5;
	v2 =	vadd.f32 v22, v2;
	v22 =	vmul.f32 v36, v36  }
0x4ae: {  	v25 =	vmul.f32 v25, v25  }
0x4af: {  	v23 =	vadd.s32 v23, v10;
	v5 =	vadd.f32 v22, v5;
	v22 =	vmul.f32 v9, v9;
	v9 =	vld [tilespmem:$0x1F800]  }
0x4b0: {  	v13 =	vadd.f32 v25, v13;
	v25 =	vmul.f32 v35, v35;
	v24 =	vor.u32 v30, v12  }
0x4b1: {  	v30 =	vor.u32 v30, v11  }
0x4b2: {  	v19 =	vadd.f32 v25, v19;
	_ =	sdelay $0x1  }
0x4b3: {  	[tilespmem:v23+s18+$0x0] =	vst.idx.msk $0xffff, v21;
	v19 =	vadd.f32 v22, v19;
	v22 =	vadd.s32 v9, v10;
	v9 =	vld [tilespmem:$0x1F810]  }
0x4b4: {  	v23 =	vmul.f32 v37, v37;
	v24 =	vld.idx.msk [tilespmem:v24+s13+$0x0], $0xffff  }
0x4b5: {  	v0 =	vmul.f32 v0, v0;
	v25 =	vmul.f32 v41, v41;
	v28 =	vld.idx.msk [tilespmem:v30+s9+$0x0], $0xffff  }
0x4b6: {  	v1 =	vmul.f32 v1, v1;
	v13 =	vadd.f32 v23, v13;
	v23 =	vmul.f32 v49, v49  }
0x4b7: {  	v3 =	vmul.f32 v3, v3;
	v26 =	vmul.f32 v48, v48;
	v2 =	vadd.f32 v25, v2  }
0x4b8: {  	v13 =	vadd.f32 v23, v13;
	v23 =	vmul.f32 v52, v52;
	v25 =	vor.u32 v9, v12  }
0x4b9: {  	v4 =	vmul.f32 v4, v4;
	v5 =	vadd.f32 v26, v5;
	v30 =	vor.u32 v9, v11  }
0x4ba: {  	v26 =	vmul.f32 v53, v53;
	v2 =	vadd.f32 v23, v2;
	v23 =	vadd.f32 v28, v24  }
0x4bb: {  	v29 =	vmul.f32 v60, v60;
	v24 =	vmul.f32 v62, v62;
	v9 =	vld [tilespmem:$0x1F820]  }
0x4bc: {  	v7 =	vld [tilespmem:$0x1F830];
	v19 =	vadd.f32 v26, v19;
	[tilespmem:v22+s18+$0x0] =	vst.idx.msk $0xffff, v23;
	v22 =	vmul.f32 v57, v57  }
0x4bd: {  	v5 =	vadd.f32 v29, v5;
	v13 =	vadd.f32 v24, v13;
	v24 =	vmul.f32 v63, v63;
	v25 =	vld.idx.msk [tilespmem:v25+s13+$0x0], $0xffff  }
0x4be: {  	v0 =	vadd.f32 v0, v19;
	v19 =	vmul.f32 v47, v47;
	v2 =	vadd.f32 v22, v2;
	v22 =	vld.idx.msk [tilespmem:v30+s9+$0x0], $0xffff  }
0x4bf: {  	v8 =	vmul.f32 v8, v8;
	v26 =	vmul.f32 v39, v39;
	v5 =	vadd.f32 v24, v5  }
0x4c0: {  	v24 =	vmul.f32 v45, v45;
	v2 =	vadd.f32 v19, v2;
	v19 =	vadd.s32 v9, v10  }
0x4c1: {  	v6 =	vmul.f32 v6, v6;
	v13 =	vadd.f32 v26, v13;
	v12 =	vor.u32 v7, v12  }
0x4c2: {  	v0 =	vadd.f32 v24, v0;
	v1 =	vadd.f32 v1, v5;
	v5 =	vor.u32 v7, v11  }
0x4c3: {  	v3 =	vadd.f32 v3, v13;
	v13 =	vmul.f32 v27, v27;
	v11 =	vadd.f32 v22, v25  }
0x4c4: {  	v1 =	vadd.f32 v8, v1;
	v2 =	vadd.f32 v4, v2;
	v4 =	vmul.f32 v59, v59  }
0x4c5: {  	v3 =	vadd.f32 v6, v3;
	v6 =	vmul.f32 v54, v54;
	[tilespmem:v19+s18+$0x0] =	vst.idx.msk $0xffff, v11  }
0x4c6: {  	v0 =	vadd.f32 v4, v0;
	v4 =	vmul.f32 v14, v14;
	v8 =	vld.idx.msk [tilespmem:v12+s13+$0x0], $0xffff  }
0x4c7: {  	v1 =	vadd.f32 v6, v1;
	v2 =	vadd.f32 v13, v2;
	v5 =	vld.idx.msk [tilespmem:v5+s9+$0x0], $0xffff  }
0x4c8: {  	v13 =	vmul.f32 v17, v17;
	v0 =	vadd.f32 v4, v0;
	v4 =	vmul.f32 v15, v15  }
0x4c9: {  	v6 =	vmul.f32 v58, v58;
	v12 =	vmul.f32 v16, v16  }
0x4ca: {  	v1 =	vadd.f32 v13, v1;
	v3 =	vadd.f32 v4, v3;
	v4 =	vmul.f32 v38, v38  }
0x4cb: {  	v0 =	vadd.f32 v6, v0;
	v6 =	vmul.f32 v18, v18;
	v2 =	vadd.f32 v12, v2  }
0x4cc: {  	v3 =	vadd.f32 v4, v3;
	v4 =	vadd.f32 v5, v8;
	v5 =	vmul.f32 v20, v20  }
0x4cd: {  	v2 =	vadd.f32 v6, v2;
	v6 =	vmul.f32 v21, v21;
	v8 =	vmul.f32 v23, v23  }
0x4ce: {  	v0 =	vadd.f32 v5, v0;
	v5 =	vmul.f32 v11, v11;
	v11 =	vmul.f32 v4, v4  }
0x4cf: {  	v1 =	vadd.f32 v6, v1;
	v3 =	vadd.f32 v8, v3  }
0x4d0: {  	v2 =	vadd.f32 v5, v2;
	v0 =	vadd.f32 v11, v0;
	_ =	sdelay $0x1  }
0x4d1: {  	v1 =	vadd.f32 v3, v1;
	v0 =	vadd.f32 v0, v2;
	_ =	sdelay $0x1  }
0x4d2: {  	v0 =	vadd.f32 v0, v1;
	_ =	sdelay $0x1  }
0x4d3: {  	v0 =	vadd.f32 $1.000000000e+00, v0;
	_ =	sdelay $0x1  }
0x4d4: {  	v60 =	vshrl.u32 v0, $0x1;
	v61 =	vmul.f32 $5.000000000e-01, v0  }
0x4d5: {  	v1 =	vsub.s32 $0x5F3759DF, v60  }
0x4d6: {  	v62 =	vmul.f32 v1, v61;
	_ =	sdelay $0x1  }
0x4d7: {  	v3 =	vmul.f32 v1, v62;
	_ =	sdelay $0x1  }
0x4d8: {  	v3 =	vsub.f32 $1.500000000e+00, v3;
	_ =	sdelay $0x1  }
0x4d9: {  	v49 =	vld [tilespmem:$0x1FFB0];
	v1 =	vmul.f32 v1, v3  }
0x4da: {  	v52 =	vld [tilespmem:$0x1FFC0]  }
0x4db: {  	v53 =	vld [tilespmem:$0x1FFD0];
	v3 =	vmul.f32 v1, v61  }
0x4dc: {  	v28 =	vld [tilespmem:$0x1FE70]  }
0x4dd: {  	v29 =	vld [tilespmem:$0x1FE80];
	v3 =	vmul.f32 v3, v1  }
0x4de: {  	v26 =	vld [tilespmem:$0x1FE60]  }
0x4df: {  	v24 =	vld [tilespmem:$0x1FE40];
	v3 =	vsub.f32 $1.500000000e+00, v3  }
0x4e0: {  	v54 =	vld [tilespmem:$0x1FF30]  }
0x4e1: {  	v30 =	vld [tilespmem:$0x1FE90];
	v1 =	vmul.f32 v3, v1  }
0x4e2: {  	v11 =	vld [tilespmem:$0x1FF70]  }
0x4e3: {  	v14 =	vld [tilespmem:$0x1FDC0];
	v2 =	vmul.f32 v1, v61  }
0x4e4: {  	v17 =	vld [tilespmem:$0x1FDF0]  }
0x4e5: {  	v25 =	vld [tilespmem:$0x1FE50];
	v2 =	vmul.f32 v2, v1  }
0x4e6: {  	v22 =	vld [tilespmem:$0x1FE30]  }
0x4e7: {  	v15 =	vld [tilespmem:$0x1FDD0];
	v63 =	vadd.s32 v11, v10;
	v2 =	vsub.f32 $1.500000000e+00, v2  }
0x4e8: {  	p0 =	sne.s32 s23, $0x70;
	v13 =	vld [tilespmem:$0x1FDB0]  }
.Ltmp4:
0x4e9: {  	v18 =	vld [tilespmem:$0x1FE00];
	v1 =	vmul.f32 v2, v1;
	(pc) =	sbr.rel @p0 .LBB2_9-.Ltmp4, $4  }
0x4ea: {  	v16 =	vld [tilespmem:$0x1FDE0]  }
0x4eb: {  	v21 =	vld [tilespmem:$0x1FE20];
	v0 =	vmul.f32 v1, v0  }
0x4ec: {  	v20 =	vld [tilespmem:$0x1FE10];
	[tilespmem:v63+s18+$0x0] =	vst.idx.msk $0xffff, v4  }
0x4ed: {  	s23 =	sadd.s32 $0x10, s23;
	v6 =	vlaneseq.u32;
	v8 =	vld [tilespmem:$0x1FDA0];
	[tilespmem:v10+s18+$0x0] =	vst.idx.msk $0xffff, v0  }
0x4ee: {  	s21 =	sadd.s32 $0x1, s21;
	v23 =	vld [tilespmem:$0x1FEA0]  }
0x4ef: {  	v27 =	vld [tilespmem:$0x1FEB0];
	p0 =	sne.s32 s21, $0x64  }
.Ltmp5:
0x4f0: {  	v40 =	vld [tilespmem:$0x1FEC0];
	(pc) =	sbr.rel @p0 .LBB2_2-.Ltmp5, $4  }
0x4f1: {  	s22 =	smul.u32 $0x9, s22;
	v37 =	vld [tilespmem:$0x1FED0]  }
0x4f2: {  	v38 =	vld [tilespmem:$0x1FEE0]  }
0x4f3: {  	v51 =	vld [tilespmem:$0x1FFE0];
	s22 =	sadd.s32 s6, s22  }
0x4f4: {  	v55 =	vld [tilespmem:$0x1FFF0];
	[hbm4b:s22+s3] =	stream.linear.scatter [tilespmem:s18], [sflag:$0x4], $0x2400, $0x38  }
0x4f5: {  	s20 =	sadd.s32 $0x1, s20  }
0x4f6: {  	_ =	swait.ge [sflag:s19], $0x2400;
	p0 =	sne.s32 s20, s8  }
.Ltmp6:
0x4f7: {  	[sflag:s19] =	ssyncset.done $0x0;
	(pc) =	sbr.rel @p0 .LBB2_1-.Ltmp6, $4  }
0x4f8: {  	[sflag:s19] =	ssyncadd.s32 $0xFFFFDC00  }
0x4f9: {  	_ =	swait.ge [sflag:s17], $0x2400  }
0x4fa: {  	[sflag:s17] =	ssyncset.done $0x0  }
0x4fb: {  	[sflag:s17] =	ssyncadd.s32 $0xFFFFDC00  }
0x4fc: {  	_ =	sfence.sel $0x180000  }
0x4fd: {  	[bflag:$0x0] =	sbarrier.arrive $0xFFFF  }
0x4fe: {  	p0 =	sne.s32 s0, $0x0;
	_ =	strace $0x90000047  }
0x4ff: {  	s0 =	sadd.s32 @!p0 $0x100000, s1;
	[bflag:$0x2] =	sbarrier.arrive $0xFFFF  }
0x500: {  	[sflag:s0] =	ssyncadd.tile.s32 @!p0 $0x1;
	_ =	shalt  }
.Lfunc_end2:
_tile_overlayer_lowered:
.L_overlay_start_2:
0x501: {  	(tag) =	ssettag $0x2  }
0x502: {  	s0 =	rddreg [dreg:$0x0];
	s2 =	stileid.u32  }
0x503: {  	s1 =	rddreg [dreg:$0x1];
	p0 =	sne.s32 s2, $0x0  }
0x504: {  	s3 =	rddreg [dreg:$0x2];
	[bflag:$0x3] =	sbarrier.arrive $0xFFFF;
	s2 =	simm.s32 @!p0 $0x1C05  }
0x505: {  	[timem:s3], [sflag:s2] =	dma.local @!p0 [hbm:s0], s1  }
0x506: {  	s0 =	simm.s32 @!p0 $0x5  }
0x507: {  	_ =	swait.ge @!p0 [sflag:s0], s1  }
0x508: {  	s1 =	ssub.s32 @!p0 $0x0, s1;
	[sflag:s0] =	ssyncset.done @!p0 $0x0  }
0x509: {  	[sflag:s0] =	ssyncadd.s32 @!p0 s1  }
0x50a: {  	[bflag:$0x3] =	sbarrier.arrive $0xFFFF  }
0x50b: {  	_ =	shalt  }

// kernel: sparse-core-data-format-call.cloned.1.call-start
scs
called_computation_lowered:
.L_overlay_start_0:
0x0: {  	s2 =	sld [smem:$0x3FD9]  }
0x1: {  	s3 =	sld [smem:$0x3FFE];
	_ =	sdelay $0x1  }
0x2: {  	s1 =	srdreg.scid  }
0x3: {  	s0 =	sand.u32 $0x1, s1  }
0x4: {  	s18 =	sshll.u32 s0, $0xA;
	s2 =	sadd.s32 s3, s2  }
0x5: {  	s2 =	sadd.s32 s2, s18  }
0x6: {  	[smem:$0x3FC5] =	sst s2  }
0x7: {  	_ = 	snop  }
0x8: {  	s2 =	sld [smem:$0x3FD0];
	(tm) =	ssettm $0x1  }
0x9: {  	s19 =	sld [smem:$0x3FFB];
	_ =	sdelay $0x3  }
0xa: {  	_ =	strace s19  }
0xb: {  	s3 =	sld [smem:$0x3FFC];
	_ =	sdelay $0x3  }
0xc: {  	_ =	strace s3  }
0xd: {  	s3 =	sld [smem:$0x3FFD];
	_ =	sdelay $0x3  }
0xe: {  	_ =	strace s3  }
0xf: {  	_ =	strace $0x8FFFFFFF  }
0x10: {  	s20 =	sld [smem:$0x3FDB];
	_ =	sdelay $0x1  }
0x11: {  	s4 =	simm.s32 $_scs_section_size  }
0x12: {  	s5 =	simm.s32 $_size__tile_overlayer_lowered;
	s6 =	simm.s32 $_tile_overlayer_lowered  }
0x13: {  	s23 =	simm.s32 $0x1BFF;
	s22 =	sshll.u32 s6, $0x1;
	s3 =	sadd.s32 s4, s20  }
0x14: {  	s7 =	simm.s32 $0x0;
	s21 =	sshll.u32 s5, $0x1;
	s5 =	sadd.s32 s22, s3  }
0x15: {  	[timem:s7], [sflag:s23] =	dma.local [hbm:s5], s21  }
0x16: {  	_ =	swait.ge [sflag:s23], s21  }
0x17: {  	s4 =	ssub.s32 $0x0, s21;
	[sflag:s23] =	ssyncset.done $0x0  }
0x18: {  	[sflag:s23] =	ssyncadd.s32 s4;
	_ =	sdelay $0x1  }
0x19: {  	s24 =	simm.s32 $0x1B8B  }
0x1a: {  	_ =	swait.ge [sflag:s24], $0x1  }
0x1b: {  	[sflag:s24] =	ssyncset.done $0x0  }
0x1c: {  	s26 =	simm.s32 $0x1B8E;
	s25 =	sld [smem:$0x3FFE];
	[sflag:s24] =	ssyncadd.s32 $0xFFFFFFFF  }
0x1d: {  	s27 =	simm.s32 $execute0_lowered;
	[smem:$0x3FD2] =	sst s26  }
0x1e: {  	s5 =	sshll.u32 s27, $0x1;
	_ =	strace $0x80000049;
	[dreg:$0x1] =	wrdreg $0xFFFFFFFF  }
0x1f: {  	s28 =	simm.s32 $_size_execute0_lowered;
	s3 =	sadd.s32 s3, s5;
	[dreg:$0x0] =	wrdreg $0x0  }
0x20: {  	s5 =	sshll.u32 s28, $0x1;
	[dreg:$0x2] =	wrdreg s3  }
0x21: {  	[dreg:$0x3] =	wrdreg s5  }
0x22: {  	[dreg:$0x4] =	wrdreg $0xC0  }
0x23: {  	_ =	task [dreg:s7], $0x5FFFF  }
0x24: {  	[dreg:$0x1] =	wrdreg $0xFFFFFFFF  }
0x25: {  	[dreg:$0x0] =	wrdreg $0x60  }
0x26: {  	[dreg:$0x2] =	wrdreg s25  }
0x27: {  	[dreg:$0x3] =	wrdreg s2  }
0x28: {  	[dreg:$0x4] =	wrdreg $0x9  }
0x29: {  	_ =	task.clear_ibuf [dreg:s7], $0x5FFFF;
	_ =	strace $0x90000049  }
0x2a: {  	s29 =	simm.s32 $0x9;
	_ =	strace $0x8000004B  }
0x2b: {  	_ =	swait.ge [sflag:s29], $0x1  }
0x2c: {  	[sflag:s29] =	ssyncadd.s32 $0xFFFFFFFF  }
0x2d: {  	_ =	strace $0x9000004B  }
0x2e: {  	_ =	sfence  }
0x2f: {  	s30 =	sld [smem:$0x0];
	_ =	sdelay $0x2  }
0x30: {  	s31 =	sshll.u32 s1, $0xD;
	s1 =	sshrl.u32 s1, $0x2  }
0x31: {  	s3 =	sand.u32 $0x4000, s31;
	s1 =	sadd.s32 s1, s30  }
0x32: {  	s0 =	sor.u32 s3, s0;
	s1 =	sshll.u32 s1, $0x11  }
0x33: {  	s0 =	sor.u32 s1, s0  }
0x34: {  	s0 =	sadd.s32 $0x8F2B, s0  }
0x35: {  	[sflag:s0] =	ssyncadd.remote.s32 $0x1  }
0x36: {  	_ =	sfence.sel $0xFFFF  }
0x37: {  	[dreg:$0x0] =	wrdreg $0xFFFFFFFF;
	(pc) =	sbr.abs _section_cstart, $3  }
0x38: {  	[dreg:$0x1] =	wrdreg $0xFFFFFFFF  }
0x39: {  	_ =	task.clear_ibuf [dreg:s7], $0x2FFFF;
	_ =	strace $0x9FFFFFFF  }
0x3a: {  	(tm) =	ssettm $0x7FFFFFFF  }
0x3b: {  	_ =	shalt  }
tec
execute0_lowered:
.L_overlay_start_1:
0x0: {  	(tag) =	ssettag $0x1  }
0x1: {  	s0 =	srdreg.scid  }
0x2: {  	s1 =	sshll.u32 s0, $0x4  }
0x3: {  	s6 =	rddreg [dreg:$0x0];
	s0 =	stileid.u32;
	s1 =	sand.u32 $0x10, s1  }
0x4: {  	s3 =	rddreg [dreg:$0x1];
	s1 =	sor.u32 s0, s1  }
0x5: {  	s5 =	simm.s32 $0x1;
	s31 =	simm.s32 $0x2;
	s2 =	sshll.u32 s1, $0x7  }
0x6: {  	s15 =	simm.s32 $0x0;
	s8 =	simm.s32 $0xC8000;
	s4 =	ssub.s32 $0x1000, s2  }
0x7: {  	s14 =	simm.s32 $0x0;
	s9 =	simm.s32 $0x0;
	s30 =	sand.u32 $0xF80, s4  }
0x8: {  	s10 =	simm.s32 $0x0;
	s11 =	simm.s32 $0x0;
	p0 =	sne.s32 s30, $0x0  }
.Ltmp0:
0x9: {  	s7 =	sshrl.u32 s4, $0xC;
	s5 =	simm.s32 @!p0 $0x0;
	(pc) =	sbr.rel .LBB1_1-.Ltmp0, $4  }
0xa: {  	s13 =	simm.s32 $0x0;
	s1 =	rddreg [dreg:$0x2];
	s5 =	sadd.s32 s5, s7  }
0xb: {  	_ =	strace $0x8000004A;
	s4 =	simm.s32 $0x1;
	s5 =	smul.u32 $0xC8, s5  }
0xc: {  	s6 =	sadd.s32 $0x7E5600, s6;
	s12 =	smov.u32 s2;
	[sflag:s4] =	ssyncpa.u1 $0x0  }
0xd: {  	[sflag:s31] =	ssyncpa.u1 $0x0;
	p0 =	por $0x0, $0x0;
	s7 =	sor.u32 $0x1, s5  }
.LBB1_4:
0xe: {  	s20 =	sshra.s32 s20, $0x2;
	s27 =	sshll.u32 s9, $0xC  }
0xf: {  	s21 =	sand.u32 $0x78, s10;
	s22 =	sshll.u32 s10, $0x3;
	s24 =	sshll.u32 s9, $0x7  }
0x10: {  	p1 =	sgt.s32 s9, $0xC7;
	s30 =	sshra.s32 s9, $0x1F;
	s25 =	sshra.s32 s10, $0x1F  }
0x11: {  	s19 =	sadd.s32 s20, s19;
	s20 =	sand.u32 $0xFFFF8000, s27;
	s23 =	sand.u32 $0xFFFFFC00, s22  }
0x12: {  	v5 =	vld [tilespmem:s17+$0xFFFFFFD0];
	[tilespmem:s18+$0x2040 ss:$0x81] =	vst.msk $0xffff, v4;
	s22 =	sand.u32 $0xC00, s22;
	s28 =	sand.u32 $0x380, s24;
	s31 =	sand.u32 s30, s9  }
0x13: {  	v58 =	vld [tilespmem:s17+$0xFFFFFFE0];
	[tilespmem:s18+$0x2850 ss:$0x81] =	vst.msk $0xffff, v3;
	s24 =	smov.u32 s10;
	s25 =	sand.u32 s25, s10;
	s20 =	sadd.s32 s23, s20  }
0x14: {  	v59 =	vld [tilespmem:s17+$0xFFFFFFF0];
	[tilespmem:s18+$0x3060 ss:$0x81] =	vst.msk $0xffff, v2;
	s21 =	sor.u32 s21, s22;
	s22 =	smov.u32 s9;
	s20 =	sshrl.u32 s20, $0xC  }
0x15: {  	v60 =	vld [tilespmem:s17+$0x0];
	[tilespmem:s18+$0x0 ss:$0x81] =	vst.msk $0xffff, v1;
	s22 =	simm.s32 @!p1 $0xC7;
	p1 =	sgt.s32 s10, $0xF80;
	s29 =	smulhi.u32 $0x147AE15, s20  }
0x16: {  	v61 =	vld [tilespmem:s17+$0x10];
	[tilespmem:s19+$0x3870 ss:$0x81] =	vst.msk $0xffff, v0;
	s21 =	sor.u32 s28, s21;
	s18 =	ssub.s32 s22, s31;
	s24 =	simm.s32 @!p1 $0xF80  }
0x17: {  	v62 =	vld [tilespmem:s17+$0x20];
	[tilespmem:s19+$0x810 ss:$0x81] =	vst.msk $0xffff, v5;
	s22 =	ssub.s32 s24, s25;
	s26 =	ssub.s32 $0xC8, s18;
	s23 =	smul.u32 $0xC8, s29  }
0x18: {  	v63 =	vld [tilespmem:s17+$0xFFFFFFC0];
	[tilespmem:s19+$0x1020 ss:$0x81] =	vst.msk $0xffff, v58;
	s27 =	sadd.s32 $0xFFFFFF39, s18;
	s18 =	smul.u32 $0x41, s26;
	s28 =	sadd.s32 $0xFFFFF080, s22  }
0x19: {  	[tilespmem:s19+$0x1830 ss:$0x81] =	vst.msk $0xffff, v59;
	p1 =	sgt.s32 s27, $0x0;
	s17 =	ssub.s32 $0x1000, s22;
	p2 =	sgt.s32 s28, $0x7F  }
0x1a: {  	s30 =	sand.u32 $0x7, s10;
	[tilespmem:s19+$0x2040 ss:$0x81] =	vst.msk $0xffff, v60;
	s18 =	simm.s32 @p1 $0x0;
	s17 =	simm.s32 @p2 $0x0  }
0x1b: {  	[tilespmem:s19+$0x2850 ss:$0x81] =	vst.msk $0xffff, v61;
	s29 =	sshrl.u32 s21, $0x3;
	s20 =	ssub.s32 s20, s23;
	s17 =	smul.u32 s17, s18  }
0x1c: {  	[tilespmem:s19+$0x3060 ss:$0x81] =	vst.msk $0xffff, v62;
	s21 =	sshll.u32 s30, $0x12;
	s20 =	sshll.u32 s20, $0x9;
	s18 =	sadd.s32 s3, s29  }
0x1d: {  	[tilespmem:s19+$0x0 ss:$0x81] =	vst.msk $0xffff, v63;
	s31 =	sor.u32 $0x80, s21;
	s18 =	sadd.s32 s20, s18;
	s17 =	sand.u32 $0x3FFFFFFF, s17  }
0x1e: {  	[hbm4b:s18+s31] =	stream.strided.scatter [tilespmem:s16], [sflag:$0x2], s17, s8, s31, $0x20;
	[tilespmem:$0x10100] =	vst v63  }
.LBB1_5:
0x1f: {  	p1 =	slt.u32 s13, $0x2  }
0x20: {  	s17 =	smov.u32 s15;
	p2 =	sgt.s32 @!p1 s15, $0xC7;
	s16 =	sshra.s32 @!p1 s15, $0x1F  }
0x21: {  	p3 =	sgt.s32 @!p1 s14, $0xF80;
	s18 =	sshra.s32 @!p1 s14, $0x1F;
	p2 =	por !p2, p1  }
0x22: {  	s15 =	sand.u32 @!p1 s16, s15;
	p3 =	por !p3, p1;
	s16 =	smov.u32 s14  }
0x23: {  	s14 =	sand.u32 @!p1 s18, s14;
	s17 =	simm.s32 @p2 $0xC7;
	s16 =	simm.s32 @p3 $0xF80  }
0x24: {  	s18 =	smov.u32 s12;
	s15 =	ssub.s32 @!p1 s17, s15;
	s14 =	ssub.s32 @!p1 s16, s14  }
0x25: {  	s16 =	sadd.s32 @!p1 $0xFFFFFF39, s15;
	s15 =	ssub.s32 @!p1 $0xC8, s15;
	s17 =	sadd.s32 @!p1 $0xFFFFF080, s14  }
0x26: {  	p2 =	sgt.s32 @!p1 s16, $0x0;
	s15 =	smul.u32 @!p1 $0x41, s15;
	p3 =	sgt.s32 @!p1 s17, $0x7F  }
0x27: {  	s14 =	ssub.s32 @!p1 $0x1000, s14;
	p2 =	por !p2, p1;
	p3 =	por !p3, p1  }
0x28: {  	s16 =	sadd.s32 $0x1, s11;
	s15 =	simm.s32 @!p2 $0x0;
	s14 =	simm.s32 @!p3 $0x0  }
0x29: {  	p2 =	sgt.s32 s16, $0xC7;
	s14 =	smul.u32 @!p1 s14, s15;
	s15 =	sadd.s32 $0x1000, s12  }
0x2a: {  	s18 =	smov.u32 @p2 s15  }
0x2b: {  	s16 =	simm.s32 @p2 $0x0;
	p2 =	sgt.s32 s18, $0xFFF  }
0x2c: {  	s18 =	smov.u32 @p2 s2;
	p2 =	sne.s32 s13, s7  }
.Ltmp1:
0x2d: {  	p0 =	por !p0, !p0;
	s17 =	simm.s32 @!p1 $0x2;
	(pc) =	sbr.rel @!p2 .LBB1_6-.Ltmp1, $4  }
0x2e: {  	s15 =	smov.u32 s9;
	s9 =	smov.u32 s11;
	s14 =	sand.u32 @!p1 $0x3FFFFFFF, s14  }
0x2f: {  	s11 =	smov.u32 s16;
	_ =	swait.ge @!p1 [sflag:s17], s14;
	s19 =	ssub.s32 @!p1 $0x0, s14  }
0x30: {  	s14 =	smov.u32 s10;
	s13 =	sadd.s32 $0x1, s13;
	[sflag:s17] =	ssyncset.done @!p1 $0x0  }
0x31: {  	s10 =	smov.u32 s12;
	s12 =	smov.u32 s18;
	[sflag:s17] =	ssyncadd.s32 @!p1 s19  }
.LBB1_1:
0x32: {  	p1 =	sge.u32 s13, s5  }
0x33: {  	s16 =	sand.u32 @!p1 $0x1FFFFFF, s11  }
0x34: {  	s17 =	smulhi.u32 @!p1 $0x147AE15, s16;
	_ =	sdelay $0x1  }
0x35: {  	s17 =	smul.u32 @!p1 $0xC8, s17  }
0x36: {  	s18 =	sxor.u32 @!p1 $0xFFFFFFFF, s13;
	s19 =	smul.u32 @!p1 $0xC80, s12  }
0x37: {  	s31 =	sadd.s32 $0xFFFFFFFF, s13;
	s18 =	sshll.u32 @!p1 s18, $0xE;
	s16 =	ssub.s32 @!p1 s16, s17  }
0x38: {  	s17 =	sand.u32 @!p1 $0x4000, s18;
	s18 =	sadd.s32 @!p1 s6, s19;
	s16 =	sshll.u32 @!p1 s16, $0x4  }
0x39: {  	s19 =	simm.s32 @!p1 $0x6400;
	s16 =	sadd.s32 @!p1 s16, s18;
	s18 =	simm.s32 @!p1 $0x80  }
0x3a: {  	[tilespmem:s17], [sflag:$0x1] =	stream.strided.gather @!p1 [hbm4b:s16+s18], $0x4000, s19, s18, $0x38;
	[tilespmem:$0x10100] =	vst v63  }
0x3b: {  	p1 =	sge.u32 s31, s5  }
.Ltmp2:
0x3c: {  	_ = 	snop;
	(pc) =	sbr.rel @p1 .LBB1_5-.Ltmp2, $1  }
0x3d: {  	_ =	sdelay $0x3  }
0x3e: {  	s16 =	simm.s32 $0x1  }
0x3f: {  	_ =	swait.ge [sflag:s4], $0x4000;
	s16 =	simm.s32 @!p0 $0x0  }
0x40: {  	[sflag:s4] =	ssyncset.done $0x0;
	s17 =	sshll.u32 s16, $0xE  }
0x41: {  	[sflag:s4] =	ssyncadd.s32 $0xFFFFC000;
	s17 =	sor.u32 $0x40, s17  }
0x42: {  	s16 =	smul.u32 $0x10200, s16;
	v0 =	vld [tilespmem:s17+$0x30]  }
0x43: {  	v1 =	vld [tilespmem:s17+$0xFFFFFFD0]  }
0x44: {  	s16 =	sshrl.u32 s16, $0x2;
	v5 =	vld [tilespmem:s17+$0xFFFFFFE0]  }
0x45: {  	v6 =	vld [tilespmem:s17+$0xFFFFFFF0];
	s19 =	sor.u32 $0x8000, s16  }
0x46: {  	s31 =	sand.u32 $0x1, s13;
	v4 =	vld [tilespmem:s17+$0x0];
	s18 =	sadd.s32 $0x0, s19  }
0x47: {  	v3 =	vld [tilespmem:s17+$0x10];
	s16 =	smul.u32 $0x10200, s31;
	[tilespmem:s18+$0x3870 ss:$0x81] =	vst.msk $0xffff, v0  }
0x48: {  	v2 =	vld [tilespmem:s17+$0x20];
	[tilespmem:s18+$0x810 ss:$0x81] =	vst.msk $0xffff, v1  }
0x49: {  	s16 =	sshrl.u32 s16, $0x2;
	v1 =	vld [tilespmem:s17+$0xFFFFFFC0];
	[tilespmem:s18+$0x1020 ss:$0x81] =	vst.msk $0xffff, v5;
	s17 =	sadd.s32 $0x80, s17  }
0x4a: {  	s20 =	simm.s32 $0x4;
	s21 =	simm.s32 $0x8;
	s16 =	sor.u32 $0x8000, s16;
	[tilespmem:s18+$0x1830 ss:$0x81] =	vst.msk $0xffff, v6;
	v0 =	vld [tilespmem:s17+$0x30]  }
.LBB1_3:
0x4b: {  	p1 =	sne.s32 s21, $0x1FC;
	v5 =	vld [tilespmem:s17+$0xFFFFFFD0];
	[tilespmem:s18+$0x2040 ss:$0x81] =	vst.msk $0xffff, v4  }
0x4c: {  	v6 =	vld [tilespmem:s17+$0xFFFFFFE0];
	[tilespmem:s18+$0x2850 ss:$0x81] =	vst.msk $0xffff, v3  }
0x4d: {  	s22 =	sshra.s32 s20, $0x2;
	s20 =	smov.u32 s21;
	v7 =	vld [tilespmem:s17+$0xFFFFFFF0];
	[tilespmem:s18+$0x3060 ss:$0x81] =	vst.msk $0xffff, v2  }
.Ltmp3:
0x4e: {  	v4 =	vld [tilespmem:s17+$0x0];
	[tilespmem:s18+$0x0 ss:$0x81] =	vst.msk $0xffff, v1;
	s18 =	sadd.s32 s22, s19;
	(pc) =	sbr.rel @p1 .LBB1_3-.Ltmp3, $4  }
0x4f: {  	v3 =	vld [tilespmem:s17+$0x10];
	[tilespmem:s18+$0x3870 ss:$0x81] =	vst.msk $0xffff, v0  }
0x50: {  	[tilespmem:s18+$0x810 ss:$0x81] =	vst.msk $0xffff, v5;
	v2 =	vld [tilespmem:s17+$0x20]  }
0x51: {  	v1 =	vld [tilespmem:s17+$0xFFFFFFC0];
	[tilespmem:s18+$0x1020 ss:$0x81] =	vst.msk $0xffff, v6;
	s17 =	sadd.s32 $0x80, s17  }
0x52: {  	s21 =	sadd.s32 $0x4, s21;
	v0 =	vld [tilespmem:s17+$0x30];
	[tilespmem:s18+$0x1830 ss:$0x81] =	vst.msk $0xffff, v7  }
.Ltmp4:
0x53: {  	_ = 	snop;
	(pc) =	sbr.rel .LBB1_4-.Ltmp4, $1  }
0x54: {  	_ =	sdelay $0x3  }
.LBB1_6:
0x55: {  	_ =	sfence.sel $0x180000  }
0x56: {  	s2 =	simm.s32 $0x1;
	[bflag:$0x0] =	sbarrier.arrive $0xFFFF  }
0x57: {  	s31 =	simm.s32 $0x2;
	[sflag:s2] =	ssyncpa.u1 $0x1  }
0x58: {  	[sflag:s31] =	ssyncpa.u1 $0x1  }
0x59: {  	p0 =	sne.s32 s0, $0x0;
	_ =	strace $0x9000004A  }
0x5a: {  	s0 =	sadd.s32 @!p0 $0x100000, s1;
	[bflag:$0x2] =	sbarrier.arrive $0xFFFF  }
0x5b: {  	[sflag:s0] =	ssyncadd.tile.s32 @!p0 $0x1;
	_ =	shalt  }
.Lfunc_end1:
_tile_overlayer_lowered:
.L_overlay_start_2:
0x5c: {  	(tag) =	ssettag $0x2  }
0x5d: {  	s0 =	rddreg [dreg:$0x0];
	s2 =	stileid.u32  }
0x5e: {  	s1 =	rddreg [dreg:$0x1];
	p0 =	sne.s32 s2, $0x0  }
0x5f: {  	s3 =	rddreg [dreg:$0x2];
	[bflag:$0x3] =	sbarrier.arrive $0xFFFF;
	s2 =	simm.s32 @!p0 $0x1C01  }
0x60: {  	[timem:s3], [sflag:s2] =	dma.local @!p0 [hbm:s0], s1  }
0x61: {  	s0 =	simm.s32 @!p0 $0x1  }
0x62: {  	_ =	swait.ge @!p0 [sflag:s0], s1  }
0x63: {  	s1 =	ssub.s32 @!p0 $0x0, s1;
	[sflag:s0] =	ssyncset.done @!p0 $0x0  }
0x64: {  	[sflag:s0] =	ssyncadd.s32 @!p0 s1  }
0x65: {  	[bflag:$0x3] =	sbarrier.arrive $0xFFFF  }
0x66: {  	_ =	shalt  }

</sc_bundles>
